<compile_context>
chip_gen: v7x
topology: tpu7x:2x2x1
jax: 0.10.2.dev20260603
libtpu: 0.0.44.dev20260713+nightly
codegen_flags: <defaults>
</compile_context>

<pallas_src>
import functools

import jax
import jax.numpy as jnp
import numpy as np
from jax import lax
from jax.experimental import pallas as pl
from jax.experimental.pallas import tpu as pltpu
from jax.experimental.pallas import tpu_sc as plsc

T, U, I = 8, 1024, 2048
B = 4096
TOP_K = 50
NW = 32
NQ = 4
BQ = B // NQ
PER_W = BQ // NW
CHUNK = 16
NCHUNK = PER_W // CHUNK

_R = 512
_G = B // _R


def _f32_key(np_val):
    b = np.array(np_val, np.float32).view(np.int32)
    return int(b) if b >= 0 else int(b ^ 0x7FFFFFFF)


_LO_KEY = _f32_key(-1.5)
_HI_KEY = _f32_key(1.5)



_TB = 512


def _tr_body(in_ref, out_ref):
    out_ref[...] = in_ref[0].T


def _transpose_qos(qos):
    return pl.pallas_call(
        _tr_body,
        grid=(T, I // _TB),
        in_specs=[pl.BlockSpec((1, U, _TB), lambda t, ib: (t, 0, ib))],
        out_specs=pl.BlockSpec((_TB, U), lambda t, ib: (t * (I // _TB) + ib, 0)),
        out_shape=jax.ShapeDtypeStruct((T * I, U), jnp.float32),
    )(qos)



def _sc_body(qt, usim, tid, iid, uid, out_col, out_sim,
             tball, iball, uball, rall,
             colb0, colb1, simb0, simb1,
             sgc0, sgc1, sgs0, sgs1, swc0, swc1, sws0, sws1):
    cid = lax.axis_index("c")
    sid = lax.axis_index("s")
    wid = sid * 2 + cid
    w0 = wid * PER_W

    pltpu.sync_copy(tid.at[pl.ds(w0, PER_W)], tball)
    pltpu.sync_copy(iid.at[pl.ds(w0, PER_W)], iball)
    pltpu.sync_copy(uid.at[pl.ds(w0, PER_W)], uball)
    for k in range(PER_W // 16):
        sl = pl.ds(k * 16, 16)
        rall[sl] = tball[sl] * I + iball[sl]

    colb = (colb0, colb1)
    simb = (simb0, simb1)
    sgc = (sgc0, sgc1)
    sgs = (sgs0, sgs1)
    swc = (swc0, swc1)
    sws = (sws0, sws1)

    gc = [None, None]
    gs = [None, None]
    wc = [None, None]
    ws = [None, None]

    for ch in range(NCHUNK):
        s = ch % 2
        if ch >= 2:
            wc[s].wait()
            ws[s].wait()
        isl = pl.ds(ch * CHUNK, CHUNK)
        gc[s] = pltpu.async_copy(qt.at[rall.at[isl]], colb[s], sgc[s])
        gs[s] = pltpu.async_copy(usim.at[uball.at[isl]], simb[s], sgs[s])
        if ch >= 1:
            p = (ch - 1) % 2
            gc[p].wait()
            gs[p].wait()
            b0 = w0 + (ch - 1) * CHUNK
            wc[p] = pltpu.async_copy(colb[p], out_col.at[pl.ds(b0, CHUNK)], swc[p])
            ws[p] = pltpu.async_copy(simb[p], out_sim.at[pl.ds(b0, CHUNK)], sws[p])

    last = NCHUNK - 1
    s = last % 2
    gc[s].wait()
    gs[s].wait()
    b0 = w0 + last * CHUNK
    wc[s] = pltpu.async_copy(colb[s], out_col.at[pl.ds(b0, CHUNK)], swc[s])
    ws[s] = pltpu.async_copy(simb[s], out_sim.at[pl.ds(b0, CHUNK)], sws[s])
    wc[0].wait()
    ws[0].wait()
    wc[1].wait()
    ws[1].wait()


@functools.cache
def _get_sc_gather():
    return pl.kernel(
        _sc_body,
        mesh=plsc.VectorSubcoreMesh(core_axis_name="c", subcore_axis_name="s"),
        out_type=[
            jax.ShapeDtypeStruct((BQ, U), jnp.float32),
            jax.ShapeDtypeStruct((BQ, U), jnp.float32),
        ],
        scratch_types=[
            pltpu.VMEM((PER_W,), jnp.int32),
            pltpu.VMEM((PER_W,), jnp.int32),
            pltpu.VMEM((PER_W,), jnp.int32),
            pltpu.VMEM((PER_W,), jnp.int32),
            pltpu.VMEM((CHUNK, U), jnp.float32),
            pltpu.VMEM((CHUNK, U), jnp.float32),
            pltpu.VMEM((CHUNK, U), jnp.float32),
            pltpu.VMEM((CHUNK, U), jnp.float32),
            pltpu.SemaphoreType.DMA,
            pltpu.SemaphoreType.DMA,
            pltpu.SemaphoreType.DMA,
            pltpu.SemaphoreType.DMA,
            pltpu.SemaphoreType.DMA,
            pltpu.SemaphoreType.DMA,
            pltpu.SemaphoreType.DMA,
            pltpu.SemaphoreType.DMA,
        ],
    )



def _tc_body(tid_ref, uid_ref, col_ref, sim_ref, uavg_ref, out_ref):
    col = col_ref[...]
    sim = sim_ref[...]
    msim = jnp.where(col > 0.0, sim, 0.0)

    kbits = lax.bitcast_convert_type(msim, jnp.int32)
    key = jnp.where(kbits >= 0, kbits, kbits ^ jnp.int32(0x7FFFFFFF))

    tcol = tid_ref[:, 0:1]
    ucol = uid_ref[:, 0:1]

    avgv = jnp.zeros((_R, U), jnp.float32)
    for t in range(T):
        avgv = jnp.where(tcol == t, uavg_ref[t:t + 1, :], avgv)

    def _cnt(m):
        return jnp.sum((key > m).astype(jnp.int32), axis=1, keepdims=True)

    def bs(i, m):
        m2 = m + (jnp.int32(1) << (jnp.int32(30) - i))
        return jnp.where(_cnt(m2) >= TOP_K, m2, m)

    m0 = jnp.full((_R, 1), _LO_KEY, jnp.int32)
    thk = lax.fori_loop(0, 31, bs, m0) + 1

    tbits = jnp.where(thk >= 0, thk, thk ^ jnp.int32(0x7FFFFFFF))
    theta = lax.bitcast_convert_type(tbits, jnp.float32)

    strict = key > thk
    tie = key == thk
    d = col - avgv
    zero = jnp.zeros((), jnp.float32)
    s1 = jnp.sum(jnp.where(strict, msim, zero), axis=1, keepdims=True)
    c = jnp.sum(jnp.where(strict, 1.0, zero), axis=1, keepdims=True)
    nums = jnp.sum(jnp.where(strict, msim * d, zero), axis=1, keepdims=True)
    t2 = jnp.sum(jnp.where(tie, d, zero), axis=1, keepdims=True)
    tcnt = jnp.sum(jnp.where(tie, 1.0, zero), axis=1, keepdims=True)

    rem = jnp.float32(TOP_K) - c
    num = nums + theta * (rem / tcnt) * t2
    den = s1 + theta * rem

    lane = lax.broadcasted_iota(jnp.int32, (_R, U), 1)
    avg_u = jnp.sum(jnp.where(lane == ucol, avgv, zero), axis=1, keepdims=True)

    pred = avg_u + num / (den + 1e-8)
    out_ref[...] = jnp.broadcast_to(pred, (_R, 128))


def _tc_call(tid2, uid2, col, sim, uavg, interpret=False):
    return pl.pallas_call(
        _tc_body,
        grid=(col.shape[0] // _R,),
        in_specs=[
            pl.BlockSpec((_R, 128), lambda g: (g, 0)),
            pl.BlockSpec((_R, 128), lambda g: (g, 0)),
            pl.BlockSpec((_R, U), lambda g: (g, 0)),
            pl.BlockSpec((_R, U), lambda g: (g, 0)),
            pl.BlockSpec((T, U), lambda g: (0, 0)),
        ],
        out_specs=pl.BlockSpec((_R, 128), lambda g: (g, 0)),
        out_shape=jax.ShapeDtypeStruct((col.shape[0], 128), jnp.float32),
        interpret=interpret,
    )(tid2, uid2, col, sim, uavg)


def kernel(qos, user_avg, user_sim_agg, user_id, item_id, time_id):
    qt = _transpose_qos(qos)
    sc = _get_sc_gather()
    tid2 = jnp.broadcast_to(time_id[:, None], (B, 128))
    uid2 = jnp.broadcast_to(user_id[:, None], (B, 128))
    gathered = [sc(qt, user_sim_agg,
                   time_id[q * BQ:(q + 1) * BQ],
                   item_id[q * BQ:(q + 1) * BQ],
                   user_id[q * BQ:(q + 1) * BQ]) for q in range(NQ)]
    preds = [_tc_call(tid2[q * BQ:(q + 1) * BQ], uid2[q * BQ:(q + 1) * BQ],
                      col, sim, user_avg)
             for q, (col, sim) in enumerate(gathered)]
    return jnp.concatenate(preds, axis=0)[:, 0]

# --- scband reference (transcript-rebuilt; emitter-appended) ---
"""Pipeline reference for scband-user-collaborative-filtering-22136261443917 (READ-ONLY COPY).

The authoritative reference and input builder live on the scoring server;
editing this copy changes nothing except your own understanding.
"""

import jax, jax.numpy as jnp
import numpy as np

T, U, I = 8, 1024, 2048
TOP_K = 50
B = 4096


def _pearson(mat):
    # PearsonCorrleationCoefficent: row-wise Pearson correlation between users
    mean = jnp.mean(mat, axis=1, keepdims=True)
    c = mat - mean
    cov = c @ c.T
    d = jnp.sqrt(jnp.maximum(jnp.diag(cov), 0.0))
    sim = cov / (d[:, None] * d[None, :] + 1e-8)
    return jnp.nan_to_num(sim)


def _precompute(qos):
    # replicates __init__: per-time user averages + time-aggregated weighted PCC similarity
    log_k = jnp.log(jnp.asarray(T + 1, dtype=jnp.float32))
    weighted_sum = jnp.zeros((U, U), dtype=jnp.float32)
    sum_p = jnp.zeros((U, U), dtype=jnp.float32)
    user_avg = []
    for t in range(T):
        mat = qos[t]
        cnt = jnp.maximum((mat > 0).sum(axis=1).astype(jnp.float32), 1.0)
        user_avg.append(mat.sum(axis=1) / cnt)
        mask = (mat > 0).astype(jnp.float32)
        common = mask @ mask.T
        nnz = mask.sum(axis=1)
        w = jnp.nan_to_num(2.0 * common / (nnz[:, None] + nnz[None, :] + 1e-8))
        sim_t = _pearson(mat)
        p_t = jnp.nan_to_num(common / log_k)
        weighted_sum = weighted_sum + p_t * (w * sim_t)
        sum_p = sum_p + p_t
    agg = jnp.nan_to_num(weighted_sum / (sum_p + 1e-8))
    return jnp.stack(user_avg, axis=0), agg


def setup_inputs(seed: int = 0):
    key = jax.random.key(seed)
    k1, k2, k3, k4, k5 = jax.random.split(key, 5)
    vals = jax.random.uniform(k1, (T, U, I), dtype=jnp.float32)
    keep = (jax.random.uniform(k2, (T, U, I)) < 0.7).astype(jnp.float32)
    qos = vals * keep  # sparse nonnegative QoS observations
    user_avg, user_sim_agg = _precompute(qos)
    user_id = jax.random.randint(k3, (B,), 0, U, dtype=jnp.int32)
    item_id = jax.random.randint(k4, (B,), 0, I, dtype=jnp.int32)
    time_id = jax.random.randint(k5, (B,), 0, T, dtype=jnp.int32)
    return {"qos": qos, "user_avg": user_avg, "user_sim_agg": user_sim_agg,
            "user_id": user_id, "item_id": item_id, "time_id": time_id}


def reference(qos, user_avg, user_sim_agg, user_id, item_id, time_id):
    num_users = qos.shape[1]
    avg_u = user_avg[time_id, user_id]                      # [B]
    sim_u = user_sim_agg[user_id]                           # [B, U] gather
    # torch.gather(R_t, 2, item_id...) == column item_id of qos[time_id] per batch
    item_col = qos[time_id[:, None], jnp.arange(num_users)[None, :], item_id[:, None]]  # [B, U]
    item_rated = item_col > 0
    sim_u = jnp.where(item_rated, sim_u, jnp.zeros_like(sim_u))
    top_sim, top_user = jax.lax.top_k(sim_u, TOP_K)         # [B, K]
    top_sim = top_sim / (top_sim.sum(axis=1, keepdims=True) + 1e-8)
    top_sim = jnp.nan_to_num(top_sim)
    # flat_idx gather == qos[time, top_user, item]
    r_vs = qos[time_id[:, None], top_user, item_id[:, None]]   # [B, K]
    avg_v = user_avg[time_id[:, None], top_user]               # [B, K]
    pred = avg_u + (top_sim * (r_vs - avg_v)).sum(axis=1)
    return pred

if __name__ == "__main__":
    import jax
    _d = setup_inputs()
    print(jax.jit(kernel)(*tuple(_d.values())))

</pallas_src>

<mosaic_0001>
#map = affine_map<(d0, d1) -> (0, 0)>
#map1 = affine_map<(d0, d1) -> (0)>
module attributes {stable_mosaic.version = 14 : i64} {
  func.func @_sc_body(%arg0: i32, %arg1: i32, %arg2: memref<16384x1024xf32, #tpu.memory_space<hbm>>, %arg3: memref<1024x1024xf32, #tpu.memory_space<hbm>>, %arg4: memref<1024xi32, #tpu.memory_space<hbm>>, %arg5: memref<1024xi32, #tpu.memory_space<hbm>>, %arg6: memref<1024xi32, #tpu.memory_space<hbm>>, %arg7: memref<1024x1024xf32, #tpu.memory_space<hbm>>, %arg8: memref<1024x1024xf32, #tpu.memory_space<hbm>>, %arg9: memref<32xi32, #tpu.memory_space<vmem>>, %arg10: memref<32xi32, #tpu.memory_space<vmem>>, %arg11: memref<32xi32, #tpu.memory_space<vmem>>, %arg12: memref<32xi32, #tpu.memory_space<vmem>>, %arg13: memref<16x1024xf32, #tpu.memory_space<vmem>>, %arg14: memref<16x1024xf32, #tpu.memory_space<vmem>>, %arg15: memref<16x1024xf32, #tpu.memory_space<vmem>>, %arg16: memref<16x1024xf32, #tpu.memory_space<vmem>>, %arg17: memref<!tpu.dma_semaphore, #tpu.memory_space<semaphore_mem>>, %arg18: memref<!tpu.dma_semaphore, #tpu.memory_space<semaphore_mem>>, %arg19: memref<!tpu.dma_semaphore, #tpu.memory_space<semaphore_mem>>, %arg20: memref<!tpu.dma_semaphore, #tpu.memory_space<semaphore_mem>>, %arg21: memref<!tpu.dma_semaphore, #tpu.memory_space<semaphore_mem>>, %arg22: memref<!tpu.dma_semaphore, #tpu.memory_space<semaphore_mem>>, %arg23: memref<!tpu.dma_semaphore, #tpu.memory_space<semaphore_mem>>, %arg24: memref<!tpu.dma_semaphore, #tpu.memory_space<semaphore_mem>>) attributes {dimension_semantics = [#tpu.dimension_semantics<core_parallel>, #tpu.dimension_semantics<subcore_parallel>], iteration_bounds = array<i64: 2, 16>, scalar_prefetch = 0 : i64, scratch_operands = 16 : i64, tpu.core_type = #tpu.core_type<sc_vector_subcore>, window_params = [{transform_indices = #map}, {transform_indices = #map}, {transform_indices = #map1}, {transform_indices = #map1}, {transform_indices = #map1}, {transform_indices = #map}, {transform_indices = #map}]} {
    %mul3A = arith.constant 2 : i32
    %mul3A_0 = arith.muli %arg1, %mul3A : i32
    %add3A = arith.addi %mul3A_0, %arg0 : i32
    %mul3A_1 = arith.constant 32 : i32
    %mul3A_2 = arith.muli %add3A, %mul3A_1 : i32
    "tpu.region"() ({
      %run_scoped3A = tpu.sem_alloc : memref<!tpu.dma_semaphore, #tpu.memory_space<semaphore_mem>>
      %dma_start3A_103 = tpu.memref_slice %arg4[%mul3A_2] : memref<1024xi32, #tpu.memory_space<hbm>> -> memref<32xi32, #tpu.memory_space<hbm>>
      %dma_start3A_104 = tpu.memref_slice %arg4[%mul3A_2] : memref<1024xi32, #tpu.memory_space<hbm>> -> memref<32xi32, #tpu.memory_space<hbm>>
      tpu.enqueue_dma source(%dma_start3A_104 : memref<32xi32, #tpu.memory_space<hbm>>) target(%arg9 : memref<32xi32, #tpu.memory_space<vmem>>) target_semaphore(%run_scoped3A : memref<!tpu.dma_semaphore, #tpu.memory_space<semaphore_mem>>)
      %dma_wait3A_105 = tpu.memref_slice %arg4[%mul3A_2] : memref<1024xi32, #tpu.memory_space<hbm>> -> memref<32xi32, #tpu.memory_space<hbm>>
      %dma_wait3A_106 = tpu.memref_slice %arg4[%mul3A_2] : memref<1024xi32, #tpu.memory_space<hbm>> -> memref<32xi32, #tpu.memory_space<hbm>>
      tpu.wait_dma2 semaphore(%run_scoped3A : memref<!tpu.dma_semaphore, #tpu.memory_space<semaphore_mem>>) src(%dma_wait3A_106 : memref<32xi32, #tpu.memory_space<hbm>>) dst(%arg9 : memref<32xi32, #tpu.memory_space<vmem>>)
      tpu.yield
    }) : () -> ()
    "tpu.region"() ({
      %run_scoped3A = tpu.sem_alloc : memref<!tpu.dma_semaphore, #tpu.memory_space<semaphore_mem>>
      %dma_start3A_103 = tpu.memref_slice %arg5[%mul3A_2] : memref<1024xi32, #tpu.memory_space<hbm>> -> memref<32xi32, #tpu.memory_space<hbm>>
      %dma_start3A_104 = tpu.memref_slice %arg5[%mul3A_2] : memref<1024xi32, #tpu.memory_space<hbm>> -> memref<32xi32, #tpu.memory_space<hbm>>
      tpu.enqueue_dma source(%dma_start3A_104 : memref<32xi32, #tpu.memory_space<hbm>>) target(%arg10 : memref<32xi32, #tpu.memory_space<vmem>>) target_semaphore(%run_scoped3A : memref<!tpu.dma_semaphore, #tpu.memory_space<semaphore_mem>>)
      %dma_wait3A_105 = tpu.memref_slice %arg5[%mul3A_2] : memref<1024xi32, #tpu.memory_space<hbm>> -> memref<32xi32, #tpu.memory_space<hbm>>
      %dma_wait3A_106 = tpu.memref_slice %arg5[%mul3A_2] : memref<1024xi32, #tpu.memory_space<hbm>> -> memref<32xi32, #tpu.memory_space<hbm>>
      tpu.wait_dma2 semaphore(%run_scoped3A : memref<!tpu.dma_semaphore, #tpu.memory_space<semaphore_mem>>) src(%dma_wait3A_106 : memref<32xi32, #tpu.memory_space<hbm>>) dst(%arg10 : memref<32xi32, #tpu.memory_space<vmem>>)
      tpu.yield
    }) : () -> ()
    "tpu.region"() ({
      %run_scoped3A = tpu.sem_alloc : memref<!tpu.dma_semaphore, #tpu.memory_space<semaphore_mem>>
      %dma_start3A_103 = tpu.memref_slice %arg6[%mul3A_2] : memref<1024xi32, #tpu.memory_space<hbm>> -> memref<32xi32, #tpu.memory_space<hbm>>
      %dma_start3A_104 = tpu.memref_slice %arg6[%mul3A_2] : memref<1024xi32, #tpu.memory_space<hbm>> -> memref<32xi32, #tpu.memory_space<hbm>>
      tpu.enqueue_dma source(%dma_start3A_104 : memref<32xi32, #tpu.memory_space<hbm>>) target(%arg11 : memref<32xi32, #tpu.memory_space<vmem>>) target_semaphore(%run_scoped3A : memref<!tpu.dma_semaphore, #tpu.memory_space<semaphore_mem>>)
      %dma_wait3A_105 = tpu.memref_slice %arg6[%mul3A_2] : memref<1024xi32, #tpu.memory_space<hbm>> -> memref<32xi32, #tpu.memory_space<hbm>>
      %dma_wait3A_106 = tpu.memref_slice %arg6[%mul3A_2] : memref<1024xi32, #tpu.memory_space<hbm>> -> memref<32xi32, #tpu.memory_space<hbm>>
      tpu.wait_dma2 semaphore(%run_scoped3A : memref<!tpu.dma_semaphore, #tpu.memory_space<semaphore_mem>>) src(%dma_wait3A_106 : memref<32xi32, #tpu.memory_space<hbm>>) dst(%arg11 : memref<32xi32, #tpu.memory_space<vmem>>)
      tpu.yield
    }) : () -> ()
    %get3A = arith.constant 0 : index
    %get3A_3 = tpu.vector_load %arg9[%get3A] {strides = array<i32>} : memref<32xi32, #tpu.memory_space<vmem>>, vector<16xi32>,
    %get3A_4 = vector.shape_cast %get3A_3 : vector<16xi32> to vector<16xi32>
    %mul3A_5 = arith.constant 2048 : i32
    %mul3A_6 = vector.broadcast %mul3A_5 : i32 to vector<16xi32>
    %mul3A_7 = arith.muli %get3A_4, %mul3A_6 : vector<16xi32>
    %get3A_8 = arith.constant 0 : index
    %get3A_9 = tpu.vector_load %arg10[%get3A_8] {strides = array<i32>} : memref<32xi32, #tpu.memory_space<vmem>>, vector<16xi32>,
    %get3A_10 = vector.shape_cast %get3A_9 : vector<16xi32> to vector<16xi32>
    %add3A_11 = arith.addi %mul3A_7, %get3A_10 : vector<16xi32>
    %swap3A = arith.constant 0 : index
    %swap3A_12 = tpu.vector_load %arg12[%swap3A] {strides = array<i32>} : memref<32xi32, #tpu.memory_space<vmem>>, vector<16xi32>,
    %swap3A_13 = vector.shape_cast %swap3A_12 : vector<16xi32> to vector<16xi32>
    %swap3A_14 = vector.shape_cast %add3A_11 : vector<16xi32> to vector<16xi32>
    tpu.vector_store %arg12[%swap3A], %swap3A_14 {strides = array<i32>} : memref<32xi32, #tpu.memory_space<vmem>>, vector<16xi32>,
    %get3A_15 = arith.constant 16 : index
    %get3A_16 = tpu.vector_load %arg9[%get3A_15] {strides = array<i32>} : memref<32xi32, #tpu.memory_space<vmem>>, vector<16xi32>,
    %get3A_17 = vector.shape_cast %get3A_16 : vector<16xi32> to vector<16xi32>
    %mul3A_18 = arith.constant 2048 : i32
    %mul3A_19 = vector.broadcast %mul3A_18 : i32 to vector<16xi32>
    %mul3A_20 = arith.muli %get3A_17, %mul3A_19 : vector<16xi32>
    %get3A_21 = arith.constant 16 : index
    %get3A_22 = tpu.vector_load %arg10[%get3A_21] {strides = array<i32>} : memref<32xi32, #tpu.memory_space<vmem>>, vector<16xi32>,
    %get3A_23 = vector.shape_cast %get3A_22 : vector<16xi32> to vector<16xi32>
    %add3A_24 = arith.addi %mul3A_20, %get3A_23 : vector<16xi32>
    %swap3A_25 = arith.constant 16 : index
    %swap3A_26 = tpu.vector_load %arg12[%swap3A_25] {strides = array<i32>} : memref<32xi32, #tpu.memory_space<vmem>>, vector<16xi32>,
    %swap3A_27 = vector.shape_cast %swap3A_26 : vector<16xi32> to vector<16xi32>
    %swap3A_28 = vector.shape_cast %add3A_24 : vector<16xi32> to vector<16xi32>
    tpu.vector_store %arg12[%swap3A_25], %swap3A_28 {strides = array<i32>} : memref<32xi32, #tpu.memory_space<vmem>>, vector<16xi32>,
    %dma_start3A = arith.constant 0 : i32
    %dma_start3A_29 = tpu.memref_slice %arg12[%dma_start3A] : memref<32xi32, #tpu.memory_space<vmem>> -> memref<16xi32, #tpu.memory_space<vmem>>
    %dma_start3A_30 = arith.constant 0 : i32
    %dma_start3A_31 = arith.constant 0 : i32
    %dma_start3A_32 = tpu.memref_slice %arg2[%dma_start3A_30, %dma_start3A_31] : memref<16384x1024xf32, #tpu.memory_space<hbm>> -> memref<16384x1024xf32, #tpu.memory_space<hbm>>
    tpu.enqueue_indirect_dma source(%dma_start3A_32 : memref<16384x1024xf32, #tpu.memory_space<hbm>>) target(%arg13 : memref<16x1024xf32, #tpu.memory_space<vmem>>) offsets(%dma_start3A_29 : memref<16xi32, #tpu.memory_space<vmem>>) semaphore(%arg17 : memref<!tpu.dma_semaphore, #tpu.memory_space<semaphore_mem>>)
    %dma_start3A_33 = arith.constant 0 : i32
    %dma_start3A_34 = tpu.memref_slice %arg11[%dma_start3A_33] : memref<32xi32, #tpu.memory_space<vmem>> -> memref<16xi32, #tpu.memory_space<vmem>>
    %dma_start3A_35 = arith.constant 0 : i32
    %dma_start3A_36 = arith.constant 0 : i32
    %dma_start3A_37 = tpu.memref_slice %arg3[%dma_start3A_35, %dma_start3A_36] : memref<1024x1024xf32, #tpu.memory_space<hbm>> -> memref<1024x1024xf32, #tpu.memory_space<hbm>>
    tpu.enqueue_indirect_dma source(%dma_start3A_37 : memref<1024x1024xf32, #tpu.memory_space<hbm>>) target(%arg15 : memref<16x1024xf32, #tpu.memory_space<vmem>>) offsets(%dma_start3A_34 : memref<16xi32, #tpu.memory_space<vmem>>) semaphore(%arg19 : memref<!tpu.dma_semaphore, #tpu.memory_space<semaphore_mem>>)
    %dma_start3A_38 = arith.constant 16 : i32
    %dma_start3A_39 = tpu.memref_slice %arg12[%dma_start3A_38] : memref<32xi32, #tpu.memory_space<vmem>> -> memref<16xi32, #tpu.memory_space<vmem>>
    %dma_start3A_40 = arith.constant 0 : i32
    %dma_start3A_41 = arith.constant 0 : i32
    %dma_start3A_42 = tpu.memref_slice %arg2[%dma_start3A_40, %dma_start3A_41] : memref<16384x1024xf32, #tpu.memory_space<hbm>> -> memref<16384x1024xf32, #tpu.memory_space<hbm>>
    tpu.enqueue_indirect_dma source(%dma_start3A_42 : memref<16384x1024xf32, #tpu.memory_space<hbm>>) target(%arg14 : memref<16x1024xf32, #tpu.memory_space<vmem>>) offsets(%dma_start3A_39 : memref<16xi32, #tpu.memory_space<vmem>>) semaphore(%arg18 : memref<!tpu.dma_semaphore, #tpu.memory_space<semaphore_mem>>)
    %dma_start3A_43 = arith.constant 16 : i32
    %dma_start3A_44 = tpu.memref_slice %arg11[%dma_start3A_43] : memref<32xi32, #tpu.memory_space<vmem>> -> memref<16xi32, #tpu.memory_space<vmem>>
    %dma_start3A_45 = arith.constant 0 : i32
    %dma_start3A_46 = arith.constant 0 : i32
    %dma_start3A_47 = tpu.memref_slice %arg3[%dma_start3A_45, %dma_start3A_46] : memref<1024x1024xf32, #tpu.memory_space<hbm>> -> memref<1024x1024xf32, #tpu.memory_space<hbm>>
    tpu.enqueue_indirect_dma source(%dma_start3A_47 : memref<1024x1024xf32, #tpu.memory_space<hbm>>) target(%arg16 : memref<16x1024xf32, #tpu.memory_space<vmem>>) offsets(%dma_start3A_44 : memref<16xi32, #tpu.memory_space<vmem>>) semaphore(%arg20 : memref<!tpu.dma_semaphore, #tpu.memory_space<semaphore_mem>>)
    %dma_wait3A = arith.constant 0 : i32
    %dma_wait3A_48 = tpu.memref_slice %arg12[%dma_wait3A] : memref<32xi32, #tpu.memory_space<vmem>> -> memref<16xi32, #tpu.memory_space<vmem>>
    %dma_wait3A_49 = arith.constant 0 : i32
    %dma_wait3A_50 = arith.constant 0 : i32
    %dma_wait3A_51 = tpu.memref_slice %arg2[%dma_wait3A_49, %dma_wait3A_50] : memref<16384x1024xf32, #tpu.memory_space<hbm>> -> memref<16384x1024xf32, #tpu.memory_space<hbm>>
    tpu.wait_indirect_dma semaphore(%arg17 : memref<!tpu.dma_semaphore, #tpu.memory_space<semaphore_mem>>) src(%dma_wait3A_51 : memref<16384x1024xf32, #tpu.memory_space<hbm>>) dst(%arg13 : memref<16x1024xf32, #tpu.memory_space<vmem>>)
    %dma_wait3A_52 = arith.constant 0 : i32
    %dma_wait3A_53 = tpu.memref_slice %arg11[%dma_wait3A_52] : memref<32xi32, #tpu.memory_space<vmem>> -> memref<16xi32, #tpu.memory_space<vmem>>
    %dma_wait3A_54 = arith.constant 0 : i32
    %dma_wait3A_55 = arith.constant 0 : i32
    %dma_wait3A_56 = tpu.memref_slice %arg3[%dma_wait3A_54, %dma_wait3A_55] : memref<1024x1024xf32, #tpu.memory_space<hbm>> -> memref<1024x1024xf32, #tpu.memory_space<hbm>>
    tpu.wait_indirect_dma semaphore(%arg19 : memref<!tpu.dma_semaphore, #tpu.memory_space<semaphore_mem>>) src(%dma_wait3A_56 : memref<1024x1024xf32, #tpu.memory_space<hbm>>) dst(%arg15 : memref<16x1024xf32, #tpu.memory_space<vmem>>)
    %add3A_57 = arith.constant 0 : i32
    %add3A_58 = arith.addi %mul3A_2, %add3A_57 : i32
    %dma_start3A_59 = arith.constant 0 : i32
    %dma_start3A_60 = tpu.memref_slice %arg7[%add3A_58, %dma_start3A_59] : memref<1024x1024xf32, #tpu.memory_space<hbm>> -> memref<16x1024xf32, #tpu.memory_space<hbm>>
    %dma_start3A_61 = arith.constant 0 : i32
    %dma_start3A_62 = tpu.memref_slice %arg7[%add3A_58, %dma_start3A_61] : memref<1024x1024xf32, #tpu.memory_space<hbm>> -> memref<16x1024xf32, #tpu.memory_space<hbm>>
    tpu.enqueue_dma source(%arg13 : memref<16x1024xf32, #tpu.memory_space<vmem>>) target(%dma_start3A_62 : memref<16x1024xf32, #tpu.memory_space<hbm>>) target_semaphore(%arg21 : memref<!tpu.dma_semaphore, #tpu.memory_space<semaphore_mem>>)
    %dma_start3A_63 = arith.constant 0 : i32
    %dma_start3A_64 = tpu.memref_slice %arg8[%add3A_58, %dma_start3A_63] : memref<1024x1024xf32, #tpu.memory_space<hbm>> -> memref<16x1024xf32, #tpu.memory_space<hbm>>
    %dma_start3A_65 = arith.constant 0 : i32
    %dma_start3A_66 = tpu.memref_slice %arg8[%add3A_58, %dma_start3A_65] : memref<1024x1024xf32, #tpu.memory_space<hbm>> -> memref<16x1024xf32, #tpu.memory_space<hbm>>
    tpu.enqueue_dma source(%arg15 : memref<16x1024xf32, #tpu.memory_space<vmem>>) target(%dma_start3A_66 : memref<16x1024xf32, #tpu.memory_space<hbm>>) target_semaphore(%arg23 : memref<!tpu.dma_semaphore, #tpu.memory_space<semaphore_mem>>)
    %dma_wait3A_67 = arith.constant 16 : i32
    %dma_wait3A_68 = tpu.memref_slice %arg12[%dma_wait3A_67] : memref<32xi32, #tpu.memory_space<vmem>> -> memref<16xi32, #tpu.memory_space<vmem>>
    %dma_wait3A_69 = arith.constant 0 : i32
    %dma_wait3A_70 = arith.constant 0 : i32
    %dma_wait3A_71 = tpu.memref_slice %arg2[%dma_wait3A_69, %dma_wait3A_70] : memref<16384x1024xf32, #tpu.memory_space<hbm>> -> memref<16384x1024xf32, #tpu.memory_space<hbm>>
    tpu.wait_indirect_dma semaphore(%arg18 : memref<!tpu.dma_semaphore, #tpu.memory_space<semaphore_mem>>) src(%dma_wait3A_71 : memref<16384x1024xf32, #tpu.memory_space<hbm>>) dst(%arg14 : memref<16x1024xf32, #tpu.memory_space<vmem>>)
    %dma_wait3A_72 = arith.constant 16 : i32
    %dma_wait3A_73 = tpu.memref_slice %arg11[%dma_wait3A_72] : memref<32xi32, #tpu.memory_space<vmem>> -> memref<16xi32, #tpu.memory_space<vmem>>
    %dma_wait3A_74 = arith.constant 0 : i32
    %dma_wait3A_75 = arith.constant 0 : i32
    %dma_wait3A_76 = tpu.memref_slice %arg3[%dma_wait3A_74, %dma_wait3A_75] : memref<1024x1024xf32, #tpu.memory_space<hbm>> -> memref<1024x1024xf32, #tpu.memory_space<hbm>>
    tpu.wait_indirect_dma semaphore(%arg20 : memref<!tpu.dma_semaphore, #tpu.memory_space<semaphore_mem>>) src(%dma_wait3A_76 : memref<1024x1024xf32, #tpu.memory_space<hbm>>) dst(%arg16 : memref<16x1024xf32, #tpu.memory_space<vmem>>)
    %add3A_77 = arith.constant 16 : i32
    %add3A_78 = arith.addi %mul3A_2, %add3A_77 : i32
    %dma_start3A_79 = arith.constant 0 : i32
    %dma_start3A_80 = tpu.memref_slice %arg7[%add3A_78, %dma_start3A_79] : memref<1024x1024xf32, #tpu.memory_space<hbm>> -> memref<16x1024xf32, #tpu.memory_space<hbm>>
    %dma_start3A_81 = arith.constant 0 : i32
    %dma_start3A_82 = tpu.memref_slice %arg7[%add3A_78, %dma_start3A_81] : memref<1024x1024xf32, #tpu.memory_space<hbm>> -> memref<16x1024xf32, #tpu.memory_space<hbm>>
    tpu.enqueue_dma source(%arg14 : memref<16x1024xf32, #tpu.memory_space<vmem>>) target(%dma_start3A_82 : memref<16x1024xf32, #tpu.memory_space<hbm>>) target_semaphore(%arg22 : memref<!tpu.dma_semaphore, #tpu.memory_space<semaphore_mem>>)
    %dma_start3A_83 = arith.constant 0 : i32
    %dma_start3A_84 = tpu.memref_slice %arg8[%add3A_78, %dma_start3A_83] : memref<1024x1024xf32, #tpu.memory_space<hbm>> -> memref<16x1024xf32, #tpu.memory_space<hbm>>
    %dma_start3A_85 = arith.constant 0 : i32
    %dma_start3A_86 = tpu.memref_slice %arg8[%add3A_78, %dma_start3A_85] : memref<1024x1024xf32, #tpu.memory_space<hbm>> -> memref<16x1024xf32, #tpu.memory_space<hbm>>
    tpu.enqueue_dma source(%arg16 : memref<16x1024xf32, #tpu.memory_space<vmem>>) target(%dma_start3A_86 : memref<16x1024xf32, #tpu.memory_space<hbm>>) target_semaphore(%arg24 : memref<!tpu.dma_semaphore, #tpu.memory_space<semaphore_mem>>)
    %dma_wait3A_87 = arith.constant 0 : i32
    %dma_wait3A_88 = tpu.memref_slice %arg7[%add3A_58, %dma_wait3A_87] : memref<1024x1024xf32, #tpu.memory_space<hbm>> -> memref<16x1024xf32, #tpu.memory_space<hbm>>
    %dma_wait3A_89 = arith.constant 0 : i32
    %dma_wait3A_90 = tpu.memref_slice %arg7[%add3A_58, %dma_wait3A_89] : memref<1024x1024xf32, #tpu.memory_space<hbm>> -> memref<16x1024xf32, #tpu.memory_space<hbm>>
    tpu.wait_dma2 semaphore(%arg21 : memref<!tpu.dma_semaphore, #tpu.memory_space<semaphore_mem>>) src(%arg13 : memref<16x1024xf32, #tpu.memory_space<vmem>>) dst(%dma_wait3A_90 : memref<16x1024xf32, #tpu.memory_space<hbm>>)
    %dma_wait3A_91 = arith.constant 0 : i32
    %dma_wait3A_92 = tpu.memref_slice %arg8[%add3A_58, %dma_wait3A_91] : memref<1024x1024xf32, #tpu.memory_space<hbm>> -> memref<16x1024xf32, #tpu.memory_space<hbm>>
    %dma_wait3A_93 = arith.constant 0 : i32
    %dma_wait3A_94 = tpu.memref_slice %arg8[%add3A_58, %dma_wait3A_93] : memref<1024x1024xf32, #tpu.memory_space<hbm>> -> memref<16x1024xf32, #tpu.memory_space<hbm>>
    tpu.wait_dma2 semaphore(%arg23 : memref<!tpu.dma_semaphore, #tpu.memory_space<semaphore_mem>>) src(%arg15 : memref<16x1024xf32, #tpu.memory_space<vmem>>) dst(%dma_wait3A_94 : memref<16x1024xf32, #tpu.memory_space<hbm>>)
    %dma_wait3A_95 = arith.constant 0 : i32
    %dma_wait3A_96 = tpu.memref_slice %arg7[%add3A_78, %dma_wait3A_95] : memref<1024x1024xf32, #tpu.memory_space<hbm>> -> memref<16x1024xf32, #tpu.memory_space<hbm>>
    %dma_wait3A_97 = arith.constant 0 : i32
    %dma_wait3A_98 = tpu.memref_slice %arg7[%add3A_78, %dma_wait3A_97] : memref<1024x1024xf32, #tpu.memory_space<hbm>> -> memref<16x1024xf32, #tpu.memory_space<hbm>>
    tpu.wait_dma2 semaphore(%arg22 : memref<!tpu.dma_semaphore, #tpu.memory_space<semaphore_mem>>) src(%arg14 : memref<16x1024xf32, #tpu.memory_space<vmem>>) dst(%dma_wait3A_98 : memref<16x1024xf32, #tpu.memory_space<hbm>>)
    %dma_wait3A_99 = arith.constant 0 : i32
    %dma_wait3A_100 = tpu.memref_slice %arg8[%add3A_78, %dma_wait3A_99] : memref<1024x1024xf32, #tpu.memory_space<hbm>> -> memref<16x1024xf32, #tpu.memory_space<hbm>>
    %dma_wait3A_101 = arith.constant 0 : i32
    %dma_wait3A_102 = tpu.memref_slice %arg8[%add3A_78, %dma_wait3A_101] : memref<1024x1024xf32, #tpu.memory_space<hbm>> -> memref<16x1024xf32, #tpu.memory_space<hbm>>
    tpu.wait_dma2 semaphore(%arg24 : memref<!tpu.dma_semaphore, #tpu.memory_space<semaphore_mem>>) src(%arg16 : memref<16x1024xf32, #tpu.memory_space<vmem>>) dst(%dma_wait3A_102 : memref<16x1024xf32, #tpu.memory_space<hbm>>)
    return
  }
}

#map = affine_map<(d0, d1) -> (0, 0)>
#map1 = affine_map<(d0, d1) -> (0)>
module attributes {stable_mosaic.version = 14 : i64} {
  func.func @_sc_body(%arg0: i32, %arg1: i32, %arg2: memref<16384x1024xf32, #tpu.memory_space<hbm>>, %arg3: memref<1024x1024xf32, #tpu.memory_space<hbm>>, %arg4: memref<1024xi32, #tpu.memory_space<hbm>>, %arg5: memref<1024xi32, #tpu.memory_space<hbm>>, %arg6: memref<1024xi32, #tpu.memory_space<hbm>>, %arg7: memref<1024x1024xf32, #tpu.memory_space<hbm>>, %arg8: memref<1024x1024xf32, #tpu.memory_space<hbm>>, %arg9: memref<32xi32, #tpu.memory_space<vmem>>, %arg10: memref<32xi32, #tpu.memory_space<vmem>>, %arg11: memref<32xi32, #tpu.memory_space<vmem>>, %arg12: memref<32xi32, #tpu.memory_space<vmem>>, %arg13: memref<16x1024xf32, #tpu.memory_space<vmem>>, %arg14: memref<16x1024xf32, #tpu.memory_space<vmem>>, %arg15: memref<16x1024xf32, #tpu.memory_space<vmem>>, %arg16: memref<16x1024xf32, #tpu.memory_space<vmem>>, %arg17: memref<!tpu.dma_semaphore, #tpu.memory_space<semaphore_mem>>, %arg18: memref<!tpu.dma_semaphore, #tpu.memory_space<semaphore_mem>>, %arg19: memref<!tpu.dma_semaphore, #tpu.memory_space<semaphore_mem>>, %arg20: memref<!tpu.dma_semaphore, #tpu.memory_space<semaphore_mem>>, %arg21: memref<!tpu.dma_semaphore, #tpu.memory_space<semaphore_mem>>, %arg22: memref<!tpu.dma_semaphore, #tpu.memory_space<semaphore_mem>>, %arg23: memref<!tpu.dma_semaphore, #tpu.memory_space<semaphore_mem>>, %arg24: memref<!tpu.dma_semaphore, #tpu.memory_space<semaphore_mem>>) attributes {dimension_semantics = [#tpu.dimension_semantics<core_parallel>, #tpu.dimension_semantics<subcore_parallel>], iteration_bounds = array<i64: 2, 16>, scalar_prefetch = 0 : i64, scratch_operands = 16 : i64, tpu.core_type = #tpu.core_type<sc_vector_subcore>, window_params = [{transform_indices = #map}, {transform_indices = #map}, {transform_indices = #map1}, {transform_indices = #map1}, {transform_indices = #map1}, {transform_indices = #map}, {transform_indices = #map}]} {
    %mul3A = arith.constant 2 : i32
    %mul3A_0 = arith.muli %arg1, %mul3A : i32
    %add3A = arith.addi %mul3A_0, %arg0 : i32
    %mul3A_1 = arith.constant 32 : i32
    %mul3A_2 = arith.muli %add3A, %mul3A_1 : i32
    "tpu.region"() ({
      %run_scoped3A = tpu.sem_alloc : memref<!tpu.dma_semaphore, #tpu.memory_space<semaphore_mem>>
      %dma_start3A_103 = tpu.memref_slice %arg4[%mul3A_2] : memref<1024xi32, #tpu.memory_space<hbm>> -> memref<32xi32, #tpu.memory_space<hbm>>
      %dma_start3A_104 = tpu.memref_slice %arg4[%mul3A_2] : memref<1024xi32, #tpu.memory_space<hbm>> -> memref<32xi32, #tpu.memory_space<hbm>>
      tpu.enqueue_dma source(%dma_start3A_104 : memref<32xi32, #tpu.memory_space<hbm>>) target(%arg9 : memref<32xi32, #tpu.memory_space<vmem>>) target_semaphore(%run_scoped3A : memref<!tpu.dma_semaphore, #tpu.memory_space<semaphore_mem>>)
      %dma_wait3A_105 = tpu.memref_slice %arg4[%mul3A_2] : memref<1024xi32, #tpu.memory_space<hbm>> -> memref<32xi32, #tpu.memory_space<hbm>>
      %dma_wait3A_106 = tpu.memref_slice %arg4[%mul3A_2] : memref<1024xi32, #tpu.memory_space<hbm>> -> memref<32xi32, #tpu.memory_space<hbm>>
      tpu.wait_dma2 semaphore(%run_scoped3A : memref<!tpu.dma_semaphore, #tpu.memory_space<semaphore_mem>>) src(%dma_wait3A_106 : memref<32xi32, #tpu.memory_space<hbm>>) dst(%arg9 : memref<32xi32, #tpu.memory_space<vmem>>)
      tpu.yield
    }) : () -> ()
    "tpu.region"() ({
      %run_scoped3A = tpu.sem_alloc : memref<!tpu.dma_semaphore, #tpu.memory_space<semaphore_mem>>
      %dma_start3A_103 = tpu.memref_slice %arg5[%mul3A_2] : memref<1024xi32, #tpu.memory_space<hbm>> -> memref<32xi32, #tpu.memory_space<hbm>>
      %dma_start3A_104 = tpu.memref_slice %arg5[%mul3A_2] : memref<1024xi32, #tpu.memory_space<hbm>> -> memref<32xi32, #tpu.memory_space<hbm>>
      tpu.enqueue_dma source(%dma_start3A_104 : memref<32xi32, #tpu.memory_space<hbm>>) target(%arg10 : memref<32xi32, #tpu.memory_space<vmem>>) target_semaphore(%run_scoped3A : memref<!tpu.dma_semaphore, #tpu.memory_space<semaphore_mem>>)
      %dma_wait3A_105 = tpu.memref_slice %arg5[%mul3A_2] : memref<1024xi32, #tpu.memory_space<hbm>> -> memref<32xi32, #tpu.memory_space<hbm>>
      %dma_wait3A_106 = tpu.memref_slice %arg5[%mul3A_2] : memref<1024xi32, #tpu.memory_space<hbm>> -> memref<32xi32, #tpu.memory_space<hbm>>
      tpu.wait_dma2 semaphore(%run_scoped3A : memref<!tpu.dma_semaphore, #tpu.memory_space<semaphore_mem>>) src(%dma_wait3A_106 : memref<32xi32, #tpu.memory_space<hbm>>) dst(%arg10 : memref<32xi32, #tpu.memory_space<vmem>>)
      tpu.yield
    }) : () -> ()
    "tpu.region"() ({
      %run_scoped3A = tpu.sem_alloc : memref<!tpu.dma_semaphore, #tpu.memory_space<semaphore_mem>>
      %dma_start3A_103 = tpu.memref_slice %arg6[%mul3A_2] : memref<1024xi32, #tpu.memory_space<hbm>> -> memref<32xi32, #tpu.memory_space<hbm>>
      %dma_start3A_104 = tpu.memref_slice %arg6[%mul3A_2] : memref<1024xi32, #tpu.memory_space<hbm>> -> memref<32xi32, #tpu.memory_space<hbm>>
      tpu.enqueue_dma source(%dma_start3A_104 : memref<32xi32, #tpu.memory_space<hbm>>) target(%arg11 : memref<32xi32, #tpu.memory_space<vmem>>) target_semaphore(%run_scoped3A : memref<!tpu.dma_semaphore, #tpu.memory_space<semaphore_mem>>)
      %dma_wait3A_105 = tpu.memref_slice %arg6[%mul3A_2] : memref<1024xi32, #tpu.memory_space<hbm>> -> memref<32xi32, #tpu.memory_space<hbm>>
      %dma_wait3A_106 = tpu.memref_slice %arg6[%mul3A_2] : memref<1024xi32, #tpu.memory_space<hbm>> -> memref<32xi32, #tpu.memory_space<hbm>>
      tpu.wait_dma2 semaphore(%run_scoped3A : memref<!tpu.dma_semaphore, #tpu.memory_space<semaphore_mem>>) src(%dma_wait3A_106 : memref<32xi32, #tpu.memory_space<hbm>>) dst(%arg11 : memref<32xi32, #tpu.memory_space<vmem>>)
      tpu.yield
    }) : () -> ()
    %get3A = arith.constant 0 : index
    %get3A_3 = tpu.vector_load %arg9[%get3A] {strides = array<i32>} : memref<32xi32, #tpu.memory_space<vmem>>, vector<16xi32>,
    %get3A_4 = vector.shape_cast %get3A_3 : vector<16xi32> to vector<16xi32>
    %mul3A_5 = arith.constant 2048 : i32
    %mul3A_6 = vector.broadcast %mul3A_5 : i32 to vector<16xi32>
    %mul3A_7 = arith.muli %get3A_4, %mul3A_6 : vector<16xi32>
    %get3A_8 = arith.constant 0 : index
    %get3A_9 = tpu.vector_load %arg10[%get3A_8] {strides = array<i32>} : memref<32xi32, #tpu.memory_space<vmem>>, vector<16xi32>,
    %get3A_10 = vector.shape_cast %get3A_9 : vector<16xi32> to vector<16xi32>
    %add3A_11 = arith.addi %mul3A_7, %get3A_10 : vector<16xi32>
    %swap3A = arith.constant 0 : index
    %swap3A_12 = tpu.vector_load %arg12[%swap3A] {strides = array<i32>} : memref<32xi32, #tpu.memory_space<vmem>>, vector<16xi32>,
    %swap3A_13 = vector.shape_cast %swap3A_12 : vector<16xi32> to vector<16xi32>
    %swap3A_14 = vector.shape_cast %add3A_11 : vector<16xi32> to vector<16xi32>
    tpu.vector_store %arg12[%swap3A], %swap3A_14 {strides = array<i32>} : memref<32xi32, #tpu.memory_space<vmem>>, vector<16xi32>,
    %get3A_15 = arith.constant 16 : index
    %get3A_16 = tpu.vector_load %arg9[%get3A_15] {strides = array<i32>} : memref<32xi32, #tpu.memory_space<vmem>>, vector<16xi32>,
    %get3A_17 = vector.shape_cast %get3A_16 : vector<16xi32> to vector<16xi32>
    %mul3A_18 = arith.constant 2048 : i32
    %mul3A_19 = vector.broadcast %mul3A_18 : i32 to vector<16xi32>
    %mul3A_20 = arith.muli %get3A_17, %mul3A_19 : vector<16xi32>
    %get3A_21 = arith.constant 16 : index
    %get3A_22 = tpu.vector_load %arg10[%get3A_21] {strides = array<i32>} : memref<32xi32, #tpu.memory_space<vmem>>, vector<16xi32>,
    %get3A_23 = vector.shape_cast %get3A_22 : vector<16xi32> to vector<16xi32>
    %add3A_24 = arith.addi %mul3A_20, %get3A_23 : vector<16xi32>
    %swap3A_25 = arith.constant 16 : index
    %swap3A_26 = tpu.vector_load %arg12[%swap3A_25] {strides = array<i32>} : memref<32xi32, #tpu.memory_space<vmem>>, vector<16xi32>,
    %swap3A_27 = vector.shape_cast %swap3A_26 : vector<16xi32> to vector<16xi32>
    %swap3A_28 = vector.shape_cast %add3A_24 : vector<16xi32> to vector<16xi32>
    tpu.vector_store %arg12[%swap3A_25], %swap3A_28 {strides = array<i32>} : memref<32xi32, #tpu.memory_space<vmem>>, vector<16xi32>,
    %dma_start3A = arith.constant 0 : i32
    %dma_start3A_29 = tpu.memref_slice %arg12[%dma_start3A] : memref<32xi32, #tpu.memory_space<vmem>> -> memref<16xi32, #tpu.memory_space<vmem>>
    %dma_start3A_30 = arith.constant 0 : i32
    %dma_start3A_31 = arith.constant 0 : i32
    %dma_start3A_32 = tpu.memref_slice %arg2[%dma_start3A_30, %dma_start3A_31] : memref<16384x1024xf32, #tpu.memory_space<hbm>> -> memref<16384x1024xf32, #tpu.memory_space<hbm>>
    tpu.enqueue_indirect_dma source(%dma_start3A_32 : memref<16384x1024xf32, #tpu.memory_space<hbm>>) target(%arg13 : memref<16x1024xf32, #tpu.memory_space<vmem>>) offsets(%dma_start3A_29 : memref<16xi32, #tpu.memory_space<vmem>>) semaphore(%arg17 : memref<!tpu.dma_semaphore, #tpu.memory_space<semaphore_mem>>)
    %dma_start3A_33 = arith.constant 0 : i32
    %dma_start3A_34 = tpu.memref_slice %arg11[%dma_start3A_33] : memref<32xi32, #tpu.memory_space<vmem>> -> memref<16xi32, #tpu.memory_space<vmem>>
    %dma_start3A_35 = arith.constant 0 : i32
    %dma_start3A_36 = arith.constant 0 : i32
    %dma_start3A_37 = tpu.memref_slice %arg3[%dma_start3A_35, %dma_start3A_36] : memref<1024x1024xf32, #tpu.memory_space<hbm>> -> memref<1024x1024xf32, #tpu.memory_space<hbm>>
    tpu.enqueue_indirect_dma source(%dma_start3A_37 : memref<1024x1024xf32, #tpu.memory_space<hbm>>) target(%arg15 : memref<16x1024xf32, #tpu.memory_space<vmem>>) offsets(%dma_start3A_34 : memref<16xi32, #tpu.memory_space<vmem>>) semaphore(%arg19 : memref<!tpu.dma_semaphore, #tpu.memory_space<semaphore_mem>>)
    %dma_start3A_38 = arith.constant 16 : i32
    %dma_start3A_39 = tpu.memref_slice %arg12[%dma_start3A_38] : memref<32xi32, #tpu.memory_space<vmem>> -> memref<16xi32, #tpu.memory_space<vmem>>
    %dma_start3A_40 = arith.constant 0 : i32
    %dma_start3A_41 = arith.constant 0 : i32
    %dma_start3A_42 = tpu.memref_slice %arg2[%dma_start3A_40, %dma_start3A_41] : memref<16384x1024xf32, #tpu.memory_space<hbm>> -> memref<16384x1024xf32, #tpu.memory_space<hbm>>
    tpu.enqueue_indirect_dma source(%dma_start3A_42 : memref<16384x1024xf32, #tpu.memory_space<hbm>>) target(%arg14 : memref<16x1024xf32, #tpu.memory_space<vmem>>) offsets(%dma_start3A_39 : memref<16xi32, #tpu.memory_space<vmem>>) semaphore(%arg18 : memref<!tpu.dma_semaphore, #tpu.memory_space<semaphore_mem>>)
    %dma_start3A_43 = arith.constant 16 : i32
    %dma_start3A_44 = tpu.memref_slice %arg11[%dma_start3A_43] : memref<32xi32, #tpu.memory_space<vmem>> -> memref<16xi32, #tpu.memory_space<vmem>>
    %dma_start3A_45 = arith.constant 0 : i32
    %dma_start3A_46 = arith.constant 0 : i32
    %dma_start3A_47 = tpu.memref_slice %arg3[%dma_start3A_45, %dma_start3A_46] : memref<1024x1024xf32, #tpu.memory_space<hbm>> -> memref<1024x1024xf32, #tpu.memory_space<hbm>>
    tpu.enqueue_indirect_dma source(%dma_start3A_47 : memref<1024x1024xf32, #tpu.memory_space<hbm>>) target(%arg16 : memref<16x1024xf32, #tpu.memory_space<vmem>>) offsets(%dma_start3A_44 : memref<16xi32, #tpu.memory_space<vmem>>) semaphore(%arg20 : memref<!tpu.dma_semaphore, #tpu.memory_space<semaphore_mem>>)
    %dma_wait3A = arith.constant 0 : i32
    %dma_wait3A_48 = tpu.memref_slice %arg12[%dma_wait3A] : memref<32xi32, #tpu.memory_space<vmem>> -> memref<16xi32, #tpu.memory_space<vmem>>
    %dma_wait3A_49 = arith.constant 0 : i32
    %dma_wait3A_50 = arith.constant 0 : i32
    %dma_wait3A_51 = tpu.memref_slice %arg2[%dma_wait3A_49, %dma_wait3A_50] : memref<16384x1024xf32, #tpu.memory_space<hbm>> -> memref<16384x1024xf32, #tpu.memory_space<hbm>>
    tpu.wait_indirect_dma semaphore(%arg17 : memref<!tpu.dma_semaphore, #tpu.memory_space<semaphore_mem>>) src(%dma_wait3A_51 : memref<16384x1024xf32, #tpu.memory_space<hbm>>) dst(%arg13 : memref<16x1024xf32, #tpu.memory_space<vmem>>)
    %dma_wait3A_52 = arith.constant 0 : i32
    %dma_wait3A_53 = tpu.memref_slice %arg11[%dma_wait3A_52] : memref<32xi32, #tpu.memory_space<vmem>> -> memref<16xi32, #tpu.memory_space<vmem>>
    %dma_wait3A_54 = arith.constant 0 : i32
    %dma_wait3A_55 = arith.constant 0 : i32
    %dma_wait3A_56 = tpu.memref_slice %arg3[%dma_wait3A_54, %dma_wait3A_55] : memref<1024x1024xf32, #tpu.memory_space<hbm>> -> memref<1024x1024xf32, #tpu.memory_space<hbm>>
    tpu.wait_indirect_dma semaphore(%arg19 : memref<!tpu.dma_semaphore, #tpu.memory_space<semaphore_mem>>) src(%dma_wait3A_56 : memref<1024x1024xf32, #tpu.memory_space<hbm>>) dst(%arg15 : memref<16x1024xf32, #tpu.memory_space<vmem>>)
    %add3A_57 = arith.constant 0 : i32
    %add3A_58 = arith.addi %mul3A_2, %add3A_57 : i32
    %dma_start3A_59 = arith.constant 0 : i32
    %dma_start3A_60 = tpu.memref_slice %arg7[%add3A_58, %dma_start3A_59] : memref<1024x1024xf32, #tpu.memory_space<hbm>> -> memref<16x1024xf32, #tpu.memory_space<hbm>>
    %dma_start3A_61 = arith.constant 0 : i32
    %dma_start3A_62 = tpu.memref_slice %arg7[%add3A_58, %dma_start3A_61] : memref<1024x1024xf32, #tpu.memory_space<hbm>> -> memref<16x1024xf32, #tpu.memory_space<hbm>>
    tpu.enqueue_dma source(%arg13 : memref<16x1024xf32, #tpu.memory_space<vmem>>) target(%dma_start3A_62 : memref<16x1024xf32, #tpu.memory_space<hbm>>) target_semaphore(%arg21 : memref<!tpu.dma_semaphore, #tpu.memory_space<semaphore_mem>>)
    %dma_start3A_63 = arith.constant 0 : i32
    %dma_start3A_64 = tpu.memref_slice %arg8[%add3A_58, %dma_start3A_63] : memref<1024x1024xf32, #tpu.memory_space<hbm>> -> memref<16x1024xf32, #tpu.memory_space<hbm>>
    %dma_start3A_65 = arith.constant 0 : i32
    %dma_start3A_66 = tpu.memref_slice %arg8[%add3A_58, %dma_start3A_65] : memref<1024x1024xf32, #tpu.memory_space<hbm>> -> memref<16x1024xf32, #tpu.memory_space<hbm>>
    tpu.enqueue_dma source(%arg15 : memref<16x1024xf32, #tpu.memory_space<vmem>>) target(%dma_start3A_66 : memref<16x1024xf32, #tpu.memory_space<hbm>>) target_semaphore(%arg23 : memref<!tpu.dma_semaphore, #tpu.memory_space<semaphore_mem>>)
    %dma_wait3A_67 = arith.constant 16 : i32
    %dma_wait3A_68 = tpu.memref_slice %arg12[%dma_wait3A_67] : memref<32xi32, #tpu.memory_space<vmem>> -> memref<16xi32, #tpu.memory_space<vmem>>
    %dma_wait3A_69 = arith.constant 0 : i32
    %dma_wait3A_70 = arith.constant 0 : i32
    %dma_wait3A_71 = tpu.memref_slice %arg2[%dma_wait3A_69, %dma_wait3A_70] : memref<16384x1024xf32, #tpu.memory_space<hbm>> -> memref<16384x1024xf32, #tpu.memory_space<hbm>>
    tpu.wait_indirect_dma semaphore(%arg18 : memref<!tpu.dma_semaphore, #tpu.memory_space<semaphore_mem>>) src(%dma_wait3A_71 : memref<16384x1024xf32, #tpu.memory_space<hbm>>) dst(%arg14 : memref<16x1024xf32, #tpu.memory_space<vmem>>)
    %dma_wait3A_72 = arith.constant 16 : i32
    %dma_wait3A_73 = tpu.memref_slice %arg11[%dma_wait3A_72] : memref<32xi32, #tpu.memory_space<vmem>> -> memref<16xi32, #tpu.memory_space<vmem>>
    %dma_wait3A_74 = arith.constant 0 : i32
    %dma_wait3A_75 = arith.constant 0 : i32
    %dma_wait3A_76 = tpu.memref_slice %arg3[%dma_wait3A_74, %dma_wait3A_75] : memref<1024x1024xf32, #tpu.memory_space<hbm>> -> memref<1024x1024xf32, #tpu.memory_space<hbm>>
    tpu.wait_indirect_dma semaphore(%arg20 : memref<!tpu.dma_semaphore, #tpu.memory_space<semaphore_mem>>) src(%dma_wait3A_76 : memref<1024x1024xf32, #tpu.memory_space<hbm>>) dst(%arg16 : memref<16x1024xf32, #tpu.memory_space<vmem>>)
    %add3A_77 = arith.constant 16 : i32
    %add3A_78 = arith.addi %mul3A_2, %add3A_77 : i32
    %dma_start3A_79 = arith.constant 0 : i32
    %dma_start3A_80 = tpu.memref_slice %arg7[%add3A_78, %dma_start3A_79] : memref<1024x1024xf32, #tpu.memory_space<hbm>> -> memref<16x1024xf32, #tpu.memory_space<hbm>>
    %dma_start3A_81 = arith.constant 0 : i32
    %dma_start3A_82 = tpu.memref_slice %arg7[%add3A_78, %dma_start3A_81] : memref<1024x1024xf32, #tpu.memory_space<hbm>> -> memref<16x1024xf32, #tpu.memory_space<hbm>>
    tpu.enqueue_dma source(%arg14 : memref<16x1024xf32, #tpu.memory_space<vmem>>) target(%dma_start3A_82 : memref<16x1024xf32, #tpu.memory_space<hbm>>) target_semaphore(%arg22 : memref<!tpu.dma_semaphore, #tpu.memory_space<semaphore_mem>>)
    %dma_start3A_83 = arith.constant 0 : i32
    %dma_start3A_84 = tpu.memref_slice %arg8[%add3A_78, %dma_start3A_83] : memref<1024x1024xf32, #tpu.memory_space<hbm>> -> memref<16x1024xf32, #tpu.memory_space<hbm>>
    %dma_start3A_85 = arith.constant 0 : i32
    %dma_start3A_86 = tpu.memref_slice %arg8[%add3A_78, %dma_start3A_85] : memref<1024x1024xf32, #tpu.memory_space<hbm>> -> memref<16x1024xf32, #tpu.memory_space<hbm>>
    tpu.enqueue_dma source(%arg16 : memref<16x1024xf32, #tpu.memory_space<vmem>>) target(%dma_start3A_86 : memref<16x1024xf32, #tpu.memory_space<hbm>>) target_semaphore(%arg24 : memref<!tpu.dma_semaphore, #tpu.memory_space<semaphore_mem>>)
    %dma_wait3A_87 = arith.constant 0 : i32
    %dma_wait3A_88 = tpu.memref_slice %arg7[%add3A_58, %dma_wait3A_87] : memref<1024x1024xf32, #tpu.memory_space<hbm>> -> memref<16x1024xf32, #tpu.memory_space<hbm>>
    %dma_wait3A_89 = arith.constant 0 : i32
    %dma_wait3A_90 = tpu.memref_slice %arg7[%add3A_58, %dma_wait3A_89] : memref<1024x1024xf32, #tpu.memory_space<hbm>> -> memref<16x1024xf32, #tpu.memory_space<hbm>>
    tpu.wait_dma2 semaphore(%arg21 : memref<!tpu.dma_semaphore, #tpu.memory_space<semaphore_mem>>) src(%arg13 : memref<16x1024xf32, #tpu.memory_space<vmem>>) dst(%dma_wait3A_90 : memref<16x1024xf32, #tpu.memory_space<hbm>>)
    %dma_wait3A_91 = arith.constant 0 : i32
    %dma_wait3A_92 = tpu.memref_slice %arg8[%add3A_58, %dma_wait3A_91] : memref<1024x1024xf32, #tpu.memory_space<hbm>> -> memref<16x1024xf32, #tpu.memory_space<hbm>>
    %dma_wait3A_93 = arith.constant 0 : i32
    %dma_wait3A_94 = tpu.memref_slice %arg8[%add3A_58, %dma_wait3A_93] : memref<1024x1024xf32, #tpu.memory_space<hbm>> -> memref<16x1024xf32, #tpu.memory_space<hbm>>
    tpu.wait_dma2 semaphore(%arg23 : memref<!tpu.dma_semaphore, #tpu.memory_space<semaphore_mem>>) src(%arg15 : memref<16x1024xf32, #tpu.memory_space<vmem>>) dst(%dma_wait3A_94 : memref<16x1024xf32, #tpu.memory_space<hbm>>)
    %dma_wait3A_95 = arith.constant 0 : i32
    %dma_wait3A_96 = tpu.memref_slice %arg7[%add3A_78, %dma_wait3A_95] : memref<1024x1024xf32, #tpu.memory_space<hbm>> -> memref<16x1024xf32, #tpu.memory_space<hbm>>
    %dma_wait3A_97 = arith.constant 0 : i32
    %dma_wait3A_98 = tpu.memref_slice %arg7[%add3A_78, %dma_wait3A_97] : memref<1024x1024xf32, #tpu.memory_space<hbm>> -> memref<16x1024xf32, #tpu.memory_space<hbm>>
    tpu.wait_dma2 semaphore(%arg22 : memref<!tpu.dma_semaphore, #tpu.memory_space<semaphore_mem>>) src(%arg14 : memref<16x1024xf32, #tpu.memory_space<vmem>>) dst(%dma_wait3A_98 : memref<16x1024xf32, #tpu.memory_space<hbm>>)
    %dma_wait3A_99 = arith.constant 0 : i32
    %dma_wait3A_100 = tpu.memref_slice %arg8[%add3A_78, %dma_wait3A_99] : memref<1024x1024xf32, #tpu.memory_space<hbm>> -> memref<16x1024xf32, #tpu.memory_space<hbm>>
    %dma_wait3A_101 = arith.constant 0 : i32
    %dma_wait3A_102 = tpu.memref_slice %arg8[%add3A_78, %dma_wait3A_101] : memref<1024x1024xf32, #tpu.memory_space<hbm>> -> memref<16x1024xf32, #tpu.memory_space<hbm>>
    tpu.wait_dma2 semaphore(%arg24 : memref<!tpu.dma_semaphore, #tpu.memory_space<semaphore_mem>>) src(%arg16 : memref<16x1024xf32, #tpu.memory_space<vmem>>) dst(%dma_wait3A_102 : memref<16x1024xf32, #tpu.memory_space<hbm>>)
    return
  }
}

#map = affine_map<(d0, d1) -> (0, 0)>
#map1 = affine_map<(d0, d1) -> (0)>
module attributes {stable_mosaic.version = 14 : i64} {
  func.func @_sc_body(%arg0: i32, %arg1: i32, %arg2: memref<16384x1024xf32, #tpu.memory_space<hbm>>, %arg3: memref<1024x1024xf32, #tpu.memory_space<hbm>>, %arg4: memref<1024xi32, #tpu.memory_space<hbm>>, %arg5: memref<1024xi32, #tpu.memory_space<hbm>>, %arg6: memref<1024xi32, #tpu.memory_space<hbm>>, %arg7: memref<1024x1024xf32, #tpu.memory_space<hbm>>, %arg8: memref<1024x1024xf32, #tpu.memory_space<hbm>>, %arg9: memref<32xi32, #tpu.memory_space<vmem>>, %arg10: memref<32xi32, #tpu.memory_space<vmem>>, %arg11: memref<32xi32, #tpu.memory_space<vmem>>, %arg12: memref<32xi32, #tpu.memory_space<vmem>>, %arg13: memref<16x1024xf32, #tpu.memory_space<vmem>>, %arg14: memref<16x1024xf32, #tpu.memory_space<vmem>>, %arg15: memref<16x1024xf32, #tpu.memory_space<vmem>>, %arg16: memref<16x1024xf32, #tpu.memory_space<vmem>>, %arg17: memref<!tpu.dma_semaphore, #tpu.memory_space<semaphore_mem>>, %arg18: memref<!tpu.dma_semaphore, #tpu.memory_space<semaphore_mem>>, %arg19: memref<!tpu.dma_semaphore, #tpu.memory_space<semaphore_mem>>, %arg20: memref<!tpu.dma_semaphore, #tpu.memory_space<semaphore_mem>>, %arg21: memref<!tpu.dma_semaphore, #tpu.memory_space<semaphore_mem>>, %arg22: memref<!tpu.dma_semaphore, #tpu.memory_space<semaphore_mem>>, %arg23: memref<!tpu.dma_semaphore, #tpu.memory_space<semaphore_mem>>, %arg24: memref<!tpu.dma_semaphore, #tpu.memory_space<semaphore_mem>>) attributes {dimension_semantics = [#tpu.dimension_semantics<core_parallel>, #tpu.dimension_semantics<subcore_parallel>], iteration_bounds = array<i64: 2, 16>, scalar_prefetch = 0 : i64, scratch_operands = 16 : i64, tpu.core_type = #tpu.core_type<sc_vector_subcore>, window_params = [{transform_indices = #map}, {transform_indices = #map}, {transform_indices = #map1}, {transform_indices = #map1}, {transform_indices = #map1}, {transform_indices = #map}, {transform_indices = #map}]} {
    %mul3A = arith.constant 2 : i32
    %mul3A_0 = arith.muli %arg1, %mul3A : i32
    %add3A = arith.addi %mul3A_0, %arg0 : i32
    %mul3A_1 = arith.constant 32 : i32
    %mul3A_2 = arith.muli %add3A, %mul3A_1 : i32
    "tpu.region"() ({
      %run_scoped3A = tpu.sem_alloc : memref<!tpu.dma_semaphore, #tpu.memory_space<semaphore_mem>>
      %dma_start3A_103 = tpu.memref_slice %arg4[%mul3A_2] : memref<1024xi32, #tpu.memory_space<hbm>> -> memref<32xi32, #tpu.memory_space<hbm>>
      %dma_start3A_104 = tpu.memref_slice %arg4[%mul3A_2] : memref<1024xi32, #tpu.memory_space<hbm>> -> memref<32xi32, #tpu.memory_space<hbm>>
      tpu.enqueue_dma source(%dma_start3A_104 : memref<32xi32, #tpu.memory_space<hbm>>) target(%arg9 : memref<32xi32, #tpu.memory_space<vmem>>) target_semaphore(%run_scoped3A : memref<!tpu.dma_semaphore, #tpu.memory_space<semaphore_mem>>)
      %dma_wait3A_105 = tpu.memref_slice %arg4[%mul3A_2] : memref<1024xi32, #tpu.memory_space<hbm>> -> memref<32xi32, #tpu.memory_space<hbm>>
      %dma_wait3A_106 = tpu.memref_slice %arg4[%mul3A_2] : memref<1024xi32, #tpu.memory_space<hbm>> -> memref<32xi32, #tpu.memory_space<hbm>>
      tpu.wait_dma2 semaphore(%run_scoped3A : memref<!tpu.dma_semaphore, #tpu.memory_space<semaphore_mem>>) src(%dma_wait3A_106 : memref<32xi32, #tpu.memory_space<hbm>>) dst(%arg9 : memref<32xi32, #tpu.memory_space<vmem>>)
      tpu.yield
    }) : () -> ()
    "tpu.region"() ({
      %run_scoped3A = tpu.sem_alloc : memref<!tpu.dma_semaphore, #tpu.memory_space<semaphore_mem>>
      %dma_start3A_103 = tpu.memref_slice %arg5[%mul3A_2] : memref<1024xi32, #tpu.memory_space<hbm>> -> memref<32xi32, #tpu.memory_space<hbm>>
      %dma_start3A_104 = tpu.memref_slice %arg5[%mul3A_2] : memref<1024xi32, #tpu.memory_space<hbm>> -> memref<32xi32, #tpu.memory_space<hbm>>
      tpu.enqueue_dma source(%dma_start3A_104 : memref<32xi32, #tpu.memory_space<hbm>>) target(%arg10 : memref<32xi32, #tpu.memory_space<vmem>>) target_semaphore(%run_scoped3A : memref<!tpu.dma_semaphore, #tpu.memory_space<semaphore_mem>>)
      %dma_wait3A_105 = tpu.memref_slice %arg5[%mul3A_2] : memref<1024xi32, #tpu.memory_space<hbm>> -> memref<32xi32, #tpu.memory_space<hbm>>
      %dma_wait3A_106 = tpu.memref_slice %arg5[%mul3A_2] : memref<1024xi32, #tpu.memory_space<hbm>> -> memref<32xi32, #tpu.memory_space<hbm>>
      tpu.wait_dma2 semaphore(%run_scoped3A : memref<!tpu.dma_semaphore, #tpu.memory_space<semaphore_mem>>) src(%dma_wait3A_106 : memref<32xi32, #tpu.memory_space<hbm>>) dst(%arg10 : memref<32xi32, #tpu.memory_space<vmem>>)
      tpu.yield
    }) : () -> ()
    "tpu.region"() ({
      %run_scoped3A = tpu.sem_alloc : memref<!tpu.dma_semaphore, #tpu.memory_space<semaphore_mem>>
      %dma_start3A_103 = tpu.memref_slice %arg6[%mul3A_2] : memref<1024xi32, #tpu.memory_space<hbm>> -> memref<32xi32, #tpu.memory_space<hbm>>
      %dma_start3A_104 = tpu.memref_slice %arg6[%mul3A_2] : memref<1024xi32, #tpu.memory_space<hbm>> -> memref<32xi32, #tpu.memory_space<hbm>>
      tpu.enqueue_dma source(%dma_start3A_104 : memref<32xi32, #tpu.memory_space<hbm>>) target(%arg11 : memref<32xi32, #tpu.memory_space<vmem>>) target_semaphore(%run_scoped3A : memref<!tpu.dma_semaphore, #tpu.memory_space<semaphore_mem>>)
      %dma_wait3A_105 = tpu.memref_slice %arg6[%mul3A_2] : memref<1024xi32, #tpu.memory_space<hbm>> -> memref<32xi32, #tpu.memory_space<hbm>>
      %dma_wait3A_106 = tpu.memref_slice %arg6[%mul3A_2] : memref<1024xi32, #tpu.memory_space<hbm>> -> memref<32xi32, #tpu.memory_space<hbm>>
      tpu.wait_dma2 semaphore(%run_scoped3A : memref<!tpu.dma_semaphore, #tpu.memory_space<semaphore_mem>>) src(%dma_wait3A_106 : memref<32xi32, #tpu.memory_space<hbm>>) dst(%arg11 : memref<32xi32, #tpu.memory_space<vmem>>)
      tpu.yield
    }) : () -> ()
    %get3A = arith.constant 0 : index
    %get3A_3 = tpu.vector_load %arg9[%get3A] {strides = array<i32>} : memref<32xi32, #tpu.memory_space<vmem>>, vector<16xi32>,
    %get3A_4 = vector.shape_cast %get3A_3 : vector<16xi32> to vector<16xi32>
    %mul3A_5 = arith.constant 2048 : i32
    %mul3A_6 = vector.broadcast %mul3A_5 : i32 to vector<16xi32>
    %mul3A_7 = arith.muli %get3A_4, %mul3A_6 : vector<16xi32>
    %get3A_8 = arith.constant 0 : index
    %get3A_9 = tpu.vector_load %arg10[%get3A_8] {strides = array<i32>} : memref<32xi32, #tpu.memory_space<vmem>>, vector<16xi32>,
    %get3A_10 = vector.shape_cast %get3A_9 : vector<16xi32> to vector<16xi32>
    %add3A_11 = arith.addi %mul3A_7, %get3A_10 : vector<16xi32>
    %swap3A = arith.constant 0 : index
    %swap3A_12 = tpu.vector_load %arg12[%swap3A] {strides = array<i32>} : memref<32xi32, #tpu.memory_space<vmem>>, vector<16xi32>,
    %swap3A_13 = vector.shape_cast %swap3A_12 : vector<16xi32> to vector<16xi32>
    %swap3A_14 = vector.shape_cast %add3A_11 : vector<16xi32> to vector<16xi32>
    tpu.vector_store %arg12[%swap3A], %swap3A_14 {strides = array<i32>} : memref<32xi32, #tpu.memory_space<vmem>>, vector<16xi32>,
    %get3A_15 = arith.constant 16 : index
    %get3A_16 = tpu.vector_load %arg9[%get3A_15] {strides = array<i32>} : memref<32xi32, #tpu.memory_space<vmem>>, vector<16xi32>,
    %get3A_17 = vector.shape_cast %get3A_16 : vector<16xi32> to vector<16xi32>
    %mul3A_18 = arith.constant 2048 : i32
    %mul3A_19 = vector.broadcast %mul3A_18 : i32 to vector<16xi32>
    %mul3A_20 = arith.muli %get3A_17, %mul3A_19 : vector<16xi32>
    %get3A_21 = arith.constant 16 : index
    %get3A_22 = tpu.vector_load %arg10[%get3A_21] {strides = array<i32>} : memref<32xi32, #tpu.memory_space<vmem>>, vector<16xi32>,
    %get3A_23 = vector.shape_cast %get3A_22 : vector<16xi32> to vector<16xi32>
    %add3A_24 = arith.addi %mul3A_20, %get3A_23 : vector<16xi32>
    %swap3A_25 = arith.constant 16 : index
    %swap3A_26 = tpu.vector_load %arg12[%swap3A_25] {strides = array<i32>} : memref<32xi32, #tpu.memory_space<vmem>>, vector<16xi32>,
    %swap3A_27 = vector.shape_cast %swap3A_26 : vector<16xi32> to vector<16xi32>
    %swap3A_28 = vector.shape_cast %add3A_24 : vector<16xi32> to vector<16xi32>
    tpu.vector_store %arg12[%swap3A_25], %swap3A_28 {strides = array<i32>} : memref<32xi32, #tpu.memory_space<vmem>>, vector<16xi32>,
    %dma_start3A = arith.constant 0 : i32
    %dma_start3A_29 = tpu.memref_slice %arg12[%dma_start3A] : memref<32xi32, #tpu.memory_space<vmem>> -> memref<16xi32, #tpu.memory_space<vmem>>
    %dma_start3A_30 = arith.constant 0 : i32
    %dma_start3A_31 = arith.constant 0 : i32
    %dma_start3A_32 = tpu.memref_slice %arg2[%dma_start3A_30, %dma_start3A_31] : memref<16384x1024xf32, #tpu.memory_space<hbm>> -> memref<16384x1024xf32, #tpu.memory_space<hbm>>
    tpu.enqueue_indirect_dma source(%dma_start3A_32 : memref<16384x1024xf32, #tpu.memory_space<hbm>>) target(%arg13 : memref<16x1024xf32, #tpu.memory_space<vmem>>) offsets(%dma_start3A_29 : memref<16xi32, #tpu.memory_space<vmem>>) semaphore(%arg17 : memref<!tpu.dma_semaphore, #tpu.memory_space<semaphore_mem>>)
    %dma_start3A_33 = arith.constant 0 : i32
    %dma_start3A_34 = tpu.memref_slice %arg11[%dma_start3A_33] : memref<32xi32, #tpu.memory_space<vmem>> -> memref<16xi32, #tpu.memory_space<vmem>>
    %dma_start3A_35 = arith.constant 0 : i32
    %dma_start3A_36 = arith.constant 0 : i32
    %dma_start3A_37 = tpu.memref_slice %arg3[%dma_start3A_35, %dma_start3A_36] : memref<1024x1024xf32, #tpu.memory_space<hbm>> -> memref<1024x1024xf32, #tpu.memory_space<hbm>>
    tpu.enqueue_indirect_dma source(%dma_start3A_37 : memref<1024x1024xf32, #tpu.memory_space<hbm>>) target(%arg15 : memref<16x1024xf32, #tpu.memory_space<vmem>>) offsets(%dma_start3A_34 : memref<16xi32, #tpu.memory_space<vmem>>) semaphore(%arg19 : memref<!tpu.dma_semaphore, #tpu.memory_space<semaphore_mem>>)
    %dma_start3A_38 = arith.constant 16 : i32
    %dma_start3A_39 = tpu.memref_slice %arg12[%dma_start3A_38] : memref<32xi32, #tpu.memory_space<vmem>> -> memref<16xi32, #tpu.memory_space<vmem>>
    %dma_start3A_40 = arith.constant 0 : i32
    %dma_start3A_41 = arith.constant 0 : i32
    %dma_start3A_42 = tpu.memref_slice %arg2[%dma_start3A_40, %dma_start3A_41] : memref<16384x1024xf32, #tpu.memory_space<hbm>> -> memref<16384x1024xf32, #tpu.memory_space<hbm>>
    tpu.enqueue_indirect_dma source(%dma_start3A_42 : memref<16384x1024xf32, #tpu.memory_space<hbm>>) target(%arg14 : memref<16x1024xf32, #tpu.memory_space<vmem>>) offsets(%dma_start3A_39 : memref<16xi32, #tpu.memory_space<vmem>>) semaphore(%arg18 : memref<!tpu.dma_semaphore, #tpu.memory_space<semaphore_mem>>)
    %dma_start3A_43 = arith.constant 16 : i32
    %dma_start3A_44 = tpu.memref_slice %arg11[%dma_start3A_43] : memref<32xi32, #tpu.memory_space<vmem>> -> memref<16xi32, #tpu.memory_space<vmem>>
    %dma_start3A_45 = arith.constant 0 : i32
    %dma_start3A_46 = arith.constant 0 : i32
    %dma_start3A_47 = tpu.memref_slice %arg3[%dma_start3A_45, %dma_start3A_46] : memref<1024x1024xf32, #tpu.memory_space<hbm>> -> memref<1024x1024xf32, #tpu.memory_space<hbm>>
    tpu.enqueue_indirect_dma source(%dma_start3A_47 : memref<1024x1024xf32, #tpu.memory_space<hbm>>) target(%arg16 : memref<16x1024xf32, #tpu.memory_space<vmem>>) offsets(%dma_start3A_44 : memref<16xi32, #tpu.memory_space<vmem>>) semaphore(%arg20 : memref<!tpu.dma_semaphore, #tpu.memory_space<semaphore_mem>>)
    %dma_wait3A = arith.constant 0 : i32
    %dma_wait3A_48 = tpu.memref_slice %arg12[%dma_wait3A] : memref<32xi32, #tpu.memory_space<vmem>> -> memref<16xi32, #tpu.memory_space<vmem>>
    %dma_wait3A_49 = arith.constant 0 : i32
    %dma_wait3A_50 = arith.constant 0 : i32
    %dma_wait3A_51 = tpu.memref_slice %arg2[%dma_wait3A_49, %dma_wait3A_50] : memref<16384x1024xf32, #tpu.memory_space<hbm>> -> memref<16384x1024xf32, #tpu.memory_space<hbm>>
    tpu.wait_indirect_dma semaphore(%arg17 : memref<!tpu.dma_semaphore, #tpu.memory_space<semaphore_mem>>) src(%dma_wait3A_51 : memref<16384x1024xf32, #tpu.memory_space<hbm>>) dst(%arg13 : memref<16x1024xf32, #tpu.memory_space<vmem>>)
    %dma_wait3A_52 = arith.constant 0 : i32
    %dma_wait3A_53 = tpu.memref_slice %arg11[%dma_wait3A_52] : memref<32xi32, #tpu.memory_space<vmem>> -> memref<16xi32, #tpu.memory_space<vmem>>
    %dma_wait3A_54 = arith.constant 0 : i32
    %dma_wait3A_55 = arith.constant 0 : i32
    %dma_wait3A_56 = tpu.memref_slice %arg3[%dma_wait3A_54, %dma_wait3A_55] : memref<1024x1024xf32, #tpu.memory_space<hbm>> -> memref<1024x1024xf32, #tpu.memory_space<hbm>>
    tpu.wait_indirect_dma semaphore(%arg19 : memref<!tpu.dma_semaphore, #tpu.memory_space<semaphore_mem>>) src(%dma_wait3A_56 : memref<1024x1024xf32, #tpu.memory_space<hbm>>) dst(%arg15 : memref<16x1024xf32, #tpu.memory_space<vmem>>)
    %add3A_57 = arith.constant 0 : i32
    %add3A_58 = arith.addi %mul3A_2, %add3A_57 : i32
    %dma_start3A_59 = arith.constant 0 : i32
    %dma_start3A_60 = tpu.memref_slice %arg7[%add3A_58, %dma_start3A_59] : memref<1024x1024xf32, #tpu.memory_space<hbm>> -> memref<16x1024xf32, #tpu.memory_space<hbm>>
    %dma_start3A_61 = arith.constant 0 : i32
    %dma_start3A_62 = tpu.memref_slice %arg7[%add3A_58, %dma_start3A_61] : memref<1024x1024xf32, #tpu.memory_space<hbm>> -> memref<16x1024xf32, #tpu.memory_space<hbm>>
    tpu.enqueue_dma source(%arg13 : memref<16x1024xf32, #tpu.memory_space<vmem>>) target(%dma_start3A_62 : memref<16x1024xf32, #tpu.memory_space<hbm>>) target_semaphore(%arg21 : memref<!tpu.dma_semaphore, #tpu.memory_space<semaphore_mem>>)
    %dma_start3A_63 = arith.constant 0 : i32
    %dma_start3A_64 = tpu.memref_slice %arg8[%add3A_58, %dma_start3A_63] : memref<1024x1024xf32, #tpu.memory_space<hbm>> -> memref<16x1024xf32, #tpu.memory_space<hbm>>
    %dma_start3A_65 = arith.constant 0 : i32
    %dma_start3A_66 = tpu.memref_slice %arg8[%add3A_58, %dma_start3A_65] : memref<1024x1024xf32, #tpu.memory_space<hbm>> -> memref<16x1024xf32, #tpu.memory_space<hbm>>
    tpu.enqueue_dma source(%arg15 : memref<16x1024xf32, #tpu.memory_space<vmem>>) target(%dma_start3A_66 : memref<16x1024xf32, #tpu.memory_space<hbm>>) target_semaphore(%arg23 : memref<!tpu.dma_semaphore, #tpu.memory_space<semaphore_mem>>)
    %dma_wait3A_67 = arith.constant 16 : i32
    %dma_wait3A_68 = tpu.memref_slice %arg12[%dma_wait3A_67] : memref<32xi32, #tpu.memory_space<vmem>> -> memref<16xi32, #tpu.memory_space<vmem>>
    %dma_wait3A_69 = arith.constant 0 : i32
    %dma_wait3A_70 = arith.constant 0 : i32
    %dma_wait3A_71 = tpu.memref_slice %arg2[%dma_wait3A_69, %dma_wait3A_70] : memref<16384x1024xf32, #tpu.memory_space<hbm>> -> memref<16384x1024xf32, #tpu.memory_space<hbm>>
    tpu.wait_indirect_dma semaphore(%arg18 : memref<!tpu.dma_semaphore, #tpu.memory_space<semaphore_mem>>) src(%dma_wait3A_71 : memref<16384x1024xf32, #tpu.memory_space<hbm>>) dst(%arg14 : memref<16x1024xf32, #tpu.memory_space<vmem>>)
    %dma_wait3A_72 = arith.constant 16 : i32
    %dma_wait3A_73 = tpu.memref_slice %arg11[%dma_wait3A_72] : memref<32xi32, #tpu.memory_space<vmem>> -> memref<16xi32, #tpu.memory_space<vmem>>
    %dma_wait3A_74 = arith.constant 0 : i32
    %dma_wait3A_75 = arith.constant 0 : i32
    %dma_wait3A_76 = tpu.memref_slice %arg3[%dma_wait3A_74, %dma_wait3A_75] : memref<1024x1024xf32, #tpu.memory_space<hbm>> -> memref<1024x1024xf32, #tpu.memory_space<hbm>>
    tpu.wait_indirect_dma semaphore(%arg20 : memref<!tpu.dma_semaphore, #tpu.memory_space<semaphore_mem>>) src(%dma_wait3A_76 : memref<1024x1024xf32, #tpu.memory_space<hbm>>) dst(%arg16 : memref<16x1024xf32, #tpu.memory_space<vmem>>)
    %add3A_77 = arith.constant 16 : i32
    %add3A_78 = arith.addi %mul3A_2, %add3A_77 : i32
    %dma_start3A_79 = arith.constant 0 : i32
    %dma_start3A_80 = tpu.memref_slice %arg7[%add3A_78, %dma_start3A_79] : memref<1024x1024xf32, #tpu.memory_space<hbm>> -> memref<16x1024xf32, #tpu.memory_space<hbm>>
    %dma_start3A_81 = arith.constant 0 : i32
    %dma_start3A_82 = tpu.memref_slice %arg7[%add3A_78, %dma_start3A_81] : memref<1024x1024xf32, #tpu.memory_space<hbm>> -> memref<16x1024xf32, #tpu.memory_space<hbm>>
    tpu.enqueue_dma source(%arg14 : memref<16x1024xf32, #tpu.memory_space<vmem>>) target(%dma_start3A_82 : memref<16x1024xf32, #tpu.memory_space<hbm>>) target_semaphore(%arg22 : memref<!tpu.dma_semaphore, #tpu.memory_space<semaphore_mem>>)
    %dma_start3A_83 = arith.constant 0 : i32
    %dma_start3A_84 = tpu.memref_slice %arg8[%add3A_78, %dma_start3A_83] : memref<1024x1024xf32, #tpu.memory_space<hbm>> -> memref<16x1024xf32, #tpu.memory_space<hbm>>
    %dma_start3A_85 = arith.constant 0 : i32
    %dma_start3A_86 = tpu.memref_slice %arg8[%add3A_78, %dma_start3A_85] : memref<1024x1024xf32, #tpu.memory_space<hbm>> -> memref<16x1024xf32, #tpu.memory_space<hbm>>
    tpu.enqueue_dma source(%arg16 : memref<16x1024xf32, #tpu.memory_space<vmem>>) target(%dma_start3A_86 : memref<16x1024xf32, #tpu.memory_space<hbm>>) target_semaphore(%arg24 : memref<!tpu.dma_semaphore, #tpu.memory_space<semaphore_mem>>)
    %dma_wait3A_87 = arith.constant 0 : i32
    %dma_wait3A_88 = tpu.memref_slice %arg7[%add3A_58, %dma_wait3A_87] : memref<1024x1024xf32, #tpu.memory_space<hbm>> -> memref<16x1024xf32, #tpu.memory_space<hbm>>
    %dma_wait3A_89 = arith.constant 0 : i32
    %dma_wait3A_90 = tpu.memref_slice %arg7[%add3A_58, %dma_wait3A_89] : memref<1024x1024xf32, #tpu.memory_space<hbm>> -> memref<16x1024xf32, #tpu.memory_space<hbm>>
    tpu.wait_dma2 semaphore(%arg21 : memref<!tpu.dma_semaphore, #tpu.memory_space<semaphore_mem>>) src(%arg13 : memref<16x1024xf32, #tpu.memory_space<vmem>>) dst(%dma_wait3A_90 : memref<16x1024xf32, #tpu.memory_space<hbm>>)
    %dma_wait3A_91 = arith.constant 0 : i32
    %dma_wait3A_92 = tpu.memref_slice %arg8[%add3A_58, %dma_wait3A_91] : memref<1024x1024xf32, #tpu.memory_space<hbm>> -> memref<16x1024xf32, #tpu.memory_space<hbm>>
    %dma_wait3A_93 = arith.constant 0 : i32
    %dma_wait3A_94 = tpu.memref_slice %arg8[%add3A_58, %dma_wait3A_93] : memref<1024x1024xf32, #tpu.memory_space<hbm>> -> memref<16x1024xf32, #tpu.memory_space<hbm>>
    tpu.wait_dma2 semaphore(%arg23 : memref<!tpu.dma_semaphore, #tpu.memory_space<semaphore_mem>>) src(%arg15 : memref<16x1024xf32, #tpu.memory_space<vmem>>) dst(%dma_wait3A_94 : memref<16x1024xf32, #tpu.memory_space<hbm>>)
    %dma_wait3A_95 = arith.constant 0 : i32
    %dma_wait3A_96 = tpu.memref_slice %arg7[%add3A_78, %dma_wait3A_95] : memref<1024x1024xf32, #tpu.memory_space<hbm>> -> memref<16x1024xf32, #tpu.memory_space<hbm>>
    %dma_wait3A_97 = arith.constant 0 : i32
    %dma_wait3A_98 = tpu.memref_slice %arg7[%add3A_78, %dma_wait3A_97] : memref<1024x1024xf32, #tpu.memory_space<hbm>> -> memref<16x1024xf32, #tpu.memory_space<hbm>>
    tpu.wait_dma2 semaphore(%arg22 : memref<!tpu.dma_semaphore, #tpu.memory_space<semaphore_mem>>) src(%arg14 : memref<16x1024xf32, #tpu.memory_space<vmem>>) dst(%dma_wait3A_98 : memref<16x1024xf32, #tpu.memory_space<hbm>>)
    %dma_wait3A_99 = arith.constant 0 : i32
    %dma_wait3A_100 = tpu.memref_slice %arg8[%add3A_78, %dma_wait3A_99] : memref<1024x1024xf32, #tpu.memory_space<hbm>> -> memref<16x1024xf32, #tpu.memory_space<hbm>>
    %dma_wait3A_101 = arith.constant 0 : i32
    %dma_wait3A_102 = tpu.memref_slice %arg8[%add3A_78, %dma_wait3A_101] : memref<1024x1024xf32, #tpu.memory_space<hbm>> -> memref<16x1024xf32, #tpu.memory_space<hbm>>
    tpu.wait_dma2 semaphore(%arg24 : memref<!tpu.dma_semaphore, #tpu.memory_space<semaphore_mem>>) src(%arg16 : memref<16x1024xf32, #tpu.memory_space<vmem>>) dst(%dma_wait3A_102 : memref<16x1024xf32, #tpu.memory_space<hbm>>)
    return
  }
}

#map = affine_map<(d0, d1) -> (0, 0)>
#map1 = affine_map<(d0, d1) -> (0)>
module attributes {stable_mosaic.version = 14 : i64} {
  func.func @_sc_body(%arg0: i32, %arg1: i32, %arg2: memref<16384x1024xf32, #tpu.memory_space<hbm>>, %arg3: memref<1024x1024xf32, #tpu.memory_space<hbm>>, %arg4: memref<1024xi32, #tpu.memory_space<hbm>>, %arg5: memref<1024xi32, #tpu.memory_space<hbm>>, %arg6: memref<1024xi32, #tpu.memory_space<hbm>>, %arg7: memref<1024x1024xf32, #tpu.memory_space<hbm>>, %arg8: memref<1024x1024xf32, #tpu.memory_space<hbm>>, %arg9: memref<32xi32, #tpu.memory_space<vmem>>, %arg10: memref<32xi32, #tpu.memory_space<vmem>>, %arg11: memref<32xi32, #tpu.memory_space<vmem>>, %arg12: memref<32xi32, #tpu.memory_space<vmem>>, %arg13: memref<16x1024xf32, #tpu.memory_space<vmem>>, %arg14: memref<16x1024xf32, #tpu.memory_space<vmem>>, %arg15: memref<16x1024xf32, #tpu.memory_space<vmem>>, %arg16: memref<16x1024xf32, #tpu.memory_space<vmem>>, %arg17: memref<!tpu.dma_semaphore, #tpu.memory_space<semaphore_mem>>, %arg18: memref<!tpu.dma_semaphore, #tpu.memory_space<semaphore_mem>>, %arg19: memref<!tpu.dma_semaphore, #tpu.memory_space<semaphore_mem>>, %arg20: memref<!tpu.dma_semaphore, #tpu.memory_space<semaphore_mem>>, %arg21: memref<!tpu.dma_semaphore, #tpu.memory_space<semaphore_mem>>, %arg22: memref<!tpu.dma_semaphore, #tpu.memory_space<semaphore_mem>>, %arg23: memref<!tpu.dma_semaphore, #tpu.memory_space<semaphore_mem>>, %arg24: memref<!tpu.dma_semaphore, #tpu.memory_space<semaphore_mem>>) attributes {dimension_semantics = [#tpu.dimension_semantics<core_parallel>, #tpu.dimension_semantics<subcore_parallel>], iteration_bounds = array<i64: 2, 16>, scalar_prefetch = 0 : i64, scratch_operands = 16 : i64, tpu.core_type = #tpu.core_type<sc_vector_subcore>, window_params = [{transform_indices = #map}, {transform_indices = #map}, {transform_indices = #map1}, {transform_indices = #map1}, {transform_indices = #map1}, {transform_indices = #map}, {transform_indices = #map}]} {
    %mul3A = arith.constant 2 : i32
    %mul3A_0 = arith.muli %arg1, %mul3A : i32
    %add3A = arith.addi %mul3A_0, %arg0 : i32
    %mul3A_1 = arith.constant 32 : i32
    %mul3A_2 = arith.muli %add3A, %mul3A_1 : i32
    "tpu.region"() ({
      %run_scoped3A = tpu.sem_alloc : memref<!tpu.dma_semaphore, #tpu.memory_space<semaphore_mem>>
      %dma_start3A_103 = tpu.memref_slice %arg4[%mul3A_2] : memref<1024xi32, #tpu.memory_space<hbm>> -> memref<32xi32, #tpu.memory_space<hbm>>
      %dma_start3A_104 = tpu.memref_slice %arg4[%mul3A_2] : memref<1024xi32, #tpu.memory_space<hbm>> -> memref<32xi32, #tpu.memory_space<hbm>>
      tpu.enqueue_dma source(%dma_start3A_104 : memref<32xi32, #tpu.memory_space<hbm>>) target(%arg9 : memref<32xi32, #tpu.memory_space<vmem>>) target_semaphore(%run_scoped3A : memref<!tpu.dma_semaphore, #tpu.memory_space<semaphore_mem>>)
      %dma_wait3A_105 = tpu.memref_slice %arg4[%mul3A_2] : memref<1024xi32, #tpu.memory_space<hbm>> -> memref<32xi32, #tpu.memory_space<hbm>>
      %dma_wait3A_106 = tpu.memref_slice %arg4[%mul3A_2] : memref<1024xi32, #tpu.memory_space<hbm>> -> memref<32xi32, #tpu.memory_space<hbm>>
      tpu.wait_dma2 semaphore(%run_scoped3A : memref<!tpu.dma_semaphore, #tpu.memory_space<semaphore_mem>>) src(%dma_wait3A_106 : memref<32xi32, #tpu.memory_space<hbm>>) dst(%arg9 : memref<32xi32, #tpu.memory_space<vmem>>)
      tpu.yield
    }) : () -> ()
    "tpu.region"() ({
      %run_scoped3A = tpu.sem_alloc : memref<!tpu.dma_semaphore, #tpu.memory_space<semaphore_mem>>
      %dma_start3A_103 = tpu.memref_slice %arg5[%mul3A_2] : memref<1024xi32, #tpu.memory_space<hbm>> -> memref<32xi32, #tpu.memory_space<hbm>>
      %dma_start3A_104 = tpu.memref_slice %arg5[%mul3A_2] : memref<1024xi32, #tpu.memory_space<hbm>> -> memref<32xi32, #tpu.memory_space<hbm>>
      tpu.enqueue_dma source(%dma_start3A_104 : memref<32xi32, #tpu.memory_space<hbm>>) target(%arg10 : memref<32xi32, #tpu.memory_space<vmem>>) target_semaphore(%run_scoped3A : memref<!tpu.dma_semaphore, #tpu.memory_space<semaphore_mem>>)
      %dma_wait3A_105 = tpu.memref_slice %arg5[%mul3A_2] : memref<1024xi32, #tpu.memory_space<hbm>> -> memref<32xi32, #tpu.memory_space<hbm>>
      %dma_wait3A_106 = tpu.memref_slice %arg5[%mul3A_2] : memref<1024xi32, #tpu.memory_space<hbm>> -> memref<32xi32, #tpu.memory_space<hbm>>
      tpu.wait_dma2 semaphore(%run_scoped3A : memref<!tpu.dma_semaphore, #tpu.memory_space<semaphore_mem>>) src(%dma_wait3A_106 : memref<32xi32, #tpu.memory_space<hbm>>) dst(%arg10 : memref<32xi32, #tpu.memory_space<vmem>>)
      tpu.yield
    }) : () -> ()
    "tpu.region"() ({
      %run_scoped3A = tpu.sem_alloc : memref<!tpu.dma_semaphore, #tpu.memory_space<semaphore_mem>>
      %dma_start3A_103 = tpu.memref_slice %arg6[%mul3A_2] : memref<1024xi32, #tpu.memory_space<hbm>> -> memref<32xi32, #tpu.memory_space<hbm>>
      %dma_start3A_104 = tpu.memref_slice %arg6[%mul3A_2] : memref<1024xi32, #tpu.memory_space<hbm>> -> memref<32xi32, #tpu.memory_space<hbm>>
      tpu.enqueue_dma source(%dma_start3A_104 : memref<32xi32, #tpu.memory_space<hbm>>) target(%arg11 : memref<32xi32, #tpu.memory_space<vmem>>) target_semaphore(%run_scoped3A : memref<!tpu.dma_semaphore, #tpu.memory_space<semaphore_mem>>)
      %dma_wait3A_105 = tpu.memref_slice %arg6[%mul3A_2] : memref<1024xi32, #tpu.memory_space<hbm>> -> memref<32xi32, #tpu.memory_space<hbm>>
      %dma_wait3A_106 = tpu.memref_slice %arg6[%mul3A_2] : memref<1024xi32, #tpu.memory_space<hbm>> -> memref<32xi32, #tpu.memory_space<hbm>>
      tpu.wait_dma2 semaphore(%run_scoped3A : memref<!tpu.dma_semaphore, #tpu.memory_space<semaphore_mem>>) src(%dma_wait3A_106 : memref<32xi32, #tpu.memory_space<hbm>>) dst(%arg11 : memref<32xi32, #tpu.memory_space<vmem>>)
      tpu.yield
    }) : () -> ()
    %get3A = arith.constant 0 : index
    %get3A_3 = tpu.vector_load %arg9[%get3A] {strides = array<i32>} : memref<32xi32, #tpu.memory_space<vmem>>, vector<16xi32>,
    %get3A_4 = vector.shape_cast %get3A_3 : vector<16xi32> to vector<16xi32>
    %mul3A_5 = arith.constant 2048 : i32
    %mul3A_6 = vector.broadcast %mul3A_5 : i32 to vector<16xi32>
    %mul3A_7 = arith.muli %get3A_4, %mul3A_6 : vector<16xi32>
    %get3A_8 = arith.constant 0 : index
    %get3A_9 = tpu.vector_load %arg10[%get3A_8] {strides = array<i32>} : memref<32xi32, #tpu.memory_space<vmem>>, vector<16xi32>,
    %get3A_10 = vector.shape_cast %get3A_9 : vector<16xi32> to vector<16xi32>
    %add3A_11 = arith.addi %mul3A_7, %get3A_10 : vector<16xi32>
    %swap3A = arith.constant 0 : index
    %swap3A_12 = tpu.vector_load %arg12[%swap3A] {strides = array<i32>} : memref<32xi32, #tpu.memory_space<vmem>>, vector<16xi32>,
    %swap3A_13 = vector.shape_cast %swap3A_12 : vector<16xi32> to vector<16xi32>
    %swap3A_14 = vector.shape_cast %add3A_11 : vector<16xi32> to vector<16xi32>
    tpu.vector_store %arg12[%swap3A], %swap3A_14 {strides = array<i32>} : memref<32xi32, #tpu.memory_space<vmem>>, vector<16xi32>,
    %get3A_15 = arith.constant 16 : index
    %get3A_16 = tpu.vector_load %arg9[%get3A_15] {strides = array<i32>} : memref<32xi32, #tpu.memory_space<vmem>>, vector<16xi32>,
    %get3A_17 = vector.shape_cast %get3A_16 : vector<16xi32> to vector<16xi32>
    %mul3A_18 = arith.constant 2048 : i32
    %mul3A_19 = vector.broadcast %mul3A_18 : i32 to vector<16xi32>
    %mul3A_20 = arith.muli %get3A_17, %mul3A_19 : vector<16xi32>
    %get3A_21 = arith.constant 16 : index
    %get3A_22 = tpu.vector_load %arg10[%get3A_21] {strides = array<i32>} : memref<32xi32, #tpu.memory_space<vmem>>, vector<16xi32>,
    %get3A_23 = vector.shape_cast %get3A_22 : vector<16xi32> to vector<16xi32>
    %add3A_24 = arith.addi %mul3A_20, %get3A_23 : vector<16xi32>
    %swap3A_25 = arith.constant 16 : index
    %swap3A_26 = tpu.vector_load %arg12[%swap3A_25] {strides = array<i32>} : memref<32xi32, #tpu.memory_space<vmem>>, vector<16xi32>,
    %swap3A_27 = vector.shape_cast %swap3A_26 : vector<16xi32> to vector<16xi32>
    %swap3A_28 = vector.shape_cast %add3A_24 : vector<16xi32> to vector<16xi32>
    tpu.vector_store %arg12[%swap3A_25], %swap3A_28 {strides = array<i32>} : memref<32xi32, #tpu.memory_space<vmem>>, vector<16xi32>,
    %dma_start3A = arith.constant 0 : i32
    %dma_start3A_29 = tpu.memref_slice %arg12[%dma_start3A] : memref<32xi32, #tpu.memory_space<vmem>> -> memref<16xi32, #tpu.memory_space<vmem>>
    %dma_start3A_30 = arith.constant 0 : i32
    %dma_start3A_31 = arith.constant 0 : i32
    %dma_start3A_32 = tpu.memref_slice %arg2[%dma_start3A_30, %dma_start3A_31] : memref<16384x1024xf32, #tpu.memory_space<hbm>> -> memref<16384x1024xf32, #tpu.memory_space<hbm>>
    tpu.enqueue_indirect_dma source(%dma_start3A_32 : memref<16384x1024xf32, #tpu.memory_space<hbm>>) target(%arg13 : memref<16x1024xf32, #tpu.memory_space<vmem>>) offsets(%dma_start3A_29 : memref<16xi32, #tpu.memory_space<vmem>>) semaphore(%arg17 : memref<!tpu.dma_semaphore, #tpu.memory_space<semaphore_mem>>)
    %dma_start3A_33 = arith.constant 0 : i32
    %dma_start3A_34 = tpu.memref_slice %arg11[%dma_start3A_33] : memref<32xi32, #tpu.memory_space<vmem>> -> memref<16xi32, #tpu.memory_space<vmem>>
    %dma_start3A_35 = arith.constant 0 : i32
    %dma_start3A_36 = arith.constant 0 : i32
    %dma_start3A_37 = tpu.memref_slice %arg3[%dma_start3A_35, %dma_start3A_36] : memref<1024x1024xf32, #tpu.memory_space<hbm>> -> memref<1024x1024xf32, #tpu.memory_space<hbm>>
    tpu.enqueue_indirect_dma source(%dma_start3A_37 : memref<1024x1024xf32, #tpu.memory_space<hbm>>) target(%arg15 : memref<16x1024xf32, #tpu.memory_space<vmem>>) offsets(%dma_start3A_34 : memref<16xi32, #tpu.memory_space<vmem>>) semaphore(%arg19 : memref<!tpu.dma_semaphore, #tpu.memory_space<semaphore_mem>>)
    %dma_start3A_38 = arith.constant 16 : i32
    %dma_start3A_39 = tpu.memref_slice %arg12[%dma_start3A_38] : memref<32xi32, #tpu.memory_space<vmem>> -> memref<16xi32, #tpu.memory_space<vmem>>
    %dma_start3A_40 = arith.constant 0 : i32
    %dma_start3A_41 = arith.constant 0 : i32
    %dma_start3A_42 = tpu.memref_slice %arg2[%dma_start3A_40, %dma_start3A_41] : memref<16384x1024xf32, #tpu.memory_space<hbm>> -> memref<16384x1024xf32, #tpu.memory_space<hbm>>
    tpu.enqueue_indirect_dma source(%dma_start3A_42 : memref<16384x1024xf32, #tpu.memory_space<hbm>>) target(%arg14 : memref<16x1024xf32, #tpu.memory_space<vmem>>) offsets(%dma_start3A_39 : memref<16xi32, #tpu.memory_space<vmem>>) semaphore(%arg18 : memref<!tpu.dma_semaphore, #tpu.memory_space<semaphore_mem>>)
    %dma_start3A_43 = arith.constant 16 : i32
    %dma_start3A_44 = tpu.memref_slice %arg11[%dma_start3A_43] : memref<32xi32, #tpu.memory_space<vmem>> -> memref<16xi32, #tpu.memory_space<vmem>>
    %dma_start3A_45 = arith.constant 0 : i32
    %dma_start3A_46 = arith.constant 0 : i32
    %dma_start3A_47 = tpu.memref_slice %arg3[%dma_start3A_45, %dma_start3A_46] : memref<1024x1024xf32, #tpu.memory_space<hbm>> -> memref<1024x1024xf32, #tpu.memory_space<hbm>>
    tpu.enqueue_indirect_dma source(%dma_start3A_47 : memref<1024x1024xf32, #tpu.memory_space<hbm>>) target(%arg16 : memref<16x1024xf32, #tpu.memory_space<vmem>>) offsets(%dma_start3A_44 : memref<16xi32, #tpu.memory_space<vmem>>) semaphore(%arg20 : memref<!tpu.dma_semaphore, #tpu.memory_space<semaphore_mem>>)
    %dma_wait3A = arith.constant 0 : i32
    %dma_wait3A_48 = tpu.memref_slice %arg12[%dma_wait3A] : memref<32xi32, #tpu.memory_space<vmem>> -> memref<16xi32, #tpu.memory_space<vmem>>
    %dma_wait3A_49 = arith.constant 0 : i32
    %dma_wait3A_50 = arith.constant 0 : i32
    %dma_wait3A_51 = tpu.memref_slice %arg2[%dma_wait3A_49, %dma_wait3A_50] : memref<16384x1024xf32, #tpu.memory_space<hbm>> -> memref<16384x1024xf32, #tpu.memory_space<hbm>>
    tpu.wait_indirect_dma semaphore(%arg17 : memref<!tpu.dma_semaphore, #tpu.memory_space<semaphore_mem>>) src(%dma_wait3A_51 : memref<16384x1024xf32, #tpu.memory_space<hbm>>) dst(%arg13 : memref<16x1024xf32, #tpu.memory_space<vmem>>)
    %dma_wait3A_52 = arith.constant 0 : i32
    %dma_wait3A_53 = tpu.memref_slice %arg11[%dma_wait3A_52] : memref<32xi32, #tpu.memory_space<vmem>> -> memref<16xi32, #tpu.memory_space<vmem>>
    %dma_wait3A_54 = arith.constant 0 : i32
    %dma_wait3A_55 = arith.constant 0 : i32
    %dma_wait3A_56 = tpu.memref_slice %arg3[%dma_wait3A_54, %dma_wait3A_55] : memref<1024x1024xf32, #tpu.memory_space<hbm>> -> memref<1024x1024xf32, #tpu.memory_space<hbm>>
    tpu.wait_indirect_dma semaphore(%arg19 : memref<!tpu.dma_semaphore, #tpu.memory_space<semaphore_mem>>) src(%dma_wait3A_56 : memref<1024x1024xf32, #tpu.memory_space<hbm>>) dst(%arg15 : memref<16x1024xf32, #tpu.memory_space<vmem>>)
    %add3A_57 = arith.constant 0 : i32
    %add3A_58 = arith.addi %mul3A_2, %add3A_57 : i32
    %dma_start3A_59 = arith.constant 0 : i32
    %dma_start3A_60 = tpu.memref_slice %arg7[%add3A_58, %dma_start3A_59] : memref<1024x1024xf32, #tpu.memory_space<hbm>> -> memref<16x1024xf32, #tpu.memory_space<hbm>>
    %dma_start3A_61 = arith.constant 0 : i32
    %dma_start3A_62 = tpu.memref_slice %arg7[%add3A_58, %dma_start3A_61] : memref<1024x1024xf32, #tpu.memory_space<hbm>> -> memref<16x1024xf32, #tpu.memory_space<hbm>>
    tpu.enqueue_dma source(%arg13 : memref<16x1024xf32, #tpu.memory_space<vmem>>) target(%dma_start3A_62 : memref<16x1024xf32, #tpu.memory_space<hbm>>) target_semaphore(%arg21 : memref<!tpu.dma_semaphore, #tpu.memory_space<semaphore_mem>>)
    %dma_start3A_63 = arith.constant 0 : i32
    %dma_start3A_64 = tpu.memref_slice %arg8[%add3A_58, %dma_start3A_63] : memref<1024x1024xf32, #tpu.memory_space<hbm>> -> memref<16x1024xf32, #tpu.memory_space<hbm>>
    %dma_start3A_65 = arith.constant 0 : i32
    %dma_start3A_66 = tpu.memref_slice %arg8[%add3A_58, %dma_start3A_65] : memref<1024x1024xf32, #tpu.memory_space<hbm>> -> memref<16x1024xf32, #tpu.memory_space<hbm>>
    tpu.enqueue_dma source(%arg15 : memref<16x1024xf32, #tpu.memory_space<vmem>>) target(%dma_start3A_66 : memref<16x1024xf32, #tpu.memory_space<hbm>>) target_semaphore(%arg23 : memref<!tpu.dma_semaphore, #tpu.memory_space<semaphore_mem>>)
    %dma_wait3A_67 = arith.constant 16 : i32
    %dma_wait3A_68 = tpu.memref_slice %arg12[%dma_wait3A_67] : memref<32xi32, #tpu.memory_space<vmem>> -> memref<16xi32, #tpu.memory_space<vmem>>
    %dma_wait3A_69 = arith.constant 0 : i32
    %dma_wait3A_70 = arith.constant 0 : i32
    %dma_wait3A_71 = tpu.memref_slice %arg2[%dma_wait3A_69, %dma_wait3A_70] : memref<16384x1024xf32, #tpu.memory_space<hbm>> -> memref<16384x1024xf32, #tpu.memory_space<hbm>>
    tpu.wait_indirect_dma semaphore(%arg18 : memref<!tpu.dma_semaphore, #tpu.memory_space<semaphore_mem>>) src(%dma_wait3A_71 : memref<16384x1024xf32, #tpu.memory_space<hbm>>) dst(%arg14 : memref<16x1024xf32, #tpu.memory_space<vmem>>)
    %dma_wait3A_72 = arith.constant 16 : i32
    %dma_wait3A_73 = tpu.memref_slice %arg11[%dma_wait3A_72] : memref<32xi32, #tpu.memory_space<vmem>> -> memref<16xi32, #tpu.memory_space<vmem>>
    %dma_wait3A_74 = arith.constant 0 : i32
    %dma_wait3A_75 = arith.constant 0 : i32
    %dma_wait3A_76 = tpu.memref_slice %arg3[%dma_wait3A_74, %dma_wait3A_75] : memref<1024x1024xf32, #tpu.memory_space<hbm>> -> memref<1024x1024xf32, #tpu.memory_space<hbm>>
    tpu.wait_indirect_dma semaphore(%arg20 : memref<!tpu.dma_semaphore, #tpu.memory_space<semaphore_mem>>) src(%dma_wait3A_76 : memref<1024x1024xf32, #tpu.memory_space<hbm>>) dst(%arg16 : memref<16x1024xf32, #tpu.memory_space<vmem>>)
    %add3A_77 = arith.constant 16 : i32
    %add3A_78 = arith.addi %mul3A_2, %add3A_77 : i32
    %dma_start3A_79 = arith.constant 0 : i32
    %dma_start3A_80 = tpu.memref_slice %arg7[%add3A_78, %dma_start3A_79] : memref<1024x1024xf32, #tpu.memory_space<hbm>> -> memref<16x1024xf32, #tpu.memory_space<hbm>>
    %dma_start3A_81 = arith.constant 0 : i32
    %dma_start3A_82 = tpu.memref_slice %arg7[%add3A_78, %dma_start3A_81] : memref<1024x1024xf32, #tpu.memory_space<hbm>> -> memref<16x1024xf32, #tpu.memory_space<hbm>>
    tpu.enqueue_dma source(%arg14 : memref<16x1024xf32, #tpu.memory_space<vmem>>) target(%dma_start3A_82 : memref<16x1024xf32, #tpu.memory_space<hbm>>) target_semaphore(%arg22 : memref<!tpu.dma_semaphore, #tpu.memory_space<semaphore_mem>>)
    %dma_start3A_83 = arith.constant 0 : i32
    %dma_start3A_84 = tpu.memref_slice %arg8[%add3A_78, %dma_start3A_83] : memref<1024x1024xf32, #tpu.memory_space<hbm>> -> memref<16x1024xf32, #tpu.memory_space<hbm>>
    %dma_start3A_85 = arith.constant 0 : i32
    %dma_start3A_86 = tpu.memref_slice %arg8[%add3A_78, %dma_start3A_85] : memref<1024x1024xf32, #tpu.memory_space<hbm>> -> memref<16x1024xf32, #tpu.memory_space<hbm>>
    tpu.enqueue_dma source(%arg16 : memref<16x1024xf32, #tpu.memory_space<vmem>>) target(%dma_start3A_86 : memref<16x1024xf32, #tpu.memory_space<hbm>>) target_semaphore(%arg24 : memref<!tpu.dma_semaphore, #tpu.memory_space<semaphore_mem>>)
    %dma_wait3A_87 = arith.constant 0 : i32
    %dma_wait3A_88 = tpu.memref_slice %arg7[%add3A_58, %dma_wait3A_87] : memref<1024x1024xf32, #tpu.memory_space<hbm>> -> memref<16x1024xf32, #tpu.memory_space<hbm>>
    %dma_wait3A_89 = arith.constant 0 : i32
    %dma_wait3A_90 = tpu.memref_slice %arg7[%add3A_58, %dma_wait3A_89] : memref<1024x1024xf32, #tpu.memory_space<hbm>> -> memref<16x1024xf32, #tpu.memory_space<hbm>>
    tpu.wait_dma2 semaphore(%arg21 : memref<!tpu.dma_semaphore, #tpu.memory_space<semaphore_mem>>) src(%arg13 : memref<16x1024xf32, #tpu.memory_space<vmem>>) dst(%dma_wait3A_90 : memref<16x1024xf32, #tpu.memory_space<hbm>>)
    %dma_wait3A_91 = arith.constant 0 : i32
    %dma_wait3A_92 = tpu.memref_slice %arg8[%add3A_58, %dma_wait3A_91] : memref<1024x1024xf32, #tpu.memory_space<hbm>> -> memref<16x1024xf32, #tpu.memory_space<hbm>>
    %dma_wait3A_93 = arith.constant 0 : i32
    %dma_wait3A_94 = tpu.memref_slice %arg8[%add3A_58, %dma_wait3A_93] : memref<1024x1024xf32, #tpu.memory_space<hbm>> -> memref<16x1024xf32, #tpu.memory_space<hbm>>
    tpu.wait_dma2 semaphore(%arg23 : memref<!tpu.dma_semaphore, #tpu.memory_space<semaphore_mem>>) src(%arg15 : memref<16x1024xf32, #tpu.memory_space<vmem>>) dst(%dma_wait3A_94 : memref<16x1024xf32, #tpu.memory_space<hbm>>)
    %dma_wait3A_95 = arith.constant 0 : i32
    %dma_wait3A_96 = tpu.memref_slice %arg7[%add3A_78, %dma_wait3A_95] : memref<1024x1024xf32, #tpu.memory_space<hbm>> -> memref<16x1024xf32, #tpu.memory_space<hbm>>
    %dma_wait3A_97 = arith.constant 0 : i32
    %dma_wait3A_98 = tpu.memref_slice %arg7[%add3A_78, %dma_wait3A_97] : memref<1024x1024xf32, #tpu.memory_space<hbm>> -> memref<16x1024xf32, #tpu.memory_space<hbm>>
    tpu.wait_dma2 semaphore(%arg22 : memref<!tpu.dma_semaphore, #tpu.memory_space<semaphore_mem>>) src(%arg14 : memref<16x1024xf32, #tpu.memory_space<vmem>>) dst(%dma_wait3A_98 : memref<16x1024xf32, #tpu.memory_space<hbm>>)
    %dma_wait3A_99 = arith.constant 0 : i32
    %dma_wait3A_100 = tpu.memref_slice %arg8[%add3A_78, %dma_wait3A_99] : memref<1024x1024xf32, #tpu.memory_space<hbm>> -> memref<16x1024xf32, #tpu.memory_space<hbm>>
    %dma_wait3A_101 = arith.constant 0 : i32
    %dma_wait3A_102 = tpu.memref_slice %arg8[%add3A_78, %dma_wait3A_101] : memref<1024x1024xf32, #tpu.memory_space<hbm>> -> memref<16x1024xf32, #tpu.memory_space<hbm>>
    tpu.wait_dma2 semaphore(%arg24 : memref<!tpu.dma_semaphore, #tpu.memory_space<semaphore_mem>>) src(%arg16 : memref<16x1024xf32, #tpu.memory_space<vmem>>) dst(%dma_wait3A_102 : memref<16x1024xf32, #tpu.memory_space<hbm>>)
    return
  }
}

module attributes {stable_mosaic.version = 14 : i64} {
  func.func @_tr_body(%arg0: i32, %arg1: i32, %arg2: memref<1x1024x512xf32, #tpu.memory_space<vmem>>, %arg3: memref<512x1024xf32, #tpu.memory_space<vmem>>) attributes {dimension_semantics = [#tpu.dimension_semantics<arbitrary>, #tpu.dimension_semantics<arbitrary>], iteration_bounds = array<i64: 8, 4>, scalar_prefetch = 0 : i64, scratch_operands = 0 : i64, tpu.core_type = #tpu.core_type<tc>, window_params = [{transform_indices = @transform_0, window_bounds = array<i64: 1, 1024, 512>}, {transform_indices = @transform_1, window_bounds = array<i64: 512, 1024>}]} {
    %get3A = arith.constant 0 : index
    %get3A_0 = arith.constant 0 : index
    %get3A_1 = arith.constant 0 : index
    %get3A_2 = vector.load %arg2[%get3A, %get3A_0, %get3A_1] : memref<1x1024x512xf32, #tpu.memory_space<vmem>>, vector<1x1024x512xf32>
    %get3A_3 = vector.shape_cast %get3A_2 : vector<1x1024x512xf32> to vector<1024x512xf32>
    %transpose3A = tpu.transpose %get3A_3, [1, 0] : vector<1024x512xf32> -> vector<512x1024xf32>
    %swap3A = arith.constant 0 : index
    %swap3A_4 = arith.constant 0 : index
    %swap3A_5 = vector.load %arg3[%swap3A, %swap3A_4] : memref<512x1024xf32, #tpu.memory_space<vmem>>, vector<512x1024xf32>
    tpu.vector_store %arg3[%swap3A, %swap3A_4], %transpose3A {strides = array<i32>} : memref<512x1024xf32, #tpu.memory_space<vmem>>, vector<512x1024xf32>,
    return
  }
  func.func @transform_0(%arg0: i32, %arg1: i32) -> (i32, i32, i32) {
    %c0_i32 = arith.constant 0 : i32
    %c0_i32_0 = arith.constant 0 : i32
    return %arg0, %c0_i32, %arg1 : i32, i32, i32
  }
  func.func @transform_1(%arg0: i32, %arg1: i32) -> (i32, i32) {
    %mul3A = arith.constant 4 : i32
    %mul3A_0 = arith.muli %arg0, %mul3A : i32
    %add3A = arith.addi %mul3A_0, %arg1 : i32
    %c0_i32 = arith.constant 0 : i32
    %c0_i32_1 = arith.constant 0 : i32
    return %add3A, %c0_i32 : i32, i32
  }
}

module attributes {stable_mosaic.version = 14 : i64} {
  func.func @_tc_body(%arg0: i32, %arg1: memref<512x128xi32, #tpu.memory_space<vmem>>, %arg2: memref<512x128xi32, #tpu.memory_space<vmem>>, %arg3: memref<512x1024xf32, #tpu.memory_space<vmem>>, %arg4: memref<512x1024xf32, #tpu.memory_space<vmem>>, %arg5: memref<8x1024xf32, #tpu.memory_space<vmem>>, %arg6: memref<512x128xf32, #tpu.memory_space<vmem>>) attributes {dimension_semantics = [#tpu.dimension_semantics<arbitrary>], iteration_bounds = array<i64: 2>, scalar_prefetch = 0 : i64, scratch_operands = 0 : i64, tpu.core_type = #tpu.core_type<tc>, window_params = [{transform_indices = @transform_0, window_bounds = array<i64: 512, 128>}, {transform_indices = @transform_1, window_bounds = array<i64: 512, 128>}, {transform_indices = @transform_2, window_bounds = array<i64: 512, 1024>}, {transform_indices = @transform_3, window_bounds = array<i64: 512, 1024>}, {pipeline_mode = #tpu.pipeline_mode<synchronous>, transform_indices = @transform_4, window_bounds = array<i64: 8, 1024>}, {transform_indices = @transform_5, window_bounds = array<i64: 512, 128>}]} {
    %get3A = arith.constant 0 : index
    %get3A_0 = arith.constant 0 : index
    %get3A_1 = vector.load %arg3[%get3A, %get3A_0] : memref<512x1024xf32, #tpu.memory_space<vmem>>, vector<512x1024xf32>
    %get3A_2 = arith.constant 0 : index
    %get3A_3 = arith.constant 0 : index
    %get3A_4 = vector.load %arg4[%get3A_2, %get3A_3] : memref<512x1024xf32, #tpu.memory_space<vmem>>, vector<512x1024xf32>
    %gt3A = arith.constant 0.000000e+00 : f32
    %gt3A_5 = vector.broadcast %gt3A : f32 to vector<512x1024xf32>
    %gt3A_6 = arith.cmpf ogt, %get3A_1, %gt3A_5 : vector<512x1024xf32>
    %jit3A = arith.constant 0.000000e+00 : f32
    %broadcast_in_dim3A = vector.broadcast %jit3A : f32 to vector<512x1024xf32>
    %select_n3A = arith.select %gt3A_6, %get3A_4, %broadcast_in_dim3A : vector<512x1024xi1>, vector<512x1024xf32>
    %bitcast_convert_type3A = tpu.bitcast %select_n3A : vector<512x1024xf32> -> vector<512x1024xi32>
    %ge3A = arith.constant 0 : i32
    %ge3A_7 = vector.broadcast %ge3A : i32 to vector<512x1024xi32>
    %ge3A_8 = arith.cmpi sge, %bitcast_convert_type3A, %ge3A_7 : vector<512x1024xi32>
    %xor3A = arith.constant 2147483647 : i32
    %xor3A_9 = vector.broadcast %xor3A : i32 to vector<512x1024xi32>
    %xor3A_10 = arith.xori %bitcast_convert_type3A, %xor3A_9 : vector<512x1024xi32>
    %select_n3A_11 = arith.select %ge3A_8, %bitcast_convert_type3A, %xor3A_10 : vector<512x1024xi1>, vector<512x1024xi32>
    %get3A_12 = arith.constant 0 : index
    %get3A_13 = arith.constant 0 : index
    %get3A_14 = vector.load %arg1[%get3A_12, %get3A_13] : memref<512x128xi32, #tpu.memory_space<vmem>>, vector<512x1xi32>
    %get3A_15 = arith.constant 0 : index
    %get3A_16 = arith.constant 0 : index
    %get3A_17 = vector.load %arg2[%get3A_15, %get3A_16] : memref<512x128xi32, #tpu.memory_space<vmem>>, vector<512x1xi32>
    %broadcast_in_dim3A_18 = arith.constant 0.000000e+00 : f32
    %broadcast_in_dim3A_19 = vector.broadcast %broadcast_in_dim3A_18 : f32 to vector<512x1024xf32>
    %eq3A = arith.constant 0 : i32
    %eq3A_20 = vector.broadcast %eq3A : i32 to vector<512x1xi32>
    %eq3A_21 = arith.cmpi eq, %get3A_14, %eq3A_20 : vector<512x1xi32>
    %get3A_22 = arith.constant 0 : index
    %get3A_23 = arith.constant 0 : index
    %get3A_24 = vector.load %arg5[%get3A_22, %get3A_23] : memref<8x1024xf32, #tpu.memory_space<vmem>>, vector<1x1024xf32>
    %broadcast_in_dim3A_25 = vector.shape_cast %eq3A_21 : vector<512x1xi1> to vector<512x1xi1>
    %broadcast_in_dim3A_26 = vector.broadcast %broadcast_in_dim3A_25 : vector<512x1xi1> to vector<512x1024xi1>
    %broadcast_in_dim3A_27 = vector.shape_cast %get3A_24 : vector<1x1024xf32> to vector<1x1024xf32>
    %broadcast_in_dim3A_28 = vector.broadcast %broadcast_in_dim3A_27 : vector<1x1024xf32> to vector<512x1024xf32>
    %select_n3A_29 = arith.select %broadcast_in_dim3A_26, %broadcast_in_dim3A_28, %broadcast_in_dim3A_19 : vector<512x1024xi1>, vector<512x1024xf32>
    %eq3A_30 = arith.constant 1 : i32
    %eq3A_31 = vector.broadcast %eq3A_30 : i32 to vector<512x1xi32>
    %eq3A_32 = arith.cmpi eq, %get3A_14, %eq3A_31 : vector<512x1xi32>
    %get3A_33 = arith.constant 1 : index
    %get3A_34 = arith.constant 0 : index
    %get3A_35 = vector.load %arg5[%get3A_33, %get3A_34] : memref<8x1024xf32, #tpu.memory_space<vmem>>, vector<1x1024xf32>
    %broadcast_in_dim3A_36 = vector.shape_cast %eq3A_32 : vector<512x1xi1> to vector<512x1xi1>
    %broadcast_in_dim3A_37 = vector.broadcast %broadcast_in_dim3A_36 : vector<512x1xi1> to vector<512x1024xi1>
    %broadcast_in_dim3A_38 = vector.shape_cast %get3A_35 : vector<1x1024xf32> to vector<1x1024xf32>
    %broadcast_in_dim3A_39 = vector.broadcast %broadcast_in_dim3A_38 : vector<1x1024xf32> to vector<512x1024xf32>
    %select_n3A_40 = arith.select %broadcast_in_dim3A_37, %broadcast_in_dim3A_39, %select_n3A_29 : vector<512x1024xi1>, vector<512x1024xf32>
    %eq3A_41 = arith.constant 2 : i32
    %eq3A_42 = vector.broadcast %eq3A_41 : i32 to vector<512x1xi32>
    %eq3A_43 = arith.cmpi eq, %get3A_14, %eq3A_42 : vector<512x1xi32>
    %get3A_44 = arith.constant 2 : index
    %get3A_45 = arith.constant 0 : index
    %get3A_46 = vector.load %arg5[%get3A_44, %get3A_45] : memref<8x1024xf32, #tpu.memory_space<vmem>>, vector<1x1024xf32>
    %broadcast_in_dim3A_47 = vector.shape_cast %eq3A_43 : vector<512x1xi1> to vector<512x1xi1>
    %broadcast_in_dim3A_48 = vector.broadcast %broadcast_in_dim3A_47 : vector<512x1xi1> to vector<512x1024xi1>
    %broadcast_in_dim3A_49 = vector.shape_cast %get3A_46 : vector<1x1024xf32> to vector<1x1024xf32>
    %broadcast_in_dim3A_50 = vector.broadcast %broadcast_in_dim3A_49 : vector<1x1024xf32> to vector<512x1024xf32>
    %select_n3A_51 = arith.select %broadcast_in_dim3A_48, %broadcast_in_dim3A_50, %select_n3A_40 : vector<512x1024xi1>, vector<512x1024xf32>
    %eq3A_52 = arith.constant 3 : i32
    %eq3A_53 = vector.broadcast %eq3A_52 : i32 to vector<512x1xi32>
    %eq3A_54 = arith.cmpi eq, %get3A_14, %eq3A_53 : vector<512x1xi32>
    %get3A_55 = arith.constant 3 : index
    %get3A_56 = arith.constant 0 : index
    %get3A_57 = vector.load %arg5[%get3A_55, %get3A_56] : memref<8x1024xf32, #tpu.memory_space<vmem>>, vector<1x1024xf32>
    %broadcast_in_dim3A_58 = vector.shape_cast %eq3A_54 : vector<512x1xi1> to vector<512x1xi1>
    %broadcast_in_dim3A_59 = vector.broadcast %broadcast_in_dim3A_58 : vector<512x1xi1> to vector<512x1024xi1>
    %broadcast_in_dim3A_60 = vector.shape_cast %get3A_57 : vector<1x1024xf32> to vector<1x1024xf32>
    %broadcast_in_dim3A_61 = vector.broadcast %broadcast_in_dim3A_60 : vector<1x1024xf32> to vector<512x1024xf32>
    %select_n3A_62 = arith.select %broadcast_in_dim3A_59, %broadcast_in_dim3A_61, %select_n3A_51 : vector<512x1024xi1>, vector<512x1024xf32>
    %eq3A_63 = arith.constant 4 : i32
    %eq3A_64 = vector.broadcast %eq3A_63 : i32 to vector<512x1xi32>
    %eq3A_65 = arith.cmpi eq, %get3A_14, %eq3A_64 : vector<512x1xi32>
    %get3A_66 = arith.constant 4 : index
    %get3A_67 = arith.constant 0 : index
    %get3A_68 = vector.load %arg5[%get3A_66, %get3A_67] : memref<8x1024xf32, #tpu.memory_space<vmem>>, vector<1x1024xf32>
    %broadcast_in_dim3A_69 = vector.shape_cast %eq3A_65 : vector<512x1xi1> to vector<512x1xi1>
    %broadcast_in_dim3A_70 = vector.broadcast %broadcast_in_dim3A_69 : vector<512x1xi1> to vector<512x1024xi1>
    %broadcast_in_dim3A_71 = vector.shape_cast %get3A_68 : vector<1x1024xf32> to vector<1x1024xf32>
    %broadcast_in_dim3A_72 = vector.broadcast %broadcast_in_dim3A_71 : vector<1x1024xf32> to vector<512x1024xf32>
    %select_n3A_73 = arith.select %broadcast_in_dim3A_70, %broadcast_in_dim3A_72, %select_n3A_62 : vector<512x1024xi1>, vector<512x1024xf32>
    %eq3A_74 = arith.constant 5 : i32
    %eq3A_75 = vector.broadcast %eq3A_74 : i32 to vector<512x1xi32>
    %eq3A_76 = arith.cmpi eq, %get3A_14, %eq3A_75 : vector<512x1xi32>
    %get3A_77 = arith.constant 5 : index
    %get3A_78 = arith.constant 0 : index
    %get3A_79 = vector.load %arg5[%get3A_77, %get3A_78] : memref<8x1024xf32, #tpu.memory_space<vmem>>, vector<1x1024xf32>
    %broadcast_in_dim3A_80 = vector.shape_cast %eq3A_76 : vector<512x1xi1> to vector<512x1xi1>
    %broadcast_in_dim3A_81 = vector.broadcast %broadcast_in_dim3A_80 : vector<512x1xi1> to vector<512x1024xi1>
    %broadcast_in_dim3A_82 = vector.shape_cast %get3A_79 : vector<1x1024xf32> to vector<1x1024xf32>
    %broadcast_in_dim3A_83 = vector.broadcast %broadcast_in_dim3A_82 : vector<1x1024xf32> to vector<512x1024xf32>
    %select_n3A_84 = arith.select %broadcast_in_dim3A_81, %broadcast_in_dim3A_83, %select_n3A_73 : vector<512x1024xi1>, vector<512x1024xf32>
    %eq3A_85 = arith.constant 6 : i32
    %eq3A_86 = vector.broadcast %eq3A_85 : i32 to vector<512x1xi32>
    %eq3A_87 = arith.cmpi eq, %get3A_14, %eq3A_86 : vector<512x1xi32>
    %get3A_88 = arith.constant 6 : index
    %get3A_89 = arith.constant 0 : index
    %get3A_90 = vector.load %arg5[%get3A_88, %get3A_89] : memref<8x1024xf32, #tpu.memory_space<vmem>>, vector<1x1024xf32>
    %broadcast_in_dim3A_91 = vector.shape_cast %eq3A_87 : vector<512x1xi1> to vector<512x1xi1>
    %broadcast_in_dim3A_92 = vector.broadcast %broadcast_in_dim3A_91 : vector<512x1xi1> to vector<512x1024xi1>
    %broadcast_in_dim3A_93 = vector.shape_cast %get3A_90 : vector<1x1024xf32> to vector<1x1024xf32>
    %broadcast_in_dim3A_94 = vector.broadcast %broadcast_in_dim3A_93 : vector<1x1024xf32> to vector<512x1024xf32>
    %select_n3A_95 = arith.select %broadcast_in_dim3A_92, %broadcast_in_dim3A_94, %select_n3A_84 : vector<512x1024xi1>, vector<512x1024xf32>
    %eq3A_96 = arith.constant 7 : i32
    %eq3A_97 = vector.broadcast %eq3A_96 : i32 to vector<512x1xi32>
    %eq3A_98 = arith.cmpi eq, %get3A_14, %eq3A_97 : vector<512x1xi32>
    %get3A_99 = arith.constant 7 : index
    %get3A_100 = arith.constant 0 : index
    %get3A_101 = vector.load %arg5[%get3A_99, %get3A_100] : memref<8x1024xf32, #tpu.memory_space<vmem>>, vector<1x1024xf32>
    %broadcast_in_dim3A_102 = vector.shape_cast %eq3A_98 : vector<512x1xi1> to vector<512x1xi1>
    %broadcast_in_dim3A_103 = vector.broadcast %broadcast_in_dim3A_102 : vector<512x1xi1> to vector<512x1024xi1>
    %broadcast_in_dim3A_104 = vector.shape_cast %get3A_101 : vector<1x1024xf32> to vector<1x1024xf32>
    %broadcast_in_dim3A_105 = vector.broadcast %broadcast_in_dim3A_104 : vector<1x1024xf32> to vector<512x1024xf32>
    %select_n3A_106 = arith.select %broadcast_in_dim3A_103, %broadcast_in_dim3A_105, %select_n3A_95 : vector<512x1024xi1>, vector<512x1024xf32>
    %broadcast_in_dim3A_107 = arith.constant -1069547521 : i32
    %broadcast_in_dim3A_108 = vector.broadcast %broadcast_in_dim3A_107 : i32 to vector<512x1xi32>
    %scan3A = arith.constant 0 : i32
    %scan3A_109 = arith.constant 31 : i32
    %scan3A_110 = arith.addi %scan3A, %scan3A_109 : i32
    %scan3A_111 = arith.constant 1 : i32
    %scan3A_112 = scf.for %scan3A_186 = %scan3A to %scan3A_110 step %scan3A_111 iter_args(%scan3A_187 = %broadcast_in_dim3A_108) -> (vector<512x1xi32>)  : i32 {
      %sub3A_188 = arith.constant 30 : i32
      %sub3A_189 = arith.subi %sub3A_188, %scan3A_186 : i32
      %shift_left3A = arith.constant 1 : i32
      %shift_left3A_190 = arith.shli %shift_left3A, %sub3A_189 : i32
      %add3A_191 = vector.broadcast %shift_left3A_190 : i32 to vector<512x1xi32>
      %add3A_192 = arith.addi %scan3A_187, %add3A_191 : vector<512x1xi32>
      %gt3A_193 = vector.broadcast %add3A_192 : vector<512x1xi32> to vector<512x1024xi32>
      %gt3A_194 = arith.cmpi sgt, %select_n3A_11, %gt3A_193 : vector<512x1024xi32>
      %convert_element_type3A = arith.extui %gt3A_194 : vector<512x1024xi1> to vector<512x1024xi32>
      %reduce_sum3A_195 = arith.constant dense<0> : vector<512xi32>
      %reduce_sum3A_196 = vector.multi_reduction <add>, %convert_element_type3A, %reduce_sum3A_195 [1] : vector<512x1024xi32> to vector<512xi32>
      %broadcast_in_dim3A_197 = vector.shape_cast %reduce_sum3A_196 : vector<512xi32> to vector<512x1xi32>
      %ge3A_198 = arith.constant 50 : i32
      %ge3A_199 = vector.broadcast %ge3A_198 : i32 to vector<512x1xi32>
      %ge3A_200 = arith.cmpi sge, %broadcast_in_dim3A_197, %ge3A_199 : vector<512x1xi32>
      %select_n3A_201 = arith.select %ge3A_200, %add3A_192, %scan3A_187 : vector<512x1xi1>, vector<512x1xi32>
      scf.yield %select_n3A_201 : vector<512x1xi32>
    }
    %scan3A_113 = arith.constant 31 : i32
    %add3A = arith.constant 1 : i32
    %add3A_114 = vector.broadcast %add3A : i32 to vector<512x1xi32>
    %add3A_115 = arith.addi %scan3A_112, %add3A_114 : vector<512x1xi32>
    %ge3A_116 = arith.constant 0 : i32
    %ge3A_117 = vector.broadcast %ge3A_116 : i32 to vector<512x1xi32>
    %ge3A_118 = arith.cmpi sge, %add3A_115, %ge3A_117 : vector<512x1xi32>
    %xor3A_119 = arith.constant 2147483647 : i32
    %xor3A_120 = vector.broadcast %xor3A_119 : i32 to vector<512x1xi32>
    %xor3A_121 = arith.xori %add3A_115, %xor3A_120 : vector<512x1xi32>
    %select_n3A_122 = arith.select %ge3A_118, %add3A_115, %xor3A_121 : vector<512x1xi1>, vector<512x1xi32>
    %bitcast_convert_type3A_123 = tpu.bitcast %select_n3A_122 : vector<512x1xi32> -> vector<512x1xf32>
    %gt3A_124 = vector.broadcast %add3A_115 : vector<512x1xi32> to vector<512x1024xi32>
    %gt3A_125 = arith.cmpi sgt, %select_n3A_11, %gt3A_124 : vector<512x1024xi32>
    %eq3A_126 = vector.broadcast %add3A_115 : vector<512x1xi32> to vector<512x1024xi32>
    %eq3A_127 = arith.cmpi eq, %select_n3A_11, %eq3A_126 : vector<512x1024xi32>
    %sub3A = arith.subf %get3A_1, %select_n3A_106 : vector<512x1024xf32>
    %jit3A_128 = arith.constant 0.000000e+00 : f32
    %broadcast_in_dim3A_129 = vector.broadcast %jit3A_128 : f32 to vector<512x1024xf32>
    %select_n3A_130 = arith.select %gt3A_125, %select_n3A, %broadcast_in_dim3A_129 : vector<512x1024xi1>, vector<512x1024xf32>
    %reduce_sum3A = arith.constant dense<0.000000e+00> : vector<512xf32>
    %reduce_sum3A_131 = vector.multi_reduction <add>, %select_n3A_130, %reduce_sum3A [1] : vector<512x1024xf32> to vector<512xf32>
    %broadcast_in_dim3A_132 = vector.shape_cast %reduce_sum3A_131 : vector<512xf32> to vector<512x1xf32>
    %jit3A_133 = arith.constant 1.000000e+00 : f32
    %jit3A_134 = arith.constant 0.000000e+00 : f32
    %broadcast_in_dim3A_135 = vector.broadcast %jit3A_133 : f32 to vector<512x1024xf32>
    %broadcast_in_dim3A_136 = vector.broadcast %jit3A_134 : f32 to vector<512x1024xf32>
    %select_n3A_137 = arith.select %gt3A_125, %broadcast_in_dim3A_135, %broadcast_in_dim3A_136 : vector<512x1024xi1>, vector<512x1024xf32>
    %reduce_sum3A_138 = arith.constant dense<0.000000e+00> : vector<512xf32>
    %reduce_sum3A_139 = vector.multi_reduction <add>, %select_n3A_137, %reduce_sum3A_138 [1] : vector<512x1024xf32> to vector<512xf32>
    %broadcast_in_dim3A_140 = vector.shape_cast %reduce_sum3A_139 : vector<512xf32> to vector<512x1xf32>
    %mul3A = arith.mulf %select_n3A, %sub3A : vector<512x1024xf32>
    %jit3A_141 = arith.constant 0.000000e+00 : f32
    %broadcast_in_dim3A_142 = vector.broadcast %jit3A_141 : f32 to vector<512x1024xf32>
    %select_n3A_143 = arith.select %gt3A_125, %mul3A, %broadcast_in_dim3A_142 : vector<512x1024xi1>, vector<512x1024xf32>
    %reduce_sum3A_144 = arith.constant dense<0.000000e+00> : vector<512xf32>
    %reduce_sum3A_145 = vector.multi_reduction <add>, %select_n3A_143, %reduce_sum3A_144 [1] : vector<512x1024xf32> to vector<512xf32>
    %broadcast_in_dim3A_146 = vector.shape_cast %reduce_sum3A_145 : vector<512xf32> to vector<512x1xf32>
    %jit3A_147 = arith.constant 0.000000e+00 : f32
    %broadcast_in_dim3A_148 = vector.broadcast %jit3A_147 : f32 to vector<512x1024xf32>
    %select_n3A_149 = arith.select %eq3A_127, %sub3A, %broadcast_in_dim3A_148 : vector<512x1024xi1>, vector<512x1024xf32>
    %reduce_sum3A_150 = arith.constant dense<0.000000e+00> : vector<512xf32>
    %reduce_sum3A_151 = vector.multi_reduction <add>, %select_n3A_149, %reduce_sum3A_150 [1] : vector<512x1024xf32> to vector<512xf32>
    %broadcast_in_dim3A_152 = vector.shape_cast %reduce_sum3A_151 : vector<512xf32> to vector<512x1xf32>
    %jit3A_153 = arith.constant 1.000000e+00 : f32
    %jit3A_154 = arith.constant 0.000000e+00 : f32
    %broadcast_in_dim3A_155 = vector.broadcast %jit3A_153 : f32 to vector<512x1024xf32>
    %broadcast_in_dim3A_156 = vector.broadcast %jit3A_154 : f32 to vector<512x1024xf32>
    %select_n3A_157 = arith.select %eq3A_127, %broadcast_in_dim3A_155, %broadcast_in_dim3A_156 : vector<512x1024xi1>, vector<512x1024xf32>
    %reduce_sum3A_158 = arith.constant dense<0.000000e+00> : vector<512xf32>
    %reduce_sum3A_159 = vector.multi_reduction <add>, %select_n3A_157, %reduce_sum3A_158 [1] : vector<512x1024xf32> to vector<512xf32>
    %broadcast_in_dim3A_160 = vector.shape_cast %reduce_sum3A_159 : vector<512xf32> to vector<512x1xf32>
    %sub3A_161 = arith.constant 5.000000e+01 : f32
    %sub3A_162 = vector.broadcast %sub3A_161 : f32 to vector<512x1xf32>
    %sub3A_163 = arith.subf %sub3A_162, %broadcast_in_dim3A_140 : vector<512x1xf32>
    %div3A = arith.divf %sub3A_163, %broadcast_in_dim3A_160 : vector<512x1xf32>
    %mul3A_164 = arith.mulf %bitcast_convert_type3A_123, %div3A : vector<512x1xf32>
    %mul3A_165 = arith.mulf %mul3A_164, %broadcast_in_dim3A_152 : vector<512x1xf32>
    %add3A_166 = arith.addf %broadcast_in_dim3A_146, %mul3A_165 : vector<512x1xf32>
    %mul3A_167 = arith.mulf %bitcast_convert_type3A_123, %sub3A_163 : vector<512x1xf32>
    %add3A_168 = arith.addf %broadcast_in_dim3A_132, %mul3A_167 : vector<512x1xf32>
    %iota3A = tpu.iota {dimensions = array<i32: 1>} : vector<512x1024xi32>
    %eq3A_169 = vector.broadcast %get3A_17 : vector<512x1xi32> to vector<512x1024xi32>
    %eq3A_170 = arith.cmpi eq, %iota3A, %eq3A_169 : vector<512x1024xi32>
    %jit3A_171 = arith.constant 0.000000e+00 : f32
    %broadcast_in_dim3A_172 = vector.broadcast %jit3A_171 : f32 to vector<512x1024xf32>
    %select_n3A_173 = arith.select %eq3A_170, %select_n3A_106, %broadcast_in_dim3A_172 : vector<512x1024xi1>, vector<512x1024xf32>
    %reduce_sum3A_174 = arith.constant dense<0.000000e+00> : vector<512xf32>
    %reduce_sum3A_175 = vector.multi_reduction <add>, %select_n3A_173, %reduce_sum3A_174 [1] : vector<512x1024xf32> to vector<512xf32>
    %broadcast_in_dim3A_176 = vector.shape_cast %reduce_sum3A_175 : vector<512xf32> to vector<512x1xf32>
    %add3A_177 = arith.constant 9.99999993E-9 : f32
    %add3A_178 = vector.broadcast %add3A_177 : f32 to vector<512x1xf32>
    %add3A_179 = arith.addf %add3A_168, %add3A_178 : vector<512x1xf32>
    %div3A_180 = arith.divf %add3A_166, %add3A_179 : vector<512x1xf32>
    %add3A_181 = arith.addf %broadcast_in_dim3A_176, %div3A_180 : vector<512x1xf32>
    %broadcast_in_dim3A_182 = vector.shape_cast %add3A_181 : vector<512x1xf32> to vector<512x1xf32>
    %broadcast_in_dim3A_183 = vector.broadcast %broadcast_in_dim3A_182 : vector<512x1xf32> to vector<512x128xf32>
    %swap3A = arith.constant 0 : index
    %swap3A_184 = arith.constant 0 : index
    %swap3A_185 = vector.load %arg6[%swap3A, %swap3A_184] : memref<512x128xf32, #tpu.memory_space<vmem>>, vector<512x128xf32>
    tpu.vector_store %arg6[%swap3A, %swap3A_184], %broadcast_in_dim3A_183 {strides = array<i32>} : memref<512x128xf32, #tpu.memory_space<vmem>>, vector<512x128xf32>,
    return
  }
  func.func @transform_0(%arg0: i32) -> (i32, i32) {
    %c0_i32 = arith.constant 0 : i32
    %c0_i32_0 = arith.constant 0 : i32
    return %arg0, %c0_i32 : i32, i32
  }
  func.func @transform_1(%arg0: i32) -> (i32, i32) {
    %c0_i32 = arith.constant 0 : i32
    %c0_i32_0 = arith.constant 0 : i32
    return %arg0, %c0_i32 : i32, i32
  }
  func.func @transform_2(%arg0: i32) -> (i32, i32) {
    %c0_i32 = arith.constant 0 : i32
    %c0_i32_0 = arith.constant 0 : i32
    return %arg0, %c0_i32 : i32, i32
  }
  func.func @transform_3(%arg0: i32) -> (i32, i32) {
    %c0_i32 = arith.constant 0 : i32
    %c0_i32_0 = arith.constant 0 : i32
    return %arg0, %c0_i32 : i32, i32
  }
  func.func @transform_4(%arg0: i32) -> (i32, i32) {
    %c0_i32 = arith.constant 0 : i32
    %c0_i32_0 = arith.constant 0 : i32
    %c0_i32_1 = arith.constant 0 : i32
    return %c0_i32, %c0_i32_0 : i32, i32
  }
  func.func @transform_5(%arg0: i32) -> (i32, i32) {
    %c0_i32 = arith.constant 0 : i32
    %c0_i32_0 = arith.constant 0 : i32
    return %arg0, %c0_i32 : i32, i32
  }
}

</mosaic_0001>

<sc_bundles>
// kernel: kernel.11.cloned.1.call-start
scs
__scs_entry_jumppad:
0x0: {  	(pc) =	sbr.rel $0x88, $3  }
0x1: {  	(tag) =	ssettag $0x0;
	lr =	simm.s32 $0x1  }
0x2: {  	[smem:$0x3F9B] =	sst lr;
	_ =	strace $0xD0000000  }
0x3: {  	_ = 	snop  }
0x4: {  	_ = 	snop  }
0x5: {  	_ = 	snop  }
0x6: {  	_ = 	snop  }
0x7: {  	_ = 	snop  }
__scs_overlays_trampoline_lowered:
0x8: {  	[smem:$0x3FAA] =	sst s0  }
0x9: {  	[smem:$0x3FAB] =	sst s1  }
0xa: {  	[smem:$0x3FAC] =	sst s2  }
0xb: {  	[smem:$0x3FAD] =	sst s3  }
0xc: {  	[smem:$0x3FAE] =	sst s4  }
0xd: {  	[smem:$0x3FAF] =	sst s5  }
0xe: {  	[smem:$0x3FB0] =	sst s6  }
0xf: {  	[smem:$0x3FB1] =	sst s7  }
0x10: {  	[smem:$0x3FB2] =	sst s8  }
0x11: {  	[smem:$0x3FB3] =	sst s9;
	s0 =	simm.s32 @!p0 $0x0  }
0x12: {  	s1 =	sld [smem:$0x3F99];
	s0 =	simm.s32 @p0 $0x1  }
0x13: {  	[smem:$0x3FB4] =	sst s0;
	s0 =	simm.s32 @!p1 $0x0  }
0x14: {  	s2 =	sld [smem:$0x3F98];
	s0 =	simm.s32 @p1 $0x1  }
0x15: {  	[smem:$0x3FB5] =	sst s0;
	s0 =	simm.s32 @!p2 $0x0  }
0x16: {  	s3 =	sld [smem:$0x3FDB];
	s0 =	simm.s32 @p2 $0x1  }
0x17: {  	s4 =	simm.s32 $0x1BF5;
	[smem:$0x3FB7] =	sst s0  }
0x18: {  	s0 =	sld [smem:$0x3F9A];
	_ =	swait.ge [sflag:s4], $0x0  }
0x19: {  	s7 =	sld [smem:$0x3F9B]  }
0x1a: {  	s8 =	sadd.s32 $0xFFFFE003, lr  }
0x1b: {  	s9 =	sadd.s32 $0xFFFFFEF7, lr;
	s5 =	simm.s32 $0xFFFFFFFF;
	p2 =	slt.u32 s8, $0xFFFFF086  }
0x1c: {  	p1 =	slt.u32 s9, $0xF7A;
	s5 =	simm.s32 @!p2 $0x0  }
0x1d: {  	s5 =	simm.s32 @p1 $0x1;
	p0 =	seq.s32 s7, s2  }
0x1e: {  	s7 =	smul.u32 @!p0 $0xF7A, s2;
	p2 =	seq.s32 @!p0 s5, $0x0  }
0x1f: {  	s9 =	smul.u32 $0xF7A, s1;
	s8 =	simm.s32 @!p0 $0x1BF5;
	p2 =	por !p2, p0  }
0x20: {  	[sflag:s8] =	ssyncset.s32 @!p0 $0xFFFFF086;
	s6 =	sadd.s32 @!p0 s3, s7;
	s7 =	simm.s32 @!p0 $0x108  }
0x21: {  	s3 =	sadd.s32 s3, s9;
	s6 =	sadd.s32 @!p0 $0x88, s6;
	s7 =	simm.s32 @p2 $0x1082  }
0x22: {  	[simem:s7], [sflag:s8] =	dma.local @!p0 [hbm:s6], $0xF7A  }
0x23: {  	s9 =	sor.u32 $0xD0000000, s2;
	s6 =	simm.s32 $0x108;
	_ =	swait.ge @!p0 [sflag:s8], $0x0  }
0x24: {  	s3 =	sadd.s32 $0x88, s3;
	s6 =	simm.s32 @!p1 $0x1082;
	[sflag:s4] =	ssyncset.s32 $0xFFFFF086  }
0x25: {  	[simem:s6], [sflag:s4] =	dma.local [hbm:s3], $0xF7A  }
0x26: {  	[smem:$0x3F9B] =	sst s1;
	(tag) =	ssettag s2;
	_ =	strace s9  }
0x27: {  	s1 =	sld [smem:$0x3FAB]  }
0x28: {  	s2 =	sld [smem:$0x3FAC]  }
0x29: {  	s4 =	sld [smem:$0x3FAE]  }
0x2a: {  	p0 =	seq.s32 s5, $0x0;
	s5 =	sld [smem:$0x3FAF]  }
0x2b: {  	s6 =	sld [smem:$0x3FB0]  }
0x2c: {  	s7 =	sld [smem:$0x3FB1]  }
0x2d: {  	s3 =	simm.s32 $0x108;
	s8 =	sld [smem:$0x3FB2]  }
0x2e: {  	s3 =	simm.s32 @!p0 $0x1082;
	s9 =	sld [smem:$0x3FB3]  }
0x2f: {  	lr =	sadd.s32 s0, s3;
	s0 =	sld [smem:$0x3FAA]  }
0x30: {  	s3 =	sld [smem:$0x3FAD]  }
0x31: {  	[smem:$0x3FB6] =	sst s10  }
0x32: {  	s10 =	sld [smem:$0x3FB4];
	_ =	sdelay $0x3  }
0x33: {  	p0 =	seq.s32 s10, $0x1;
	s10 =	sld [smem:$0x3FB6];
	_ =	sdelay $0x3  }
0x34: {  	[smem:$0x3FB6] =	sst s10  }
0x35: {  	s10 =	sld [smem:$0x3FB5];
	_ =	sdelay $0x3  }
0x36: {  	p1 =	seq.s32 s10, $0x1;
	s10 =	sld [smem:$0x3FB6];
	_ =	sdelay $0x3  }
0x37: {  	[smem:$0x3FB6] =	sst s10  }
0x38: {  	s10 =	sld [smem:$0x3FB7]  }
0x39: {  	_ = 	snop;
	(pc) =	sbr.ind lr, $3  }
0x3a: {  	_ = 	snop  }
0x3b: {  	_ = 	snop  }
0x3c: {  	p2 =	seq.s32 s10, $0x1;
	s10 =	sld [smem:$0x3FB6]  }
0x3d: {  	_ =	shalt  }
0x3e: {  	_ =	shalt  }
0x3f: {  	_ =	shalt  }
0x40: {  	_ =	shalt  }
0x41: {  	_ =	shalt  }
0x42: {  	_ =	shalt  }
0x43: {  	_ =	shalt  }
0x44: {  	_ =	shalt  }
0x45: {  	_ =	shalt  }
0x46: {  	_ =	shalt  }
0x47: {  	_ =	shalt  }
0x48: {  	_ =	shalt  }
0x49: {  	_ =	shalt  }
0x4a: {  	_ =	shalt  }
0x4b: {  	_ =	shalt  }
0x4c: {  	_ =	shalt  }
0x4d: {  	_ =	shalt  }
0x4e: {  	_ =	shalt  }
0x4f: {  	_ =	shalt  }
0x50: {  	_ =	shalt  }
0x51: {  	_ =	shalt  }
0x52: {  	_ =	shalt  }
0x53: {  	_ =	shalt  }
0x54: {  	_ =	shalt  }
0x55: {  	_ =	shalt  }
0x56: {  	_ =	shalt  }
0x57: {  	_ =	shalt  }
0x58: {  	_ =	shalt  }
0x59: {  	_ =	shalt  }
0x5a: {  	_ =	shalt  }
0x5b: {  	_ =	shalt  }
0x5c: {  	_ =	shalt  }
0x5d: {  	_ =	shalt  }
0x5e: {  	_ =	shalt  }
0x5f: {  	_ =	shalt  }
0x60: {  	_ =	shalt  }
0x61: {  	_ =	shalt  }
0x62: {  	_ =	shalt  }
0x63: {  	_ =	shalt  }
0x64: {  	_ =	shalt  }
0x65: {  	_ =	shalt  }
0x66: {  	_ =	shalt  }
0x67: {  	_ =	shalt  }
0x68: {  	_ =	shalt  }
0x69: {  	_ =	shalt  }
0x6a: {  	_ =	shalt  }
0x6b: {  	_ =	shalt  }
0x6c: {  	_ =	shalt  }
0x6d: {  	_ =	shalt  }
0x6e: {  	_ =	shalt  }
0x6f: {  	_ =	shalt  }
0x70: {  	_ =	shalt  }
0x71: {  	_ =	shalt  }
0x72: {  	_ =	shalt  }
0x73: {  	_ =	shalt  }
0x74: {  	_ =	shalt  }
0x75: {  	_ =	shalt  }
0x76: {  	_ =	shalt  }
0x77: {  	_ =	shalt  }
0x78: {  	_ =	shalt  }
0x79: {  	_ =	shalt  }
0x7a: {  	_ =	shalt  }
0x7b: {  	_ =	shalt  }
0x7c: {  	_ =	shalt  }
0x7d: {  	_ =	shalt  }
0x7e: {  	_ =	shalt  }
0x7f: {  	_ =	shalt  }
0x80: {  	_ =	shalt  }
0x81: {  	_ =	shalt  }
0x82: {  	_ =	shalt  }
0x83: {  	_ =	shalt  }
0x84: {  	_ =	shalt  }
0x85: {  	_ =	shalt  }
0x86: {  	_ =	shalt  }
0x87: {  	_ =	shalt  }
.Lfunc_end0:
.L_simem_size_0:
called_computation_lowered:
.L_overlay_start_0:
0x88: {  	s2 =	sld [smem:$0x3FD9]  }
0x89: {  	s3 =	sld [smem:$0x3FFE];
	_ =	sdelay $0x1  }
0x8a: {  	s1 =	srdreg.scid  }
0x8b: {  	s0 =	sand.u32 $0x1, s1  }
0x8c: {  	s17 =	sshll.u32 s0, $0xA;
	s2 =	sadd.s32 s3, s2  }
0x8d: {  	s2 =	sadd.s32 s2, s17  }
0x8e: {  	[smem:$0x3FC2] =	sst s2  }
0x8f: {  	_ = 	snop  }
0x90: {  	s2 =	sld [smem:$0x3FC7]  }
0x91: {  	s18 =	sld [smem:$0x3FD0];
	(tm) =	ssettm $0x1  }
0x92: {  	s4 =	sld [smem:$0x3FFB];
	_ =	sdelay $0x3  }
0x93: {  	_ =	strace s4  }
0x94: {  	s4 =	sld [smem:$0x3FFC];
	_ =	sdelay $0x3  }
0x95: {  	_ =	strace s4  }
0x96: {  	s4 =	sld [smem:$0x3FFD];
	_ =	sdelay $0x3  }
0x97: {  	_ =	strace s4  }
0x98: {  	_ =	strace $0x8FFFFFFF  }
0x99: {  	s19 =	sld [smem:$0x3FDB];
	_ =	sdelay $0x1  }
0x9a: {  	s5 =	simm.s32 $_scs_section_size  }
0x9b: {  	s6 =	simm.s32 $_size__tile_overlayer_lowered;
	s7 =	simm.s32 $_tile_overlayer_lowered  }
0x9c: {  	s22 =	simm.s32 $0x1BFF;
	s21 =	sshll.u32 s7, $0x1;
	s4 =	sadd.s32 s5, s19  }
0x9d: {  	s8 =	simm.s32 $0x0;
	s20 =	sshll.u32 s6, $0x1;
	s6 =	sadd.s32 s21, s4  }
0x9e: {  	[timem:s8], [sflag:s22] =	dma.local [hbm:s6], s20  }
0x9f: {  	_ =	swait.ge [sflag:s22], s20  }
0xa0: {  	s5 =	ssub.s32 $0x0, s20;
	[sflag:s22] =	ssyncset.done $0x0  }
0xa1: {  	[sflag:s22] =	ssyncadd.s32 s5;
	_ =	sdelay $0x1  }
0xa2: {  	s23 =	simm.s32 $0x1B8B  }
0xa3: {  	_ =	swait.ge [sflag:s23], $0x1  }
0xa4: {  	[sflag:s23] =	ssyncset.done $0x0  }
0xa5: {  	s25 =	simm.s32 $0x1B8E;
	s24 =	sld [smem:$0x3FFE];
	[sflag:s23] =	ssyncadd.s32 $0xFFFFFFFF  }
0xa6: {  	s26 =	simm.s32 $execute0_lowered;
	[smem:$0x3FD2] =	sst s25  }
0xa7: {  	s6 =	sshll.u32 s26, $0x1;
	_ =	strace $0x80000046;
	[dreg:$0x1] =	wrdreg $0xFFFFFFFF  }
0xa8: {  	s28 =	simm.s32 $_size_execute0_lowered;
	s4 =	sadd.s32 s4, s6;
	[dreg:$0x0] =	wrdreg $0x0  }
0xa9: {  	s6 =	sshll.u32 s28, $0x1;
	[dreg:$0x2] =	wrdreg s4  }
0xaa: {  	[dreg:$0x3] =	wrdreg s6  }
0xab: {  	[dreg:$0x4] =	wrdreg $0xC0  }
0xac: {  	_ =	task [dreg:s8], $0x5FFFF  }
0xad: {  	[dreg:$0x1] =	wrdreg $0xFFFFFFFF  }
0xae: {  	[dreg:$0x0] =	wrdreg $0x60  }
0xaf: {  	[dreg:$0x2] =	wrdreg s24  }
0xb0: {  	[dreg:$0x3] =	wrdreg s2  }
0xb1: {  	[dreg:$0x4] =	wrdreg s18  }
0xb2: {  	[dreg:$0x5] =	wrdreg $0x9  }
0xb3: {  	_ =	task.clear_ibuf [dreg:s8], $0x6FFFF;
	_ =	strace $0x90000046  }
0xb4: {  	s29 =	simm.s32 $0x9;
	_ =	strace $0x80000048  }
0xb5: {  	_ =	swait.ge [sflag:s29], $0x1  }
0xb6: {  	[sflag:s29] =	ssyncadd.s32 $0xFFFFFFFF  }
0xb7: {  	_ =	strace $0x90000048  }
0xb8: {  	_ =	sfence  }
0xb9: {  	s30 =	sld [smem:$0x0];
	_ =	sdelay $0x2  }
0xba: {  	s31 =	sshll.u32 s1, $0xD;
	s1 =	sshrl.u32 s1, $0x2  }
0xbb: {  	s3 =	sand.u32 $0x4000, s31;
	s1 =	sadd.s32 s1, s30  }
0xbc: {  	s0 =	sor.u32 s3, s0;
	s1 =	sshll.u32 s1, $0x11  }
0xbd: {  	s0 =	sor.u32 s1, s0  }
0xbe: {  	s0 =	sadd.s32 $0x8F2B, s0  }
0xbf: {  	[sflag:s0] =	ssyncadd.remote.s32 $0x1  }
0xc0: {  	_ =	sfence.sel $0xFFFF  }
0xc1: {  	[dreg:$0x0] =	wrdreg $0xFFFFFFFF;
	(pc) =	sbr.abs _section_cstart, $3  }
0xc2: {  	[dreg:$0x1] =	wrdreg $0xFFFFFFFF  }
0xc3: {  	_ =	task.clear_ibuf [dreg:s8], $0x2FFFF;
	_ =	strace $0x9FFFFFFF  }
0xc4: {  	(tm) =	ssettm $0x7FFFFFFF  }
0xc5: {  	_ =	shalt  }
tec
execute0_lowered:
.L_overlay_start_1:
0x0: {  	(tag) =	ssettag $0x1  }
0x1: {  	s1 =	rddreg [dreg:$0x0]  }
0x2: {  	s3 =	srdreg.scid;
	s2 =	rddreg [dreg:$0x1]  }
0x3: {  	s0 =	stileid.u32;
	s4 =	rddreg [dreg:$0x2];
	s25 =	simm.s32 $0x80  }
0x4: {  	s26 =	simm.s32 $0x100;
	s5 =	sand.u32 $0x1, s3;
	s3 =	simm.s32 $0x0  }
0x5: {  	s9 =	simm.s32 $0x2A00;
	s10 =	simm.s32 $0x3200;
	[smem:$0x7FF] =	sst s3  }
0x6: {  	s11 =	simm.s32 $0x3A00;
	_ =	strace $0x80000047;
	[dreg:$0xb] =	wrdreg s25  }
0x7: {  	s6 =	sshll.u32 s0, $0x6;
	s0 =	simm.s32 $0xA00;
	[dreg:$0xc] =	wrdreg s26  }
0x8: {  	s12 =	simm.s32 $0x8A00;
	s13 =	simm.s32 $0x9200;
	[dreg:$0xd] =	wrdreg s0  }
0x9: {  	s15 =	simm.s32 $0x9A00;
	s16 =	simm.s32 $0xA200;
	[dreg:$0x11] =	wrdreg s9  }
0xa: {  	s28 =	simm.s32 $0x4;
	s29 =	simm.s32 $0x5;
	[dreg:$0x12] =	wrdreg s10  }
0xb: {  	s30 =	simm.s32 $0x7;
	s31 =	simm.s32 $0x6;
	[dreg:$0x13] =	wrdreg s11  }
0xc: {  	s17 =	sadd.s32 $0x205C00, s1;
	s20 =	sadd.s32 $0x225C00, s1;
	[dreg:$0x14] =	wrdreg s12  }
0xd: {  	s7 =	sshll.u32 s5, $0x5;
	s5 =	ssub.s32 $0x2, s5;
	[dreg:$0x15] =	wrdreg s13  }
0xe: {  	s6 =	sor.u32 s7, s6;
	s14 =	sshrl.u32 s5, $0x1;
	[dreg:$0x16] =	wrdreg s15  }
0xf: {  	[dreg:$0x17] =	wrdreg s16;
	s9 =	sadd.s32 $0x200, s2;
	s10 =	sadd.s32 $0x300, s2  }
0x10: {  	s12 =	simm.s32 $0x9;
	s13 =	simm.s32 $0x200;
	s25 =	simm.s32 $0x7200  }
0x11: {  	s26 =	simm.s32 $0x7A00;
	s7 =	sshrl.u32 s6, $0x3;
	[smem:$0x7FC] =	sst s25  }
0x12: {  	s6 =	sshll.u32 s6, $0x7;
	[smem:$0x7FD] =	sst s26;
	s4 =	sadd.s32 s4, s7  }
0x13: {  	s15 =	simm.s32 $0x4200;
	s21 =	sadd.s32 s17, s6;
	[dreg:$0x4] =	wrdreg s4  }
0x14: {  	s16 =	simm.s32 $0xC200;
	s22 =	sadd.s32 s20, s6;
	[dreg:$0x7] =	wrdreg s21  }
0x15: {  	s8 =	sadd.s32 s7, s1;
	s7 =	simm.s32 $0x1A00;
	[dreg:$0x8] =	wrdreg s22  }
0x16: {  	s11 =	ssub.s32 s5, s14;
	s18 =	sadd.s32 $0x204C00, s8;
	[dreg:$0xf] =	wrdreg s7  }
0x17: {  	s6 =	sor.u32 $0x800, s6;
	s19 =	sadd.s32 $0x204E00, s8;
	[dreg:$0x5] =	wrdreg s18  }
0x18: {  	s5 =	sadd.s32 $0x4D00, s1;
	s23 =	sadd.s32 s17, s6;
	[dreg:$0x6] =	wrdreg s19  }
0x19: {  	s14 =	simm.s32 $0x8200;
	s24 =	sadd.s32 s20, s6;
	[dreg:$0x9] =	wrdreg s23  }
0x1a: {  	s25 =	simm.s32 $0x3;
	s6 =	simm.s32 $0x1200;
	[dreg:$0xa] =	wrdreg s24  }
0x1b: {  	s26 =	simm.s32 $0x2;
	s8 =	simm.s32 $0x2200;
	[dreg:$0xe] =	wrdreg s6  }
0x1c: {  	s11 =	smax.u32 s11, $0x1;
	s17 =	simm.s32 $0xAA00;
	[dreg:$0x10] =	wrdreg s8  }
0x1d: {  	s4 =	sadd.s32 $0x4C00, s1;
	s20 =	simm.s32 $0x4A00;
	[dreg:$0x18] =	wrdreg s17  }
0x1e: {  	s7 =	sadd.s32 $0x4F00, s1;
	s21 =	simm.s32 $0x5200;
	[dreg:$0x1b] =	wrdreg s20  }
0x1f: {  	s22 =	simm.s32 $0x5A00;
	s6 =	sadd.s32 $0x4E00, s1;
	[dreg:$0x1c] =	wrdreg s21  }
0x20: {  	s18 =	simm.s32 $0xB200;
	s19 =	simm.s32 $0xBA00;
	[dreg:$0x1d] =	wrdreg s22  }
0x21: {  	s8 =	sadd.s32 $0x100, s2;
	s23 =	simm.s32 $0x6200;
	[dreg:$0x19] =	wrdreg s18  }
0x22: {  	s24 =	simm.s32 $0x6A00;
	s20 =	simm.s32 $0xE200;
	[dreg:$0x1a] =	wrdreg s19  }
0x23: {  	v2 =	vlaneseq.u32;
	s21 =	simm.s32 $0xEA00;
	s22 =	simm.s32 $0xF200;
	[dreg:$0x1e] =	wrdreg s23  }
0x24: {  	vm0 =	vmmov $0xffff;
	v1 =	vshrl.u32 v2, $0x3;
	s1 =	simm.s32 $0x8;
	[dreg:$0x1f] =	wrdreg s24;
	s18 =	simm.s32 $0xD200  }
0x25: {  	v0 =	vand.u32 $0x7, v2;
	v2 =	vor.u32 $0x8, v2;
	v1 =	vmul.u32 $0x8, v1;
	s19 =	simm.s32 $0xDA00;
	s23 =	simm.s32 $0xFA00;
	s24 =	simm.s32 $0x1  }
.LBB2_1:
0x26: {  	s0 =	rddreg [dreg:$0x4]  }
0x27: {  	[tilespmem:s3], [sflag:$0x9] =	stream.linear.gather [hbm4b:s0+s3], $0x20, $0x38;
	[tilespmem:$0x10200] =	vst v63  }
0x28: {  	_ =	swait.ge [sflag:s12], $0x20  }
0x29: {  	s0 =	rddreg [dreg:$0x5];
	[sflag:s12] =	ssyncset.done $0x0  }
0x2a: {  	s17 =	rddreg [dreg:$0xb];
	[sflag:s12] =	ssyncadd.s32 $0xFFFFFFE0  }
0x2b: {  	[tilespmem:s17], [sflag:$0x9] =	stream.linear.gather [hbm4b:s0+s3], $0x20, $0x38;
	[tilespmem:$0x10200] =	vst v63  }
0x2c: {  	_ =	swait.ge [sflag:s12], $0x20  }
0x2d: {  	s0 =	rddreg [dreg:$0x6];
	[sflag:s12] =	ssyncset.done $0x0  }
0x2e: {  	s17 =	rddreg [dreg:$0xc];
	[sflag:s12] =	ssyncadd.s32 $0xFFFFFFE0  }
0x2f: {  	[tilespmem:s17], [sflag:$0x9] =	stream.linear.gather [hbm4b:s0+s3], $0x20, $0x38;
	[tilespmem:$0x10200] =	vst v63  }
0x30: {  	_ =	swait.ge [sflag:s12], $0x20  }
0x31: {  	[sflag:s12] =	ssyncset.done $0x0  }
0x32: {  	[sflag:s12] =	ssyncadd.s32 $0xFFFFFFE0  }
0x33: {  	v3 =	vld [tilespmem:$0x0]  }
0x34: {  	v4 =	vld [tilespmem:$0x80];
	_ =	sdelay $0x3  }
0x35: {  	v3 =	vshll.u32 v3, $0xB  }
0x36: {  	v3 =	vadd.s32 v4, v3  }
0x37: {  	v5 =	vshll.u32 v3, $0x3  }
0x38: {  	v4 =	vand.u32 $0x7, v4;
	v5 =	vand.u32 $0xFFFFFFC0, v5  }
0x39: {  	v6 =	vld [tilespmem:$0x10];
	v4 =	vor.u32 v4, v5  }
0x3a: {  	v60 =	vld [tilespmem:$0x90];
	v7 =	vperm.xlane v4, v0;
	_ =	sdelay $0x1  }
0x3b: {  	v7 =	vadd.s32 v1, v7;
	_ =	sdelay $0x1  }
0x3c: {  	v6 =	vshll.u32 v6, $0xB  }
0x3d: {  	[tilespmem:$0x180] =	vst v3;
	v3 =	vadd.s32 v60, v6  }
0x3e: {  	[tilespmem:$0x190] =	vst v3  }
0x3f: {  	[tilespmem:s13], [sflag:$0x1] =	stream.indirect_vreg.gather [hbm4b:s4+s3], $0x80, v7, vm0, $0xb8;
	[tilespmem:$0x10200] =	vst v63  }
0x40: {  	s0 =	rddreg [dreg:$0xd];
	v3 =	vperm.xlane v4, v2  }
0x41: {  	[tilespmem:s0], [sflag:$0x1] =	stream.indirect_vreg.gather [hbm4b:s5+s3], $0x80, v7, vm0, $0xb8;
	[tilespmem:$0x10200] =	vst v63  }
0x42: {  	s17 =	rddreg [dreg:$0xe];
	v3 =	vadd.s32 v1, v3  }
0x43: {  	[tilespmem:s17], [sflag:$0x1] =	stream.indirect_vreg.gather [hbm4b:s6+s3], $0x80, v7, vm0, $0xb8;
	[tilespmem:$0x10200] =	vst v63  }
0x44: {  	s0 =	rddreg [dreg:$0xf]  }
0x45: {  	[tilespmem:s0], [sflag:$0x1] =	stream.indirect_vreg.gather [hbm4b:s7+s3], $0x80, v7, vm0, $0xb8;
	[tilespmem:$0x10200] =	vst v63  }
0x46: {  	s17 =	rddreg [dreg:$0x10]  }
0x47: {  	[tilespmem:s17], [sflag:$0x1] =	stream.indirect_vreg.gather [hbm4b:s4+s3], $0x80, v3, vm0, $0xb8;
	[tilespmem:$0x10200] =	vst v63  }
0x48: {  	s0 =	rddreg [dreg:$0x11]  }
0x49: {  	[tilespmem:s0], [sflag:$0x1] =	stream.indirect_vreg.gather [hbm4b:s5+s3], $0x80, v3, vm0, $0xb8;
	[tilespmem:$0x10200] =	vst v63  }
0x4a: {  	s17 =	rddreg [dreg:$0x12]  }
0x4b: {  	[tilespmem:s17], [sflag:$0x1] =	stream.indirect_vreg.gather [hbm4b:s6+s3], $0x80, v3, vm0, $0xb8;
	[tilespmem:$0x10200] =	vst v63  }
0x4c: {  	s0 =	rddreg [dreg:$0x13]  }
0x4d: {  	[tilespmem:s0], [sflag:$0x1] =	stream.indirect_vreg.gather [hbm4b:s7+s3], $0x80, v3, vm0, $0xb8;
	[tilespmem:$0x10200] =	vst v63  }
0x4e: {  	v3 =	vld [tilespmem:$0x100];
	_ =	sdelay $0x4  }
0x4f: {  	v61 =	vshll.u32 v3, $0x3  }
0x50: {  	v3 =	vand.u32 $0x7, v3;
	v4 =	vand.u32 $0xFFFFFFC0, v61  }
0x51: {  	v3 =	vor.u32 v3, v4  }
0x52: {  	v4 =	vperm.xlane v3, v0;
	_ =	sdelay $0x1  }
0x53: {  	v4 =	vadd.s32 v1, v4;
	_ =	sdelay $0x4  }
0x54: {  	[tilespmem:s14], [sflag:$0x3] =	stream.indirect_vreg.gather [hbm4b:s2+s3], $0x80, v4, vm0, $0xb8;
	[tilespmem:$0x10200] =	vst v63  }
0x55: {  	s0 =	rddreg [dreg:$0x14];
	v3 =	vperm.xlane v3, v2  }
0x56: {  	[tilespmem:s0], [sflag:$0x3] =	stream.indirect_vreg.gather [hbm4b:s8+s3], $0x80, v4, vm0, $0xb8;
	[tilespmem:$0x10200] =	vst v63  }
0x57: {  	s17 =	rddreg [dreg:$0x15];
	v3 =	vadd.s32 v1, v3  }
0x58: {  	[tilespmem:s17], [sflag:$0x3] =	stream.indirect_vreg.gather [hbm4b:s9+s3], $0x80, v4, vm0, $0xb8;
	[tilespmem:$0x10200] =	vst v63  }
0x59: {  	s0 =	rddreg [dreg:$0x16]  }
0x5a: {  	[tilespmem:s0], [sflag:$0x3] =	stream.indirect_vreg.gather [hbm4b:s10+s3], $0x80, v4, vm0, $0xb8;
	[tilespmem:$0x10200] =	vst v63  }
0x5b: {  	s17 =	rddreg [dreg:$0x17]  }
0x5c: {  	[tilespmem:s17], [sflag:$0x3] =	stream.indirect_vreg.gather [hbm4b:s2+s3], $0x80, v3, vm0, $0xb8;
	[tilespmem:$0x10200] =	vst v63  }
0x5d: {  	s0 =	rddreg [dreg:$0x18]  }
0x5e: {  	[tilespmem:s0], [sflag:$0x3] =	stream.indirect_vreg.gather [hbm4b:s8+s3], $0x80, v3, vm0, $0xb8;
	[tilespmem:$0x10200] =	vst v63  }
0x5f: {  	s17 =	rddreg [dreg:$0x19]  }
0x60: {  	[tilespmem:s17], [sflag:$0x3] =	stream.indirect_vreg.gather [hbm4b:s9+s3], $0x80, v3, vm0, $0xb8;
	[tilespmem:$0x10200] =	vst v63  }
0x61: {  	s0 =	rddreg [dreg:$0x1a]  }
0x62: {  	[tilespmem:s0], [sflag:$0x3] =	stream.indirect_vreg.gather [hbm4b:s10+s3], $0x80, v3, vm0, $0xb8;
	[tilespmem:$0x10200] =	vst v63  }
0x63: {  	v3 =	vld [tilespmem:$0x190];
	_ =	sdelay $0x4  }
0x64: {  	v62 =	vshll.u32 v3, $0x3  }
0x65: {  	v3 =	vand.u32 $0x7, v3;
	v4 =	vand.u32 $0xFFFFFFC0, v62  }
0x66: {  	v3 =	vor.u32 v3, v4  }
0x67: {  	v4 =	vperm.xlane v3, v0;
	_ =	sdelay $0x1  }
0x68: {  	v4 =	vadd.s32 v1, v4;
	_ =	sdelay $0x3  }
0x69: {  	s17 =	rddreg [dreg:$0x1c]  }
0x6a: {  	[tilespmem:s15], [sflag:$0x2] =	stream.indirect_vreg.gather [hbm4b:s4+s3], $0x80, v4, vm0, $0xb8;
	[tilespmem:$0x10200] =	vst v63  }
0x6b: {  	s0 =	rddreg [dreg:$0x1b];
	v3 =	vperm.xlane v3, v2  }
0x6c: {  	[tilespmem:s0], [sflag:$0x2] =	stream.indirect_vreg.gather [hbm4b:s5+s3], $0x80, v4, vm0, $0xb8;
	[tilespmem:$0x10200] =	vst v63  }
0x6d: {  	v3 =	vadd.s32 v1, v3;
	s0 =	rddreg [dreg:$0x1d]  }
0x6e: {  	[tilespmem:s17], [sflag:$0x2] =	stream.indirect_vreg.gather [hbm4b:s6+s3], $0x80, v4, vm0, $0xb8;
	[tilespmem:$0x10200] =	vst v63  }
0x6f: {  	s17 =	rddreg [dreg:$0x1e]  }
0x70: {  	[tilespmem:s0], [sflag:$0x2] =	stream.indirect_vreg.gather [hbm4b:s7+s3], $0x80, v4, vm0, $0xb8;
	[tilespmem:$0x10200] =	vst v63  }
0x71: {  	s0 =	rddreg [dreg:$0x1f]  }
0x72: {  	[tilespmem:s17], [sflag:$0x2] =	stream.indirect_vreg.gather [hbm4b:s4+s3], $0x80, v3, vm0, $0xb8;
	[tilespmem:$0x10200] =	vst v63  }
0x73: {  	s17 =	sld [smem:$0x7FC]  }
0x74: {  	[tilespmem:s0], [sflag:$0x2] =	stream.indirect_vreg.gather [hbm4b:s5+s3], $0x80, v3, vm0, $0xb8;
	[tilespmem:$0x10200] =	vst v63  }
0x75: {  	s0 =	sld [smem:$0x7FD]  }
0x76: {  	[tilespmem:s17], [sflag:$0x2] =	stream.indirect_vreg.gather [hbm4b:s6+s3], $0x80, v3, vm0, $0xb8;
	[tilespmem:$0x10200] =	vst v63  }
0x77: {  	_ = 	snop  }
0x78: {  	[tilespmem:s0], [sflag:$0x2] =	stream.indirect_vreg.gather [hbm4b:s7+s3], $0x80, v3, vm0, $0xb8;
	[tilespmem:$0x10200] =	vst v63  }
0x79: {  	v3 =	vld [tilespmem:$0x110];
	_ =	sdelay $0x4  }
0x7a: {  	v63 =	vshll.u32 v3, $0x3  }
0x7b: {  	v3 =	vand.u32 $0x7, v3;
	v4 =	vand.u32 $0xFFFFFFC0, v63  }
0x7c: {  	v3 =	vor.u32 v3, v4  }
0x7d: {  	v4 =	vperm.xlane v3, v0;
	_ =	sdelay $0x1  }
0x7e: {  	v4 =	vadd.s32 v1, v4;
	_ =	sdelay $0x4  }
0x7f: {  	[tilespmem:s16], [sflag:$0x4] =	stream.indirect_vreg.gather [hbm4b:s2+s3], $0x80, v4, vm0, $0xb8;
	[tilespmem:$0x10200] =	vst v63  }
0x80: {  	s17 =	simm.s32 $0xCA00;
	v3 =	vperm.xlane v3, v2  }
0x81: {  	[tilespmem:s17], [sflag:$0x4] =	stream.indirect_vreg.gather [hbm4b:s8+s3], $0x80, v4, vm0, $0xb8;
	[tilespmem:$0x10200] =	vst v63  }
0x82: {  	v3 =	vadd.s32 v1, v3  }
0x83: {  	[tilespmem:s18], [sflag:$0x4] =	stream.indirect_vreg.gather [hbm4b:s9+s3], $0x80, v4, vm0, $0xb8;
	[tilespmem:$0x10200] =	vst v63  }
0x84: {  	_ = 	snop  }
0x85: {  	[tilespmem:s19], [sflag:$0x4] =	stream.indirect_vreg.gather [hbm4b:s10+s3], $0x80, v4, vm0, $0xb8;
	[tilespmem:$0x10200] =	vst v63  }
0x86: {  	_ = 	snop  }
0x87: {  	[tilespmem:s20], [sflag:$0x4] =	stream.indirect_vreg.gather [hbm4b:s2+s3], $0x80, v3, vm0, $0xb8;
	[tilespmem:$0x10200] =	vst v63  }
0x88: {  	_ = 	snop  }
0x89: {  	[tilespmem:s21], [sflag:$0x4] =	stream.indirect_vreg.gather [hbm4b:s8+s3], $0x80, v3, vm0, $0xb8;
	[tilespmem:$0x10200] =	vst v63  }
0x8a: {  	_ = 	snop  }
0x8b: {  	[tilespmem:s22], [sflag:$0x4] =	stream.indirect_vreg.gather [hbm4b:s9+s3], $0x80, v3, vm0, $0xb8;
	[tilespmem:$0x10200] =	vst v63  }
0x8c: {  	_ = 	snop  }
0x8d: {  	[tilespmem:s23], [sflag:$0x4] =	stream.indirect_vreg.gather [hbm4b:s10+s3], $0x80, v3, vm0, $0xb8;
	[tilespmem:$0x10200] =	vst v63  }
0x8e: {  	_ =	swait.ge [sflag:s24], $0x4000  }
0x8f: {  	[sflag:s24] =	ssyncset.done $0x0  }
0x90: {  	[sflag:s24] =	ssyncadd.s32 $0xFFFFC000  }
0x91: {  	_ =	swait.ge [sflag:s25], $0x4000  }
0x92: {  	[sflag:s25] =	ssyncset.done $0x0  }
0x93: {  	s0 =	rddreg [dreg:$0x7];
	[sflag:s25] =	ssyncadd.s32 $0xFFFFC000  }
0x94: {  	[hbm4b:s0+s3] =	stream.linear.scatter [tilespmem:s13], [sflag:$0x5], $0x4000, $0x38;
	[tilespmem:$0x10200] =	vst v63  }
0x95: {  	s17 =	rddreg [dreg:$0x8]  }
0x96: {  	[hbm4b:s17+s3] =	stream.linear.scatter [tilespmem:s14], [sflag:$0x7], $0x4000, $0x38;
	[tilespmem:$0x10200] =	vst v63  }
0x97: {  	_ =	swait.ge [sflag:s26], $0x4000  }
0x98: {  	[sflag:s26] =	ssyncset.done $0x0  }
0x99: {  	[sflag:s26] =	ssyncadd.s32 $0xFFFFC000  }
0x9a: {  	_ =	swait.ge [sflag:s28], $0x4000  }
0x9b: {  	[sflag:s28] =	ssyncset.done $0x0  }
0x9c: {  	s0 =	rddreg [dreg:$0x9];
	[sflag:s28] =	ssyncadd.s32 $0xFFFFC000  }
0x9d: {  	[hbm4b:s0+s3] =	stream.linear.scatter [tilespmem:s15], [sflag:$0x6], $0x4000, $0x38;
	[tilespmem:$0x10200] =	vst v63  }
0x9e: {  	s17 =	rddreg [dreg:$0xa]  }
0x9f: {  	[hbm4b:s17+s3] =	stream.linear.scatter [tilespmem:s16], [sflag:$0x8], $0x4000, $0x38;
	[tilespmem:$0x10200] =	vst v63  }
0xa0: {  	_ =	swait.ge [sflag:s29], $0x4000  }
0xa1: {  	[sflag:s29] =	ssyncset.done $0x0  }
0xa2: {  	[sflag:s29] =	ssyncadd.s32 $0xFFFFC000  }
0xa3: {  	_ =	swait.ge [sflag:s30], $0x4000  }
0xa4: {  	[sflag:s30] =	ssyncset.done $0x0  }
0xa5: {  	[sflag:s30] =	ssyncadd.s32 $0xFFFFC000  }
0xa6: {  	p0 =	sne.s32 s11, $0x1;
	_ =	swait.ge [sflag:s31], $0x4000  }
.Ltmp0:
0xa7: {  	[sflag:s31] =	ssyncset.done $0x0;
	(pc) =	sbr.rel @p0 .LBB2_1-.Ltmp0, $4  }
0xa8: {  	[sflag:s31] =	ssyncadd.s32 $0xFFFFC000  }
0xa9: {  	_ =	swait.ge [sflag:s1], $0x4000  }
0xaa: {  	[sflag:s1] =	ssyncset.done $0x0  }
0xab: {  	s11 =	sadd.s32 $0xFFFFFFFF, s11;
	[sflag:s1] =	ssyncadd.s32 $0xFFFFC000  }
0xac: {  	_ =	sfence.sel $0x180000  }
0xad: {  	[bflag:$0x0] =	sbarrier.arrive $0xFFFF  }
0xae: {  	_ =	strace $0x90000047  }
0xaf: {  	s0 =	stileid.u32;
	[bflag:$0x2] =	sbarrier.arrive $0xFFFF  }
0xb0: {  	p0 =	sne.s32 s0, $0x0;
	s0 =	rddreg [dreg:$0x3]  }
0xb1: {  	s0 =	sadd.s32 @!p0 $0x100000, s0  }
0xb2: {  	[sflag:s0] =	ssyncadd.tile.s32 @!p0 $0x1;
	_ =	shalt  }
.Lfunc_end2:
_tile_overlayer_lowered:
.L_overlay_start_2:
0xb3: {  	(tag) =	ssettag $0x2  }
0xb4: {  	s0 =	rddreg [dreg:$0x0];
	s2 =	stileid.u32  }
0xb5: {  	s1 =	rddreg [dreg:$0x1];
	p0 =	sne.s32 s2, $0x0  }
0xb6: {  	s3 =	rddreg [dreg:$0x2];
	[bflag:$0x3] =	sbarrier.arrive $0xFFFF;
	s2 =	simm.s32 @!p0 $0x1C09  }
0xb7: {  	[timem:s3], [sflag:s2] =	dma.local @!p0 [hbm:s0], s1  }
0xb8: {  	s0 =	simm.s32 @!p0 $0x9  }
0xb9: {  	_ =	swait.ge @!p0 [sflag:s0], s1  }
0xba: {  	s1 =	ssub.s32 @!p0 $0x0, s1;
	[sflag:s0] =	ssyncset.done @!p0 $0x0  }
0xbb: {  	[sflag:s0] =	ssyncadd.s32 @!p0 s1  }
0xbc: {  	[bflag:$0x3] =	sbarrier.arrive $0xFFFF  }
0xbd: {  	_ =	shalt  }

// kernel: kernel.14.cloned.1.call-start
scs
__scs_entry_jumppad:
0x0: {  	(pc) =	sbr.rel $0x88, $3  }
0x1: {  	(tag) =	ssettag $0x0;
	lr =	simm.s32 $0x1  }
0x2: {  	[smem:$0x3F9B] =	sst lr;
	_ =	strace $0xD0000000  }
0x3: {  	_ = 	snop  }
0x4: {  	_ = 	snop  }
0x5: {  	_ = 	snop  }
0x6: {  	_ = 	snop  }
0x7: {  	_ = 	snop  }
__scs_overlays_trampoline_lowered:
0x8: {  	[smem:$0x3FAA] =	sst s0  }
0x9: {  	[smem:$0x3FAB] =	sst s1  }
0xa: {  	[smem:$0x3FAC] =	sst s2  }
0xb: {  	[smem:$0x3FAD] =	sst s3  }
0xc: {  	[smem:$0x3FAE] =	sst s4  }
0xd: {  	[smem:$0x3FAF] =	sst s5  }
0xe: {  	[smem:$0x3FB0] =	sst s6  }
0xf: {  	[smem:$0x3FB1] =	sst s7  }
0x10: {  	[smem:$0x3FB2] =	sst s8  }
0x11: {  	[smem:$0x3FB3] =	sst s9;
	s0 =	simm.s32 @!p0 $0x0  }
0x12: {  	s1 =	sld [smem:$0x3F99];
	s0 =	simm.s32 @p0 $0x1  }
0x13: {  	[smem:$0x3FB4] =	sst s0;
	s0 =	simm.s32 @!p1 $0x0  }
0x14: {  	s2 =	sld [smem:$0x3F98];
	s0 =	simm.s32 @p1 $0x1  }
0x15: {  	[smem:$0x3FB5] =	sst s0;
	s0 =	simm.s32 @!p2 $0x0  }
0x16: {  	s3 =	sld [smem:$0x3FDB];
	s0 =	simm.s32 @p2 $0x1  }
0x17: {  	s4 =	simm.s32 $0x1BF5;
	[smem:$0x3FB7] =	sst s0  }
0x18: {  	s0 =	sld [smem:$0x3F9A];
	_ =	swait.ge [sflag:s4], $0x0  }
0x19: {  	s7 =	sld [smem:$0x3F9B]  }
0x1a: {  	s8 =	sadd.s32 $0xFFFFE003, lr  }
0x1b: {  	s9 =	sadd.s32 $0xFFFFFEF7, lr;
	s5 =	simm.s32 $0xFFFFFFFF;
	p2 =	slt.u32 s8, $0xFFFFF086  }
0x1c: {  	p1 =	slt.u32 s9, $0xF7A;
	s5 =	simm.s32 @!p2 $0x0  }
0x1d: {  	s5 =	simm.s32 @p1 $0x1;
	p0 =	seq.s32 s7, s2  }
0x1e: {  	s7 =	smul.u32 @!p0 $0xF7A, s2;
	p2 =	seq.s32 @!p0 s5, $0x0  }
0x1f: {  	s9 =	smul.u32 $0xF7A, s1;
	s8 =	simm.s32 @!p0 $0x1BF5;
	p2 =	por !p2, p0  }
0x20: {  	[sflag:s8] =	ssyncset.s32 @!p0 $0xFFFFF086;
	s6 =	sadd.s32 @!p0 s3, s7;
	s7 =	simm.s32 @!p0 $0x108  }
0x21: {  	s3 =	sadd.s32 s3, s9;
	s6 =	sadd.s32 @!p0 $0x88, s6;
	s7 =	simm.s32 @p2 $0x1082  }
0x22: {  	[simem:s7], [sflag:s8] =	dma.local @!p0 [hbm:s6], $0xF7A  }
0x23: {  	s9 =	sor.u32 $0xD0000000, s2;
	s6 =	simm.s32 $0x108;
	_ =	swait.ge @!p0 [sflag:s8], $0x0  }
0x24: {  	s3 =	sadd.s32 $0x88, s3;
	s6 =	simm.s32 @!p1 $0x1082;
	[sflag:s4] =	ssyncset.s32 $0xFFFFF086  }
0x25: {  	[simem:s6], [sflag:s4] =	dma.local [hbm:s3], $0xF7A  }
0x26: {  	[smem:$0x3F9B] =	sst s1;
	(tag) =	ssettag s2;
	_ =	strace s9  }
0x27: {  	s1 =	sld [smem:$0x3FAB]  }
0x28: {  	s2 =	sld [smem:$0x3FAC]  }
0x29: {  	s4 =	sld [smem:$0x3FAE]  }
0x2a: {  	p0 =	seq.s32 s5, $0x0;
	s5 =	sld [smem:$0x3FAF]  }
0x2b: {  	s6 =	sld [smem:$0x3FB0]  }
0x2c: {  	s7 =	sld [smem:$0x3FB1]  }
0x2d: {  	s3 =	simm.s32 $0x108;
	s8 =	sld [smem:$0x3FB2]  }
0x2e: {  	s3 =	simm.s32 @!p0 $0x1082;
	s9 =	sld [smem:$0x3FB3]  }
0x2f: {  	lr =	sadd.s32 s0, s3;
	s0 =	sld [smem:$0x3FAA]  }
0x30: {  	s3 =	sld [smem:$0x3FAD]  }
0x31: {  	[smem:$0x3FB6] =	sst s10  }
0x32: {  	s10 =	sld [smem:$0x3FB4];
	_ =	sdelay $0x3  }
0x33: {  	p0 =	seq.s32 s10, $0x1;
	s10 =	sld [smem:$0x3FB6];
	_ =	sdelay $0x3  }
0x34: {  	[smem:$0x3FB6] =	sst s10  }
0x35: {  	s10 =	sld [smem:$0x3FB5];
	_ =	sdelay $0x3  }
0x36: {  	p1 =	seq.s32 s10, $0x1;
	s10 =	sld [smem:$0x3FB6];
	_ =	sdelay $0x3  }
0x37: {  	[smem:$0x3FB6] =	sst s10  }
0x38: {  	s10 =	sld [smem:$0x3FB7]  }
0x39: {  	_ = 	snop;
	(pc) =	sbr.ind lr, $3  }
0x3a: {  	_ = 	snop  }
0x3b: {  	_ = 	snop  }
0x3c: {  	p2 =	seq.s32 s10, $0x1;
	s10 =	sld [smem:$0x3FB6]  }
0x3d: {  	_ =	shalt  }
0x3e: {  	_ =	shalt  }
0x3f: {  	_ =	shalt  }
0x40: {  	_ =	shalt  }
0x41: {  	_ =	shalt  }
0x42: {  	_ =	shalt  }
0x43: {  	_ =	shalt  }
0x44: {  	_ =	shalt  }
0x45: {  	_ =	shalt  }
0x46: {  	_ =	shalt  }
0x47: {  	_ =	shalt  }
0x48: {  	_ =	shalt  }
0x49: {  	_ =	shalt  }
0x4a: {  	_ =	shalt  }
0x4b: {  	_ =	shalt  }
0x4c: {  	_ =	shalt  }
0x4d: {  	_ =	shalt  }
0x4e: {  	_ =	shalt  }
0x4f: {  	_ =	shalt  }
0x50: {  	_ =	shalt  }
0x51: {  	_ =	shalt  }
0x52: {  	_ =	shalt  }
0x53: {  	_ =	shalt  }
0x54: {  	_ =	shalt  }
0x55: {  	_ =	shalt  }
0x56: {  	_ =	shalt  }
0x57: {  	_ =	shalt  }
0x58: {  	_ =	shalt  }
0x59: {  	_ =	shalt  }
0x5a: {  	_ =	shalt  }
0x5b: {  	_ =	shalt  }
0x5c: {  	_ =	shalt  }
0x5d: {  	_ =	shalt  }
0x5e: {  	_ =	shalt  }
0x5f: {  	_ =	shalt  }
0x60: {  	_ =	shalt  }
0x61: {  	_ =	shalt  }
0x62: {  	_ =	shalt  }
0x63: {  	_ =	shalt  }
0x64: {  	_ =	shalt  }
0x65: {  	_ =	shalt  }
0x66: {  	_ =	shalt  }
0x67: {  	_ =	shalt  }
0x68: {  	_ =	shalt  }
0x69: {  	_ =	shalt  }
0x6a: {  	_ =	shalt  }
0x6b: {  	_ =	shalt  }
0x6c: {  	_ =	shalt  }
0x6d: {  	_ =	shalt  }
0x6e: {  	_ =	shalt  }
0x6f: {  	_ =	shalt  }
0x70: {  	_ =	shalt  }
0x71: {  	_ =	shalt  }
0x72: {  	_ =	shalt  }
0x73: {  	_ =	shalt  }
0x74: {  	_ =	shalt  }
0x75: {  	_ =	shalt  }
0x76: {  	_ =	shalt  }
0x77: {  	_ =	shalt  }
0x78: {  	_ =	shalt  }
0x79: {  	_ =	shalt  }
0x7a: {  	_ =	shalt  }
0x7b: {  	_ =	shalt  }
0x7c: {  	_ =	shalt  }
0x7d: {  	_ =	shalt  }
0x7e: {  	_ =	shalt  }
0x7f: {  	_ =	shalt  }
0x80: {  	_ =	shalt  }
0x81: {  	_ =	shalt  }
0x82: {  	_ =	shalt  }
0x83: {  	_ =	shalt  }
0x84: {  	_ =	shalt  }
0x85: {  	_ =	shalt  }
0x86: {  	_ =	shalt  }
0x87: {  	_ =	shalt  }
.Lfunc_end0:
.L_simem_size_0:
called_computation.1_lowered:
.L_overlay_start_0:
0x88: {  	s2 =	sld [smem:$0x3FD9]  }
0x89: {  	s3 =	sld [smem:$0x3FFE];
	_ =	sdelay $0x1  }
0x8a: {  	s1 =	srdreg.scid  }
0x8b: {  	s0 =	sand.u32 $0x1, s1  }
0x8c: {  	s17 =	sshll.u32 s0, $0xA;
	s2 =	sadd.s32 s3, s2  }
0x8d: {  	s2 =	sadd.s32 s2, s17  }
0x8e: {  	[smem:$0x3FC2] =	sst s2  }
0x8f: {  	_ = 	snop  }
0x90: {  	s18 =	sld [smem:$0x3FC7];
	(tm) =	ssettm $0x1  }
0x91: {  	s19 =	sld [smem:$0x3FFB];
	_ =	sdelay $0x3  }
0x92: {  	_ =	strace s19  }
0x93: {  	s2 =	sld [smem:$0x3FFC];
	_ =	sdelay $0x3  }
0x94: {  	_ =	strace s2  }
0x95: {  	s2 =	sld [smem:$0x3FFD];
	_ =	sdelay $0x3  }
0x96: {  	_ =	strace s2  }
0x97: {  	_ =	strace $0x8FFFFFFF  }
0x98: {  	s20 =	sld [smem:$0x3FDB];
	_ =	sdelay $0x1  }
0x99: {  	s4 =	simm.s32 $_scs_section_size  }
0x9a: {  	s5 =	simm.s32 $_size__tile_overlayer_lowered;
	s6 =	simm.s32 $_tile_overlayer_lowered  }
0x9b: {  	s7 =	simm.s32 $0x1BFF;
	s21 =	sshll.u32 s6, $0x1;
	s4 =	sadd.s32 s4, s20  }
0x9c: {  	s22 =	simm.s32 $0x0;
	s5 =	sshll.u32 s5, $0x1;
	s6 =	sadd.s32 s21, s4  }
0x9d: {  	[timem:s22], [sflag:s7] =	dma.local [hbm:s6], s5  }
0x9e: {  	_ =	swait.ge [sflag:s7], s5  }
0x9f: {  	s5 =	ssub.s32 $0x0, s5;
	[sflag:s7] =	ssyncset.done $0x0  }
0xa0: {  	[sflag:s7] =	ssyncadd.s32 s5;
	_ =	sdelay $0x1  }
0xa1: {  	s23 =	simm.s32 $0x1B8B  }
0xa2: {  	_ =	swait.ge [sflag:s23], $0x1  }
0xa3: {  	[sflag:s23] =	ssyncset.done $0x0  }
0xa4: {  	[sflag:s23] =	ssyncadd.s32 $0xFFFFFFFF  }
0xa5: {  	s5 =	sld [smem:$0x0]  }
0xa6: {  	s6 =	sand.u32 $0xFFFFFFFE, s1  }
0xa7: {  	p0 =	sne.s32 s1, s6  }
0xa8: {  	s6 =	sshll.u32 @p0 s6, $0xE  }
0xa9: {  	s6 =	sadd.s32 @p0 $0x11B8D, s6;
	s7 =	sshll.u32 @p0 s5, $0x11  }
0xaa: {  	s6 =	sor.u32 @p0 s7, s6  }
0xab: {  	[sflag:s6] =	ssyncadd.remote.s32 @p0 $0x1;
	_ =	sdelay $0x1  }
0xac: {  	s6 =	simm.s32 @p0 $0x1B8D  }
0xad: {  	_ =	swait.eq @p0 [sflag:s6], $0x1  }
0xae: {  	[sflag:s6] =	ssyncadd.s32 @p0 $0xFFFFFFFF  }
0xaf: {  	s7 =	sshll.u32 @!p0 s1, $0xE  }
0xb0: {  	s7 =	sor.u32 @!p0 $0x4000, s7;
	s6 =	simm.s32 @!p0 $0x1B8D  }
0xb1: {  	s5 =	sshll.u32 @!p0 s5, $0x11;
	s7 =	sadd.s32 @!p0 $0x11B8D, s7;
	_ =	swait.eq @!p0 [sflag:s6], $0x1  }
0xb2: {  	s5 =	sor.u32 @!p0 s5, s7;
	[sflag:s6] =	ssyncadd.s32 @!p0 $0xFFFFFFFF  }
0xb3: {  	s25 =	simm.s32 $0x1B8E;
	s24 =	sld [smem:$0x3FFE];
	[sflag:s5] =	ssyncadd.remote.s32 @!p0 $0x1  }
0xb4: {  	s26 =	simm.s32 $execute0_lowered;
	[smem:$0x3FD2] =	sst s25  }
0xb5: {  	s6 =	sshll.u32 s26, $0x1;
	_ =	strace $0x80000049;
	[dreg:$0x1] =	wrdreg $0xFFFFFFFF  }
0xb6: {  	s28 =	simm.s32 $_size_execute0_lowered;
	s4 =	sadd.s32 s4, s6;
	[dreg:$0x0] =	wrdreg $0x0  }
0xb7: {  	s6 =	sshll.u32 s28, $0x1;
	[dreg:$0x2] =	wrdreg s4  }
0xb8: {  	[dreg:$0x3] =	wrdreg s6  }
0xb9: {  	[dreg:$0x4] =	wrdreg $0xC0  }
0xba: {  	_ =	task [dreg:s22], $0x5FFFF  }
0xbb: {  	[dreg:$0x1] =	wrdreg $0xFFFFFFFF  }
0xbc: {  	[dreg:$0x0] =	wrdreg $0x60  }
0xbd: {  	[dreg:$0x2] =	wrdreg s24  }
0xbe: {  	[dreg:$0x3] =	wrdreg s18  }
0xbf: {  	[dreg:$0x4] =	wrdreg $0xA  }
0xc0: {  	_ =	task.clear_ibuf [dreg:s22], $0x5FFFF;
	_ =	strace $0x90000049  }
0xc1: {  	s29 =	simm.s32 $0xA;
	_ =	strace $0x8000004B  }
0xc2: {  	_ =	swait.ge [sflag:s29], $0x1  }
0xc3: {  	[sflag:s29] =	ssyncadd.s32 $0xFFFFFFFF  }
0xc4: {  	_ =	strace $0x9000004B  }
0xc5: {  	_ =	sfence  }
0xc6: {  	s30 =	sld [smem:$0x0];
	_ =	sdelay $0x2  }
0xc7: {  	s31 =	sshll.u32 s1, $0xD;
	s1 =	sshrl.u32 s1, $0x2  }
0xc8: {  	s4 =	sand.u32 $0x4000, s31;
	s1 =	sadd.s32 s1, s30  }
0xc9: {  	s0 =	sor.u32 s4, s0;
	s1 =	sshll.u32 s1, $0x11  }
0xca: {  	s0 =	sor.u32 s1, s0  }
0xcb: {  	s0 =	sadd.s32 $0x8F2B, s0  }
0xcc: {  	[sflag:s0] =	ssyncadd.remote.s32 $0x1  }
0xcd: {  	_ =	sfence.sel $0xFFFF  }
0xce: {  	[dreg:$0x0] =	wrdreg $0xFFFFFFFF;
	(pc) =	sbr.abs _section_cstart, $3  }
0xcf: {  	[dreg:$0x1] =	wrdreg $0xFFFFFFFF  }
0xd0: {  	_ =	task.clear_ibuf [dreg:s22], $0x2FFFF;
	_ =	strace $0x9FFFFFFF  }
0xd1: {  	(tm) =	ssettm $0x7FFFFFFF  }
tec
execute0_lowered:
.L_overlay_start_1:
0x0: {  	(tag) =	ssettag $0x1  }
0x1: {  	s1 =	srdreg.scid;
	s19 =	rddreg [dreg:$0x0]  }
0x2: {  	s0 =	stileid.u32;
	s2 =	rddreg [dreg:$0x1];
	s25 =	simm.s32 $0x80  }
0x3: {  	s26 =	simm.s32 $0x100;
	s9 =	simm.s32 $0x2A00;
	s5 =	sand.u32 $0x1, s1  }
0x4: {  	s10 =	simm.s32 $0x3200;
	s3 =	sshll.u32 s0, $0x6;
	s4 =	sshll.u32 s5, $0x5  }
0x5: {  	s11 =	simm.s32 $0x3A00;
	s4 =	sor.u32 s4, s3;
	s3 =	simm.s32 $0x0  }
0x6: {  	s12 =	simm.s32 $0x8A00;
	s13 =	simm.s32 $0x9200;
	[smem:$0x7FF] =	sst s3  }
0x7: {  	s15 =	simm.s32 $0x9A00;
	_ =	strace $0x8000004A;
	[dreg:$0xa] =	wrdreg s25  }
0x8: {  	s16 =	simm.s32 $0xA200;
	s0 =	simm.s32 $0xA00;
	[dreg:$0xb] =	wrdreg s26  }
0x9: {  	s17 =	simm.s32 $0xAA00;
	s18 =	simm.s32 $0xB200;
	[dreg:$0xc] =	wrdreg s0  }
0xa: {  	s28 =	simm.s32 $0x4;
	s29 =	simm.s32 $0x5;
	[dreg:$0x10] =	wrdreg s9  }
0xb: {  	s30 =	simm.s32 $0x7;
	s31 =	simm.s32 $0x6;
	[dreg:$0x11] =	wrdreg s10  }
0xc: {  	s8 =	sadd.s32 $0x245C00, s19;
	s21 =	sadd.s32 $0x265C00, s19;
	[dreg:$0x12] =	wrdreg s11  }
0xd: {  	s1 =	simm.s32 $0x8;
	s5 =	ssub.s32 $0x2, s5;
	[dreg:$0x13] =	wrdreg s12  }
0xe: {  	s14 =	sshrl.u32 s5, $0x1;
	s6 =	sshrl.u32 s4, $0x3;
	[dreg:$0x14] =	wrdreg s13  }
0xf: {  	s4 =	sshll.u32 s4, $0x7;
	s6 =	sadd.s32 s6, s19;
	[dreg:$0x15] =	wrdreg s15  }
0x10: {  	s22 =	sadd.s32 s8, s4;
	s23 =	sadd.s32 s21, s4;
	[dreg:$0x16] =	wrdreg s16  }
0x11: {  	s4 =	sor.u32 $0x800, s4;
	s11 =	ssub.s32 s5, s14;
	[dreg:$0x17] =	wrdreg s17  }
0x12: {  	s5 =	sadd.s32 $0x4D00, s19;
	[dreg:$0x18] =	wrdreg s18;
	s9 =	sadd.s32 $0x200, s2  }
0x13: {  	s10 =	sadd.s32 $0x300, s2;
	s12 =	simm.s32 $0x9;
	[dreg:$0x6] =	wrdreg s22  }
0x14: {  	s13 =	simm.s32 $0x200;
	s25 =	simm.s32 $0x7200;
	[dreg:$0x7] =	wrdreg s23  }
0x15: {  	s14 =	simm.s32 $0x8200;
	s26 =	simm.s32 $0x7A00;
	[dreg:$0x1f] =	wrdreg s25  }
0x16: {  	s15 =	simm.s32 $0x4200;
	s7 =	sadd.s32 $0x4600, s6;
	[smem:$0x7FD] =	sst s26  }
0x17: {  	s16 =	simm.s32 $0xC200;
	s20 =	sadd.s32 $0x205000, s6;
	[dreg:$0x3] =	wrdreg s7  }
0x18: {  	s18 =	simm.s32 $0xD200;
	s6 =	sadd.s32 $0x205200, s6;
	[dreg:$0x4] =	wrdreg s20  }
0x19: {  	s24 =	sadd.s32 s8, s4;
	s4 =	sadd.s32 s21, s4;
	[dreg:$0x5] =	wrdreg s6  }
0x1a: {  	s8 =	simm.s32 $0x2200;
	s21 =	simm.s32 $0x5200;
	[dreg:$0x8] =	wrdreg s24  }
0x1b: {  	s22 =	simm.s32 $0x5A00;
	s11 =	smax.u32 s11, $0x1;
	[dreg:$0x9] =	wrdreg s4  }
0x1c: {  	s23 =	simm.s32 $0x6200;
	s25 =	simm.s32 $0x3;
	[dreg:$0xf] =	wrdreg s8  }
0x1d: {  	s26 =	simm.s32 $0x2;
	s6 =	simm.s32 $0x1200;
	[dreg:$0x1b] =	wrdreg s21  }
0x1e: {  	s7 =	simm.s32 $0x1A00;
	s4 =	sadd.s32 $0x4C00, s19;
	[dreg:$0x1c] =	wrdreg s22  }
0x1f: {  	s8 =	sadd.s32 $0x100, s2;
	s20 =	simm.s32 $0x4A00;
	[dreg:$0x1d] =	wrdreg s23  }
0x20: {  	s24 =	simm.s32 $0x6A00;
	s21 =	simm.s32 $0xEA00;
	[dreg:$0xd] =	wrdreg s6  }
0x21: {  	s22 =	simm.s32 $0xF200;
	s23 =	simm.s32 $0xFA00;
	[dreg:$0xe] =	wrdreg s7  }
0x22: {  	v2 =	vlaneseq.u32;
	s6 =	sadd.s32 $0x4E00, s19;
	s7 =	sadd.s32 $0x4F00, s19;
	[dreg:$0x1a] =	wrdreg s20  }
0x23: {  	vm0 =	vmmov $0xffff;
	v1 =	vshrl.u32 v2, $0x3;
	s19 =	simm.s32 $0xBA00;
	[dreg:$0x1e] =	wrdreg s24;
	s20 =	simm.s32 $0xE200  }
0x24: {  	v0 =	vand.u32 $0x7, v2;
	v2 =	vor.u32 $0x8, v2;
	v1 =	vmul.u32 $0x8, v1;
	s24 =	simm.s32 $0x1;
	[dreg:$0x19] =	wrdreg s19;
	s19 =	simm.s32 $0xDA00  }
.LBB2_1:
0x25: {  	s0 =	rddreg [dreg:$0x3]  }
0x26: {  	[tilespmem:s3], [sflag:$0x9] =	stream.linear.gather [hbm4b:s0+s3], $0x20, $0x38;
	[tilespmem:$0x10200] =	vst v63  }
0x27: {  	_ =	swait.ge [sflag:s12], $0x20  }
0x28: {  	s0 =	rddreg [dreg:$0x4];
	[sflag:s12] =	ssyncset.done $0x0  }
0x29: {  	s17 =	rddreg [dreg:$0xa];
	[sflag:s12] =	ssyncadd.s32 $0xFFFFFFE0  }
0x2a: {  	[tilespmem:s17], [sflag:$0x9] =	stream.linear.gather [hbm4b:s0+s3], $0x20, $0x38;
	[tilespmem:$0x10200] =	vst v63  }
0x2b: {  	_ =	swait.ge [sflag:s12], $0x20  }
0x2c: {  	s0 =	rddreg [dreg:$0x5];
	[sflag:s12] =	ssyncset.done $0x0  }
0x2d: {  	s17 =	rddreg [dreg:$0xb];
	[sflag:s12] =	ssyncadd.s32 $0xFFFFFFE0  }
0x2e: {  	[tilespmem:s17], [sflag:$0x9] =	stream.linear.gather [hbm4b:s0+s3], $0x20, $0x38;
	[tilespmem:$0x10200] =	vst v63  }
0x2f: {  	_ =	swait.ge [sflag:s12], $0x20  }
0x30: {  	[sflag:s12] =	ssyncset.done $0x0  }
0x31: {  	[sflag:s12] =	ssyncadd.s32 $0xFFFFFFE0  }
0x32: {  	v3 =	vld [tilespmem:$0x0]  }
0x33: {  	v4 =	vld [tilespmem:$0x80];
	_ =	sdelay $0x3  }
0x34: {  	v3 =	vshll.u32 v3, $0xB  }
0x35: {  	v3 =	vadd.s32 v4, v3  }
0x36: {  	v5 =	vshll.u32 v3, $0x3  }
0x37: {  	v4 =	vand.u32 $0x7, v4;
	v5 =	vand.u32 $0xFFFFFFC0, v5  }
0x38: {  	v6 =	vld [tilespmem:$0x10];
	v4 =	vor.u32 v4, v5  }
0x39: {  	v60 =	vld [tilespmem:$0x90];
	v7 =	vperm.xlane v4, v0;
	_ =	sdelay $0x1  }
0x3a: {  	v7 =	vadd.s32 v1, v7;
	_ =	sdelay $0x1  }
0x3b: {  	v6 =	vshll.u32 v6, $0xB  }
0x3c: {  	[tilespmem:$0x180] =	vst v3;
	v3 =	vadd.s32 v60, v6  }
0x3d: {  	[tilespmem:$0x190] =	vst v3  }
0x3e: {  	[tilespmem:s13], [sflag:$0x1] =	stream.indirect_vreg.gather [hbm4b:s4+s3], $0x80, v7, vm0, $0xb8;
	[tilespmem:$0x10200] =	vst v63  }
0x3f: {  	s0 =	rddreg [dreg:$0xc];
	v3 =	vperm.xlane v4, v2  }
0x40: {  	[tilespmem:s0], [sflag:$0x1] =	stream.indirect_vreg.gather [hbm4b:s5+s3], $0x80, v7, vm0, $0xb8;
	[tilespmem:$0x10200] =	vst v63  }
0x41: {  	s17 =	rddreg [dreg:$0xd];
	v3 =	vadd.s32 v1, v3  }
0x42: {  	[tilespmem:s17], [sflag:$0x1] =	stream.indirect_vreg.gather [hbm4b:s6+s3], $0x80, v7, vm0, $0xb8;
	[tilespmem:$0x10200] =	vst v63  }
0x43: {  	s0 =	rddreg [dreg:$0xe]  }
0x44: {  	[tilespmem:s0], [sflag:$0x1] =	stream.indirect_vreg.gather [hbm4b:s7+s3], $0x80, v7, vm0, $0xb8;
	[tilespmem:$0x10200] =	vst v63  }
0x45: {  	s17 =	rddreg [dreg:$0xf]  }
0x46: {  	[tilespmem:s17], [sflag:$0x1] =	stream.indirect_vreg.gather [hbm4b:s4+s3], $0x80, v3, vm0, $0xb8;
	[tilespmem:$0x10200] =	vst v63  }
0x47: {  	s0 =	rddreg [dreg:$0x10]  }
0x48: {  	[tilespmem:s0], [sflag:$0x1] =	stream.indirect_vreg.gather [hbm4b:s5+s3], $0x80, v3, vm0, $0xb8;
	[tilespmem:$0x10200] =	vst v63  }
0x49: {  	s17 =	rddreg [dreg:$0x11]  }
0x4a: {  	[tilespmem:s17], [sflag:$0x1] =	stream.indirect_vreg.gather [hbm4b:s6+s3], $0x80, v3, vm0, $0xb8;
	[tilespmem:$0x10200] =	vst v63  }
0x4b: {  	s0 =	rddreg [dreg:$0x12]  }
0x4c: {  	[tilespmem:s0], [sflag:$0x1] =	stream.indirect_vreg.gather [hbm4b:s7+s3], $0x80, v3, vm0, $0xb8;
	[tilespmem:$0x10200] =	vst v63  }
0x4d: {  	v3 =	vld [tilespmem:$0x100];
	_ =	sdelay $0x4  }
0x4e: {  	v61 =	vshll.u32 v3, $0x3  }
0x4f: {  	v3 =	vand.u32 $0x7, v3;
	v4 =	vand.u32 $0xFFFFFFC0, v61  }
0x50: {  	v3 =	vor.u32 v3, v4  }
0x51: {  	v4 =	vperm.xlane v3, v0;
	_ =	sdelay $0x1  }
0x52: {  	v4 =	vadd.s32 v1, v4;
	_ =	sdelay $0x4  }
0x53: {  	[tilespmem:s14], [sflag:$0x3] =	stream.indirect_vreg.gather [hbm4b:s2+s3], $0x80, v4, vm0, $0xb8;
	[tilespmem:$0x10200] =	vst v63  }
0x54: {  	s0 =	rddreg [dreg:$0x13];
	v3 =	vperm.xlane v3, v2  }
0x55: {  	[tilespmem:s0], [sflag:$0x3] =	stream.indirect_vreg.gather [hbm4b:s8+s3], $0x80, v4, vm0, $0xb8;
	[tilespmem:$0x10200] =	vst v63  }
0x56: {  	s17 =	rddreg [dreg:$0x14];
	v3 =	vadd.s32 v1, v3  }
0x57: {  	[tilespmem:s17], [sflag:$0x3] =	stream.indirect_vreg.gather [hbm4b:s9+s3], $0x80, v4, vm0, $0xb8;
	[tilespmem:$0x10200] =	vst v63  }
0x58: {  	s0 =	rddreg [dreg:$0x15]  }
0x59: {  	[tilespmem:s0], [sflag:$0x3] =	stream.indirect_vreg.gather [hbm4b:s10+s3], $0x80, v4, vm0, $0xb8;
	[tilespmem:$0x10200] =	vst v63  }
0x5a: {  	s17 =	rddreg [dreg:$0x16]  }
0x5b: {  	[tilespmem:s17], [sflag:$0x3] =	stream.indirect_vreg.gather [hbm4b:s2+s3], $0x80, v3, vm0, $0xb8;
	[tilespmem:$0x10200] =	vst v63  }
0x5c: {  	s0 =	rddreg [dreg:$0x17]  }
0x5d: {  	[tilespmem:s0], [sflag:$0x3] =	stream.indirect_vreg.gather [hbm4b:s8+s3], $0x80, v3, vm0, $0xb8;
	[tilespmem:$0x10200] =	vst v63  }
0x5e: {  	s17 =	rddreg [dreg:$0x18]  }
0x5f: {  	[tilespmem:s17], [sflag:$0x3] =	stream.indirect_vreg.gather [hbm4b:s9+s3], $0x80, v3, vm0, $0xb8;
	[tilespmem:$0x10200] =	vst v63  }
0x60: {  	s0 =	rddreg [dreg:$0x19]  }
0x61: {  	[tilespmem:s0], [sflag:$0x3] =	stream.indirect_vreg.gather [hbm4b:s10+s3], $0x80, v3, vm0, $0xb8;
	[tilespmem:$0x10200] =	vst v63  }
0x62: {  	v3 =	vld [tilespmem:$0x190];
	_ =	sdelay $0x4  }
0x63: {  	v62 =	vshll.u32 v3, $0x3  }
0x64: {  	v3 =	vand.u32 $0x7, v3;
	v4 =	vand.u32 $0xFFFFFFC0, v62  }
0x65: {  	v3 =	vor.u32 v3, v4  }
0x66: {  	v4 =	vperm.xlane v3, v0;
	_ =	sdelay $0x1  }
0x67: {  	v4 =	vadd.s32 v1, v4;
	_ =	sdelay $0x3  }
0x68: {  	s17 =	rddreg [dreg:$0x1b]  }
0x69: {  	[tilespmem:s15], [sflag:$0x2] =	stream.indirect_vreg.gather [hbm4b:s4+s3], $0x80, v4, vm0, $0xb8;
	[tilespmem:$0x10200] =	vst v63  }
0x6a: {  	s0 =	rddreg [dreg:$0x1a];
	v3 =	vperm.xlane v3, v2  }
0x6b: {  	[tilespmem:s0], [sflag:$0x2] =	stream.indirect_vreg.gather [hbm4b:s5+s3], $0x80, v4, vm0, $0xb8;
	[tilespmem:$0x10200] =	vst v63  }
0x6c: {  	v3 =	vadd.s32 v1, v3;
	s0 =	rddreg [dreg:$0x1c]  }
0x6d: {  	[tilespmem:s17], [sflag:$0x2] =	stream.indirect_vreg.gather [hbm4b:s6+s3], $0x80, v4, vm0, $0xb8;
	[tilespmem:$0x10200] =	vst v63  }
0x6e: {  	s17 =	rddreg [dreg:$0x1d]  }
0x6f: {  	[tilespmem:s0], [sflag:$0x2] =	stream.indirect_vreg.gather [hbm4b:s7+s3], $0x80, v4, vm0, $0xb8;
	[tilespmem:$0x10200] =	vst v63  }
0x70: {  	s0 =	rddreg [dreg:$0x1e]  }
0x71: {  	[tilespmem:s17], [sflag:$0x2] =	stream.indirect_vreg.gather [hbm4b:s4+s3], $0x80, v3, vm0, $0xb8;
	[tilespmem:$0x10200] =	vst v63  }
0x72: {  	s17 =	rddreg [dreg:$0x1f]  }
0x73: {  	[tilespmem:s0], [sflag:$0x2] =	stream.indirect_vreg.gather [hbm4b:s5+s3], $0x80, v3, vm0, $0xb8;
	[tilespmem:$0x10200] =	vst v63  }
0x74: {  	s0 =	sld [smem:$0x7FD]  }
0x75: {  	[tilespmem:s17], [sflag:$0x2] =	stream.indirect_vreg.gather [hbm4b:s6+s3], $0x80, v3, vm0, $0xb8;
	[tilespmem:$0x10200] =	vst v63  }
0x76: {  	_ = 	snop  }
0x77: {  	[tilespmem:s0], [sflag:$0x2] =	stream.indirect_vreg.gather [hbm4b:s7+s3], $0x80, v3, vm0, $0xb8;
	[tilespmem:$0x10200] =	vst v63  }
0x78: {  	v3 =	vld [tilespmem:$0x110];
	_ =	sdelay $0x4  }
0x79: {  	v63 =	vshll.u32 v3, $0x3  }
0x7a: {  	v3 =	vand.u32 $0x7, v3;
	v4 =	vand.u32 $0xFFFFFFC0, v63  }
0x7b: {  	v3 =	vor.u32 v3, v4  }
0x7c: {  	v4 =	vperm.xlane v3, v0;
	_ =	sdelay $0x1  }
0x7d: {  	v4 =	vadd.s32 v1, v4;
	_ =	sdelay $0x4  }
0x7e: {  	[tilespmem:s16], [sflag:$0x4] =	stream.indirect_vreg.gather [hbm4b:s2+s3], $0x80, v4, vm0, $0xb8;
	[tilespmem:$0x10200] =	vst v63  }
0x7f: {  	s17 =	simm.s32 $0xCA00;
	v3 =	vperm.xlane v3, v2  }
0x80: {  	[tilespmem:s17], [sflag:$0x4] =	stream.indirect_vreg.gather [hbm4b:s8+s3], $0x80, v4, vm0, $0xb8;
	[tilespmem:$0x10200] =	vst v63  }
0x81: {  	v3 =	vadd.s32 v1, v3  }
0x82: {  	[tilespmem:s18], [sflag:$0x4] =	stream.indirect_vreg.gather [hbm4b:s9+s3], $0x80, v4, vm0, $0xb8;
	[tilespmem:$0x10200] =	vst v63  }
0x83: {  	_ = 	snop  }
0x84: {  	[tilespmem:s19], [sflag:$0x4] =	stream.indirect_vreg.gather [hbm4b:s10+s3], $0x80, v4, vm0, $0xb8;
	[tilespmem:$0x10200] =	vst v63  }
0x85: {  	_ = 	snop  }
0x86: {  	[tilespmem:s20], [sflag:$0x4] =	stream.indirect_vreg.gather [hbm4b:s2+s3], $0x80, v3, vm0, $0xb8;
	[tilespmem:$0x10200] =	vst v63  }
0x87: {  	_ = 	snop  }
0x88: {  	[tilespmem:s21], [sflag:$0x4] =	stream.indirect_vreg.gather [hbm4b:s8+s3], $0x80, v3, vm0, $0xb8;
	[tilespmem:$0x10200] =	vst v63  }
0x89: {  	_ = 	snop  }
0x8a: {  	[tilespmem:s22], [sflag:$0x4] =	stream.indirect_vreg.gather [hbm4b:s9+s3], $0x80, v3, vm0, $0xb8;
	[tilespmem:$0x10200] =	vst v63  }
0x8b: {  	_ = 	snop  }
0x8c: {  	[tilespmem:s23], [sflag:$0x4] =	stream.indirect_vreg.gather [hbm4b:s10+s3], $0x80, v3, vm0, $0xb8;
	[tilespmem:$0x10200] =	vst v63  }
0x8d: {  	_ =	swait.ge [sflag:s24], $0x4000  }
0x8e: {  	[sflag:s24] =	ssyncset.done $0x0  }
0x8f: {  	[sflag:s24] =	ssyncadd.s32 $0xFFFFC000  }
0x90: {  	_ =	swait.ge [sflag:s25], $0x4000  }
0x91: {  	[sflag:s25] =	ssyncset.done $0x0  }
0x92: {  	s0 =	rddreg [dreg:$0x6];
	[sflag:s25] =	ssyncadd.s32 $0xFFFFC000  }
0x93: {  	[hbm4b:s0+s3] =	stream.linear.scatter [tilespmem:s13], [sflag:$0x5], $0x4000, $0x38;
	[tilespmem:$0x10200] =	vst v63  }
0x94: {  	s17 =	rddreg [dreg:$0x7]  }
0x95: {  	[hbm4b:s17+s3] =	stream.linear.scatter [tilespmem:s14], [sflag:$0x7], $0x4000, $0x38;
	[tilespmem:$0x10200] =	vst v63  }
0x96: {  	_ =	swait.ge [sflag:s26], $0x4000  }
0x97: {  	[sflag:s26] =	ssyncset.done $0x0  }
0x98: {  	[sflag:s26] =	ssyncadd.s32 $0xFFFFC000  }
0x99: {  	_ =	swait.ge [sflag:s28], $0x4000  }
0x9a: {  	[sflag:s28] =	ssyncset.done $0x0  }
0x9b: {  	s0 =	rddreg [dreg:$0x8];
	[sflag:s28] =	ssyncadd.s32 $0xFFFFC000  }
0x9c: {  	[hbm4b:s0+s3] =	stream.linear.scatter [tilespmem:s15], [sflag:$0x6], $0x4000, $0x38;
	[tilespmem:$0x10200] =	vst v63  }
0x9d: {  	s17 =	rddreg [dreg:$0x9]  }
0x9e: {  	[hbm4b:s17+s3] =	stream.linear.scatter [tilespmem:s16], [sflag:$0x8], $0x4000, $0x38;
	[tilespmem:$0x10200] =	vst v63  }
0x9f: {  	_ =	swait.ge [sflag:s29], $0x4000  }
0xa0: {  	[sflag:s29] =	ssyncset.done $0x0  }
0xa1: {  	[sflag:s29] =	ssyncadd.s32 $0xFFFFC000  }
0xa2: {  	_ =	swait.ge [sflag:s30], $0x4000  }
0xa3: {  	[sflag:s30] =	ssyncset.done $0x0  }
0xa4: {  	[sflag:s30] =	ssyncadd.s32 $0xFFFFC000  }
0xa5: {  	p0 =	sne.s32 s11, $0x1;
	_ =	swait.ge [sflag:s31], $0x4000  }
.Ltmp0:
0xa6: {  	[sflag:s31] =	ssyncset.done $0x0;
	(pc) =	sbr.rel @p0 .LBB2_1-.Ltmp0, $4  }
0xa7: {  	[sflag:s31] =	ssyncadd.s32 $0xFFFFC000  }
0xa8: {  	_ =	swait.ge [sflag:s1], $0x4000  }
0xa9: {  	[sflag:s1] =	ssyncset.done $0x0  }
0xaa: {  	s11 =	sadd.s32 $0xFFFFFFFF, s11;
	[sflag:s1] =	ssyncadd.s32 $0xFFFFC000  }
0xab: {  	_ =	sfence.sel $0x180000  }
0xac: {  	[bflag:$0x0] =	sbarrier.arrive $0xFFFF  }
0xad: {  	_ =	strace $0x9000004A  }
0xae: {  	s0 =	stileid.u32;
	[bflag:$0x2] =	sbarrier.arrive $0xFFFF  }
0xaf: {  	p0 =	sne.s32 s0, $0x0;
	s0 =	rddreg [dreg:$0x2]  }
0xb0: {  	s0 =	sadd.s32 @!p0 $0x100000, s0  }
0xb1: {  	[sflag:s0] =	ssyncadd.tile.s32 @!p0 $0x1;
	_ =	shalt  }
.Lfunc_end2:
_tile_overlayer_lowered:
.L_overlay_start_2:
0xb2: {  	(tag) =	ssettag $0x2  }
0xb3: {  	s0 =	rddreg [dreg:$0x0];
	s2 =	stileid.u32  }
0xb4: {  	s1 =	rddreg [dreg:$0x1];
	p0 =	sne.s32 s2, $0x0  }
0xb5: {  	s3 =	rddreg [dreg:$0x2];
	[bflag:$0x3] =	sbarrier.arrive $0xFFFF;
	s2 =	simm.s32 @!p0 $0x1C09  }
0xb6: {  	[timem:s3], [sflag:s2] =	dma.local @!p0 [hbm:s0], s1  }
0xb7: {  	s0 =	simm.s32 @!p0 $0x9  }
0xb8: {  	_ =	swait.ge @!p0 [sflag:s0], s1  }
0xb9: {  	s1 =	ssub.s32 @!p0 $0x0, s1;
	[sflag:s0] =	ssyncset.done @!p0 $0x0  }
0xba: {  	[sflag:s0] =	ssyncadd.s32 @!p0 s1  }
0xbb: {  	[bflag:$0x3] =	sbarrier.arrive $0xFFFF  }
0xbc: {  	_ =	shalt  }

// kernel: kernel.17.cloned.1.call-start
scs
__scs_entry_jumppad:
0x0: {  	(pc) =	sbr.rel $0x88, $3  }
0x1: {  	(tag) =	ssettag $0x0;
	lr =	simm.s32 $0x1  }
0x2: {  	[smem:$0x3F9B] =	sst lr;
	_ =	strace $0xD0000000  }
0x3: {  	_ = 	snop  }
0x4: {  	_ = 	snop  }
0x5: {  	_ = 	snop  }
0x6: {  	_ = 	snop  }
0x7: {  	_ = 	snop  }
__scs_overlays_trampoline_lowered:
0x8: {  	[smem:$0x3FAA] =	sst s0  }
0x9: {  	[smem:$0x3FAB] =	sst s1  }
0xa: {  	[smem:$0x3FAC] =	sst s2  }
0xb: {  	[smem:$0x3FAD] =	sst s3  }
0xc: {  	[smem:$0x3FAE] =	sst s4  }
0xd: {  	[smem:$0x3FAF] =	sst s5  }
0xe: {  	[smem:$0x3FB0] =	sst s6  }
0xf: {  	[smem:$0x3FB1] =	sst s7  }
0x10: {  	[smem:$0x3FB2] =	sst s8  }
0x11: {  	[smem:$0x3FB3] =	sst s9;
	s0 =	simm.s32 @!p0 $0x0  }
0x12: {  	s1 =	sld [smem:$0x3F99];
	s0 =	simm.s32 @p0 $0x1  }
0x13: {  	[smem:$0x3FB4] =	sst s0;
	s0 =	simm.s32 @!p1 $0x0  }
0x14: {  	s2 =	sld [smem:$0x3F98];
	s0 =	simm.s32 @p1 $0x1  }
0x15: {  	[smem:$0x3FB5] =	sst s0;
	s0 =	simm.s32 @!p2 $0x0  }
0x16: {  	s3 =	sld [smem:$0x3FDB];
	s0 =	simm.s32 @p2 $0x1  }
0x17: {  	s4 =	simm.s32 $0x1BF5;
	[smem:$0x3FB7] =	sst s0  }
0x18: {  	s0 =	sld [smem:$0x3F9A];
	_ =	swait.ge [sflag:s4], $0x0  }
0x19: {  	s7 =	sld [smem:$0x3F9B]  }
0x1a: {  	s8 =	sadd.s32 $0xFFFFE003, lr  }
0x1b: {  	s9 =	sadd.s32 $0xFFFFFEF7, lr;
	s5 =	simm.s32 $0xFFFFFFFF;
	p2 =	slt.u32 s8, $0xFFFFF086  }
0x1c: {  	p1 =	slt.u32 s9, $0xF7A;
	s5 =	simm.s32 @!p2 $0x0  }
0x1d: {  	s5 =	simm.s32 @p1 $0x1;
	p0 =	seq.s32 s7, s2  }
0x1e: {  	s7 =	smul.u32 @!p0 $0xF7A, s2;
	p2 =	seq.s32 @!p0 s5, $0x0  }
0x1f: {  	s9 =	smul.u32 $0xF7A, s1;
	s8 =	simm.s32 @!p0 $0x1BF5;
	p2 =	por !p2, p0  }
0x20: {  	[sflag:s8] =	ssyncset.s32 @!p0 $0xFFFFF086;
	s6 =	sadd.s32 @!p0 s3, s7;
	s7 =	simm.s32 @!p0 $0x108  }
0x21: {  	s3 =	sadd.s32 s3, s9;
	s6 =	sadd.s32 @!p0 $0x88, s6;
	s7 =	simm.s32 @p2 $0x1082  }
0x22: {  	[simem:s7], [sflag:s8] =	dma.local @!p0 [hbm:s6], $0xF7A  }
0x23: {  	s9 =	sor.u32 $0xD0000000, s2;
	s6 =	simm.s32 $0x108;
	_ =	swait.ge @!p0 [sflag:s8], $0x0  }
0x24: {  	s3 =	sadd.s32 $0x88, s3;
	s6 =	simm.s32 @!p1 $0x1082;
	[sflag:s4] =	ssyncset.s32 $0xFFFFF086  }
0x25: {  	[simem:s6], [sflag:s4] =	dma.local [hbm:s3], $0xF7A  }
0x26: {  	[smem:$0x3F9B] =	sst s1;
	(tag) =	ssettag s2;
	_ =	strace s9  }
0x27: {  	s1 =	sld [smem:$0x3FAB]  }
0x28: {  	s2 =	sld [smem:$0x3FAC]  }
0x29: {  	s4 =	sld [smem:$0x3FAE]  }
0x2a: {  	p0 =	seq.s32 s5, $0x0;
	s5 =	sld [smem:$0x3FAF]  }
0x2b: {  	s6 =	sld [smem:$0x3FB0]  }
0x2c: {  	s7 =	sld [smem:$0x3FB1]  }
0x2d: {  	s3 =	simm.s32 $0x108;
	s8 =	sld [smem:$0x3FB2]  }
0x2e: {  	s3 =	simm.s32 @!p0 $0x1082;
	s9 =	sld [smem:$0x3FB3]  }
0x2f: {  	lr =	sadd.s32 s0, s3;
	s0 =	sld [smem:$0x3FAA]  }
0x30: {  	s3 =	sld [smem:$0x3FAD]  }
0x31: {  	[smem:$0x3FB6] =	sst s10  }
0x32: {  	s10 =	sld [smem:$0x3FB4];
	_ =	sdelay $0x3  }
0x33: {  	p0 =	seq.s32 s10, $0x1;
	s10 =	sld [smem:$0x3FB6];
	_ =	sdelay $0x3  }
0x34: {  	[smem:$0x3FB6] =	sst s10  }
0x35: {  	s10 =	sld [smem:$0x3FB5];
	_ =	sdelay $0x3  }
0x36: {  	p1 =	seq.s32 s10, $0x1;
	s10 =	sld [smem:$0x3FB6];
	_ =	sdelay $0x3  }
0x37: {  	[smem:$0x3FB6] =	sst s10  }
0x38: {  	s10 =	sld [smem:$0x3FB7]  }
0x39: {  	_ = 	snop;
	(pc) =	sbr.ind lr, $3  }
0x3a: {  	_ = 	snop  }
0x3b: {  	_ = 	snop  }
0x3c: {  	p2 =	seq.s32 s10, $0x1;
	s10 =	sld [smem:$0x3FB6]  }
0x3d: {  	_ =	shalt  }
0x3e: {  	_ =	shalt  }
0x3f: {  	_ =	shalt  }
0x40: {  	_ =	shalt  }
0x41: {  	_ =	shalt  }
0x42: {  	_ =	shalt  }
0x43: {  	_ =	shalt  }
0x44: {  	_ =	shalt  }
0x45: {  	_ =	shalt  }
0x46: {  	_ =	shalt  }
0x47: {  	_ =	shalt  }
0x48: {  	_ =	shalt  }
0x49: {  	_ =	shalt  }
0x4a: {  	_ =	shalt  }
0x4b: {  	_ =	shalt  }
0x4c: {  	_ =	shalt  }
0x4d: {  	_ =	shalt  }
0x4e: {  	_ =	shalt  }
0x4f: {  	_ =	shalt  }
0x50: {  	_ =	shalt  }
0x51: {  	_ =	shalt  }
0x52: {  	_ =	shalt  }
0x53: {  	_ =	shalt  }
0x54: {  	_ =	shalt  }
0x55: {  	_ =	shalt  }
0x56: {  	_ =	shalt  }
0x57: {  	_ =	shalt  }
0x58: {  	_ =	shalt  }
0x59: {  	_ =	shalt  }
0x5a: {  	_ =	shalt  }
0x5b: {  	_ =	shalt  }
0x5c: {  	_ =	shalt  }
0x5d: {  	_ =	shalt  }
0x5e: {  	_ =	shalt  }
0x5f: {  	_ =	shalt  }
0x60: {  	_ =	shalt  }
0x61: {  	_ =	shalt  }
0x62: {  	_ =	shalt  }
0x63: {  	_ =	shalt  }
0x64: {  	_ =	shalt  }
0x65: {  	_ =	shalt  }
0x66: {  	_ =	shalt  }
0x67: {  	_ =	shalt  }
0x68: {  	_ =	shalt  }
0x69: {  	_ =	shalt  }
0x6a: {  	_ =	shalt  }
0x6b: {  	_ =	shalt  }
0x6c: {  	_ =	shalt  }
0x6d: {  	_ =	shalt  }
0x6e: {  	_ =	shalt  }
0x6f: {  	_ =	shalt  }
0x70: {  	_ =	shalt  }
0x71: {  	_ =	shalt  }
0x72: {  	_ =	shalt  }
0x73: {  	_ =	shalt  }
0x74: {  	_ =	shalt  }
0x75: {  	_ =	shalt  }
0x76: {  	_ =	shalt  }
0x77: {  	_ =	shalt  }
0x78: {  	_ =	shalt  }
0x79: {  	_ =	shalt  }
0x7a: {  	_ =	shalt  }
0x7b: {  	_ =	shalt  }
0x7c: {  	_ =	shalt  }
0x7d: {  	_ =	shalt  }
0x7e: {  	_ =	shalt  }
0x7f: {  	_ =	shalt  }
0x80: {  	_ =	shalt  }
0x81: {  	_ =	shalt  }
0x82: {  	_ =	shalt  }
0x83: {  	_ =	shalt  }
0x84: {  	_ =	shalt  }
0x85: {  	_ =	shalt  }
0x86: {  	_ =	shalt  }
0x87: {  	_ =	shalt  }
.Lfunc_end0:
.L_simem_size_0:
called_computation.2_lowered:
.L_overlay_start_0:
0x88: {  	s2 =	sld [smem:$0x3FD9]  }
0x89: {  	s3 =	sld [smem:$0x3FFE];
	_ =	sdelay $0x1  }
0x8a: {  	s1 =	srdreg.scid  }
0x8b: {  	s0 =	sand.u32 $0x1, s1  }
0x8c: {  	s17 =	sshll.u32 s0, $0xA;
	s2 =	sadd.s32 s3, s2  }
0x8d: {  	s2 =	sadd.s32 s2, s17  }
0x8e: {  	[smem:$0x3FC2] =	sst s2  }
0x8f: {  	_ = 	snop  }
0x90: {  	s18 =	sld [smem:$0x3FC7];
	(tm) =	ssettm $0x1  }
0x91: {  	s19 =	sld [smem:$0x3FFB];
	_ =	sdelay $0x3  }
0x92: {  	_ =	strace s19  }
0x93: {  	s2 =	sld [smem:$0x3FFC];
	_ =	sdelay $0x3  }
0x94: {  	_ =	strace s2  }
0x95: {  	s2 =	sld [smem:$0x3FFD];
	_ =	sdelay $0x3  }
0x96: {  	_ =	strace s2  }
0x97: {  	_ =	strace $0x8FFFFFFF  }
0x98: {  	s20 =	sld [smem:$0x3FDB];
	_ =	sdelay $0x1  }
0x99: {  	s4 =	simm.s32 $_scs_section_size  }
0x9a: {  	s5 =	simm.s32 $_size__tile_overlayer_lowered;
	s6 =	simm.s32 $_tile_overlayer_lowered  }
0x9b: {  	s7 =	simm.s32 $0x1BFF;
	s21 =	sshll.u32 s6, $0x1;
	s4 =	sadd.s32 s4, s20  }
0x9c: {  	s22 =	simm.s32 $0x0;
	s5 =	sshll.u32 s5, $0x1;
	s6 =	sadd.s32 s21, s4  }
0x9d: {  	[timem:s22], [sflag:s7] =	dma.local [hbm:s6], s5  }
0x9e: {  	_ =	swait.ge [sflag:s7], s5  }
0x9f: {  	s5 =	ssub.s32 $0x0, s5;
	[sflag:s7] =	ssyncset.done $0x0  }
0xa0: {  	[sflag:s7] =	ssyncadd.s32 s5;
	_ =	sdelay $0x1  }
0xa1: {  	s23 =	simm.s32 $0x1B8B  }
0xa2: {  	_ =	swait.ge [sflag:s23], $0x1  }
0xa3: {  	[sflag:s23] =	ssyncset.done $0x0  }
0xa4: {  	[sflag:s23] =	ssyncadd.s32 $0xFFFFFFFF  }
0xa5: {  	s5 =	sld [smem:$0x0]  }
0xa6: {  	s6 =	sand.u32 $0xFFFFFFFE, s1  }
0xa7: {  	p0 =	sne.s32 s1, s6  }
0xa8: {  	s6 =	sshll.u32 @p0 s6, $0xE  }
0xa9: {  	s6 =	sadd.s32 @p0 $0x11B8D, s6;
	s7 =	sshll.u32 @p0 s5, $0x11  }
0xaa: {  	s6 =	sor.u32 @p0 s7, s6  }
0xab: {  	[sflag:s6] =	ssyncadd.remote.s32 @p0 $0x1;
	_ =	sdelay $0x1  }
0xac: {  	s6 =	simm.s32 @p0 $0x1B8D  }
0xad: {  	_ =	swait.eq @p0 [sflag:s6], $0x1  }
0xae: {  	[sflag:s6] =	ssyncadd.s32 @p0 $0xFFFFFFFF  }
0xaf: {  	s7 =	sshll.u32 @!p0 s1, $0xE  }
0xb0: {  	s7 =	sor.u32 @!p0 $0x4000, s7;
	s6 =	simm.s32 @!p0 $0x1B8D  }
0xb1: {  	s5 =	sshll.u32 @!p0 s5, $0x11;
	s7 =	sadd.s32 @!p0 $0x11B8D, s7;
	_ =	swait.eq @!p0 [sflag:s6], $0x1  }
0xb2: {  	s5 =	sor.u32 @!p0 s5, s7;
	[sflag:s6] =	ssyncadd.s32 @!p0 $0xFFFFFFFF  }
0xb3: {  	s25 =	simm.s32 $0x1B8E;
	s24 =	sld [smem:$0x3FFE];
	[sflag:s5] =	ssyncadd.remote.s32 @!p0 $0x1  }
0xb4: {  	s26 =	simm.s32 $execute0_lowered;
	[smem:$0x3FD2] =	sst s25  }
0xb5: {  	s6 =	sshll.u32 s26, $0x1;
	_ =	strace $0x8000004C;
	[dreg:$0x1] =	wrdreg $0xFFFFFFFF  }
0xb6: {  	s28 =	simm.s32 $_size_execute0_lowered;
	s4 =	sadd.s32 s4, s6;
	[dreg:$0x0] =	wrdreg $0x0  }
0xb7: {  	s6 =	sshll.u32 s28, $0x1;
	[dreg:$0x2] =	wrdreg s4  }
0xb8: {  	[dreg:$0x3] =	wrdreg s6  }
0xb9: {  	[dreg:$0x4] =	wrdreg $0xC0  }
0xba: {  	_ =	task [dreg:s22], $0x5FFFF  }
0xbb: {  	[dreg:$0x1] =	wrdreg $0xFFFFFFFF  }
0xbc: {  	[dreg:$0x0] =	wrdreg $0x60  }
0xbd: {  	[dreg:$0x2] =	wrdreg s24  }
0xbe: {  	[dreg:$0x3] =	wrdreg s18  }
0xbf: {  	[dreg:$0x4] =	wrdreg $0xB  }
0xc0: {  	_ =	task.clear_ibuf [dreg:s22], $0x5FFFF;
	_ =	strace $0x9000004C  }
0xc1: {  	s29 =	simm.s32 $0xB;
	_ =	strace $0x8000004E  }
0xc2: {  	_ =	swait.ge [sflag:s29], $0x1  }
0xc3: {  	[sflag:s29] =	ssyncadd.s32 $0xFFFFFFFF  }
0xc4: {  	_ =	strace $0x9000004E  }
0xc5: {  	_ =	sfence  }
0xc6: {  	s30 =	sld [smem:$0x0];
	_ =	sdelay $0x2  }
0xc7: {  	s31 =	sshll.u32 s1, $0xD;
	s1 =	sshrl.u32 s1, $0x2  }
0xc8: {  	s4 =	sand.u32 $0x4000, s31;
	s1 =	sadd.s32 s1, s30  }
0xc9: {  	s0 =	sor.u32 s4, s0;
	s1 =	sshll.u32 s1, $0x11  }
0xca: {  	s0 =	sor.u32 s1, s0  }
0xcb: {  	s0 =	sadd.s32 $0x8F2B, s0  }
0xcc: {  	[sflag:s0] =	ssyncadd.remote.s32 $0x1  }
0xcd: {  	_ =	sfence.sel $0xFFFF  }
0xce: {  	[dreg:$0x0] =	wrdreg $0xFFFFFFFF;
	(pc) =	sbr.abs _section_cstart, $3  }
0xcf: {  	[dreg:$0x1] =	wrdreg $0xFFFFFFFF  }
0xd0: {  	_ =	task.clear_ibuf [dreg:s22], $0x2FFFF;
	_ =	strace $0x9FFFFFFF  }
0xd1: {  	(tm) =	ssettm $0x7FFFFFFF  }
tec
execute0_lowered:
.L_overlay_start_1:
0x0: {  	(tag) =	ssettag $0x1  }
0x1: {  	s1 =	srdreg.scid;
	s19 =	rddreg [dreg:$0x0]  }
0x2: {  	s0 =	stileid.u32;
	s2 =	rddreg [dreg:$0x1];
	s25 =	simm.s32 $0x80  }
0x3: {  	s26 =	simm.s32 $0x100;
	s9 =	simm.s32 $0x2A00;
	s5 =	sand.u32 $0x1, s1  }
0x4: {  	s10 =	simm.s32 $0x3200;
	s3 =	sshll.u32 s0, $0x6;
	s4 =	sshll.u32 s5, $0x5  }
0x5: {  	s11 =	simm.s32 $0x3A00;
	s4 =	sor.u32 s4, s3;
	s3 =	simm.s32 $0x0  }
0x6: {  	s12 =	simm.s32 $0x8A00;
	s13 =	simm.s32 $0x9200;
	[smem:$0x7FF] =	sst s3  }
0x7: {  	s15 =	simm.s32 $0x9A00;
	_ =	strace $0x8000004D;
	[dreg:$0xa] =	wrdreg s25  }
0x8: {  	s16 =	simm.s32 $0xA200;
	s0 =	simm.s32 $0xA00;
	[dreg:$0xb] =	wrdreg s26  }
0x9: {  	s17 =	simm.s32 $0xAA00;
	s18 =	simm.s32 $0xB200;
	[dreg:$0xc] =	wrdreg s0  }
0xa: {  	s28 =	simm.s32 $0x4;
	s29 =	simm.s32 $0x5;
	[dreg:$0x10] =	wrdreg s9  }
0xb: {  	s30 =	simm.s32 $0x7;
	s31 =	simm.s32 $0x6;
	[dreg:$0x11] =	wrdreg s10  }
0xc: {  	s8 =	sadd.s32 $0x285C00, s19;
	s21 =	sadd.s32 $0x2A5C00, s19;
	[dreg:$0x12] =	wrdreg s11  }
0xd: {  	s1 =	simm.s32 $0x8;
	s5 =	ssub.s32 $0x2, s5;
	[dreg:$0x13] =	wrdreg s12  }
0xe: {  	s14 =	sshrl.u32 s5, $0x1;
	s6 =	sshrl.u32 s4, $0x3;
	[dreg:$0x14] =	wrdreg s13  }
0xf: {  	s4 =	sshll.u32 s4, $0x7;
	s6 =	sadd.s32 s6, s19;
	[dreg:$0x15] =	wrdreg s15  }
0x10: {  	s22 =	sadd.s32 s8, s4;
	s23 =	sadd.s32 s21, s4;
	[dreg:$0x16] =	wrdreg s16  }
0x11: {  	s4 =	sor.u32 $0x800, s4;
	s11 =	ssub.s32 s5, s14;
	[dreg:$0x17] =	wrdreg s17  }
0x12: {  	s5 =	sadd.s32 $0x4D00, s19;
	[dreg:$0x18] =	wrdreg s18;
	s9 =	sadd.s32 $0x200, s2  }
0x13: {  	s10 =	sadd.s32 $0x300, s2;
	s12 =	simm.s32 $0x9;
	[dreg:$0x6] =	wrdreg s22  }
0x14: {  	s13 =	simm.s32 $0x200;
	s25 =	simm.s32 $0x7200;
	[dreg:$0x7] =	wrdreg s23  }
0x15: {  	s14 =	simm.s32 $0x8200;
	s26 =	simm.s32 $0x7A00;
	[dreg:$0x1f] =	wrdreg s25  }
0x16: {  	s15 =	simm.s32 $0x4200;
	s7 =	sadd.s32 $0x4800, s6;
	[smem:$0x7FD] =	sst s26  }
0x17: {  	s16 =	simm.s32 $0xC200;
	s20 =	sadd.s32 $0x205400, s6;
	[dreg:$0x3] =	wrdreg s7  }
0x18: {  	s18 =	simm.s32 $0xD200;
	s6 =	sadd.s32 $0x205600, s6;
	[dreg:$0x4] =	wrdreg s20  }
0x19: {  	s24 =	sadd.s32 s8, s4;
	s4 =	sadd.s32 s21, s4;
	[dreg:$0x5] =	wrdreg s6  }
0x1a: {  	s8 =	simm.s32 $0x2200;
	s21 =	simm.s32 $0x5200;
	[dreg:$0x8] =	wrdreg s24  }
0x1b: {  	s22 =	simm.s32 $0x5A00;
	s11 =	smax.u32 s11, $0x1;
	[dreg:$0x9] =	wrdreg s4  }
0x1c: {  	s23 =	simm.s32 $0x6200;
	s25 =	simm.s32 $0x3;
	[dreg:$0xf] =	wrdreg s8  }
0x1d: {  	s26 =	simm.s32 $0x2;
	s6 =	simm.s32 $0x1200;
	[dreg:$0x1b] =	wrdreg s21  }
0x1e: {  	s7 =	simm.s32 $0x1A00;
	s4 =	sadd.s32 $0x4C00, s19;
	[dreg:$0x1c] =	wrdreg s22  }
0x1f: {  	s8 =	sadd.s32 $0x100, s2;
	s20 =	simm.s32 $0x4A00;
	[dreg:$0x1d] =	wrdreg s23  }
0x20: {  	s24 =	simm.s32 $0x6A00;
	s21 =	simm.s32 $0xEA00;
	[dreg:$0xd] =	wrdreg s6  }
0x21: {  	s22 =	simm.s32 $0xF200;
	s23 =	simm.s32 $0xFA00;
	[dreg:$0xe] =	wrdreg s7  }
0x22: {  	v2 =	vlaneseq.u32;
	s6 =	sadd.s32 $0x4E00, s19;
	s7 =	sadd.s32 $0x4F00, s19;
	[dreg:$0x1a] =	wrdreg s20  }
0x23: {  	vm0 =	vmmov $0xffff;
	v1 =	vshrl.u32 v2, $0x3;
	s19 =	simm.s32 $0xBA00;
	[dreg:$0x1e] =	wrdreg s24;
	s20 =	simm.s32 $0xE200  }
0x24: {  	v0 =	vand.u32 $0x7, v2;
	v2 =	vor.u32 $0x8, v2;
	v1 =	vmul.u32 $0x8, v1;
	s24 =	simm.s32 $0x1;
	[dreg:$0x19] =	wrdreg s19;
	s19 =	simm.s32 $0xDA00  }
.LBB2_1:
0x25: {  	s0 =	rddreg [dreg:$0x3]  }
0x26: {  	[tilespmem:s3], [sflag:$0x9] =	stream.linear.gather [hbm4b:s0+s3], $0x20, $0x38;
	[tilespmem:$0x10200] =	vst v63  }
0x27: {  	_ =	swait.ge [sflag:s12], $0x20  }
0x28: {  	s0 =	rddreg [dreg:$0x4];
	[sflag:s12] =	ssyncset.done $0x0  }
0x29: {  	s17 =	rddreg [dreg:$0xa];
	[sflag:s12] =	ssyncadd.s32 $0xFFFFFFE0  }
0x2a: {  	[tilespmem:s17], [sflag:$0x9] =	stream.linear.gather [hbm4b:s0+s3], $0x20, $0x38;
	[tilespmem:$0x10200] =	vst v63  }
0x2b: {  	_ =	swait.ge [sflag:s12], $0x20  }
0x2c: {  	s0 =	rddreg [dreg:$0x5];
	[sflag:s12] =	ssyncset.done $0x0  }
0x2d: {  	s17 =	rddreg [dreg:$0xb];
	[sflag:s12] =	ssyncadd.s32 $0xFFFFFFE0  }
0x2e: {  	[tilespmem:s17], [sflag:$0x9] =	stream.linear.gather [hbm4b:s0+s3], $0x20, $0x38;
	[tilespmem:$0x10200] =	vst v63  }
0x2f: {  	_ =	swait.ge [sflag:s12], $0x20  }
0x30: {  	[sflag:s12] =	ssyncset.done $0x0  }
0x31: {  	[sflag:s12] =	ssyncadd.s32 $0xFFFFFFE0  }
0x32: {  	v3 =	vld [tilespmem:$0x0]  }
0x33: {  	v4 =	vld [tilespmem:$0x80];
	_ =	sdelay $0x3  }
0x34: {  	v3 =	vshll.u32 v3, $0xB  }
0x35: {  	v3 =	vadd.s32 v4, v3  }
0x36: {  	v5 =	vshll.u32 v3, $0x3  }
0x37: {  	v4 =	vand.u32 $0x7, v4;
	v5 =	vand.u32 $0xFFFFFFC0, v5  }
0x38: {  	v6 =	vld [tilespmem:$0x10];
	v4 =	vor.u32 v4, v5  }
0x39: {  	v60 =	vld [tilespmem:$0x90];
	v7 =	vperm.xlane v4, v0;
	_ =	sdelay $0x1  }
0x3a: {  	v7 =	vadd.s32 v1, v7;
	_ =	sdelay $0x1  }
0x3b: {  	v6 =	vshll.u32 v6, $0xB  }
0x3c: {  	[tilespmem:$0x180] =	vst v3;
	v3 =	vadd.s32 v60, v6  }
0x3d: {  	[tilespmem:$0x190] =	vst v3  }
0x3e: {  	[tilespmem:s13], [sflag:$0x1] =	stream.indirect_vreg.gather [hbm4b:s4+s3], $0x80, v7, vm0, $0xb8;
	[tilespmem:$0x10200] =	vst v63  }
0x3f: {  	s0 =	rddreg [dreg:$0xc];
	v3 =	vperm.xlane v4, v2  }
0x40: {  	[tilespmem:s0], [sflag:$0x1] =	stream.indirect_vreg.gather [hbm4b:s5+s3], $0x80, v7, vm0, $0xb8;
	[tilespmem:$0x10200] =	vst v63  }
0x41: {  	s17 =	rddreg [dreg:$0xd];
	v3 =	vadd.s32 v1, v3  }
0x42: {  	[tilespmem:s17], [sflag:$0x1] =	stream.indirect_vreg.gather [hbm4b:s6+s3], $0x80, v7, vm0, $0xb8;
	[tilespmem:$0x10200] =	vst v63  }
0x43: {  	s0 =	rddreg [dreg:$0xe]  }
0x44: {  	[tilespmem:s0], [sflag:$0x1] =	stream.indirect_vreg.gather [hbm4b:s7+s3], $0x80, v7, vm0, $0xb8;
	[tilespmem:$0x10200] =	vst v63  }
0x45: {  	s17 =	rddreg [dreg:$0xf]  }
0x46: {  	[tilespmem:s17], [sflag:$0x1] =	stream.indirect_vreg.gather [hbm4b:s4+s3], $0x80, v3, vm0, $0xb8;
	[tilespmem:$0x10200] =	vst v63  }
0x47: {  	s0 =	rddreg [dreg:$0x10]  }
0x48: {  	[tilespmem:s0], [sflag:$0x1] =	stream.indirect_vreg.gather [hbm4b:s5+s3], $0x80, v3, vm0, $0xb8;
	[tilespmem:$0x10200] =	vst v63  }
0x49: {  	s17 =	rddreg [dreg:$0x11]  }
0x4a: {  	[tilespmem:s17], [sflag:$0x1] =	stream.indirect_vreg.gather [hbm4b:s6+s3], $0x80, v3, vm0, $0xb8;
	[tilespmem:$0x10200] =	vst v63  }
0x4b: {  	s0 =	rddreg [dreg:$0x12]  }
0x4c: {  	[tilespmem:s0], [sflag:$0x1] =	stream.indirect_vreg.gather [hbm4b:s7+s3], $0x80, v3, vm0, $0xb8;
	[tilespmem:$0x10200] =	vst v63  }
0x4d: {  	v3 =	vld [tilespmem:$0x100];
	_ =	sdelay $0x4  }
0x4e: {  	v61 =	vshll.u32 v3, $0x3  }
0x4f: {  	v3 =	vand.u32 $0x7, v3;
	v4 =	vand.u32 $0xFFFFFFC0, v61  }
0x50: {  	v3 =	vor.u32 v3, v4  }
0x51: {  	v4 =	vperm.xlane v3, v0;
	_ =	sdelay $0x1  }
0x52: {  	v4 =	vadd.s32 v1, v4;
	_ =	sdelay $0x4  }
0x53: {  	[tilespmem:s14], [sflag:$0x3] =	stream.indirect_vreg.gather [hbm4b:s2+s3], $0x80, v4, vm0, $0xb8;
	[tilespmem:$0x10200] =	vst v63  }
0x54: {  	s0 =	rddreg [dreg:$0x13];
	v3 =	vperm.xlane v3, v2  }
0x55: {  	[tilespmem:s0], [sflag:$0x3] =	stream.indirect_vreg.gather [hbm4b:s8+s3], $0x80, v4, vm0, $0xb8;
	[tilespmem:$0x10200] =	vst v63  }
0x56: {  	s17 =	rddreg [dreg:$0x14];
	v3 =	vadd.s32 v1, v3  }
0x57: {  	[tilespmem:s17], [sflag:$0x3] =	stream.indirect_vreg.gather [hbm4b:s9+s3], $0x80, v4, vm0, $0xb8;
	[tilespmem:$0x10200] =	vst v63  }
0x58: {  	s0 =	rddreg [dreg:$0x15]  }
0x59: {  	[tilespmem:s0], [sflag:$0x3] =	stream.indirect_vreg.gather [hbm4b:s10+s3], $0x80, v4, vm0, $0xb8;
	[tilespmem:$0x10200] =	vst v63  }
0x5a: {  	s17 =	rddreg [dreg:$0x16]  }
0x5b: {  	[tilespmem:s17], [sflag:$0x3] =	stream.indirect_vreg.gather [hbm4b:s2+s3], $0x80, v3, vm0, $0xb8;
	[tilespmem:$0x10200] =	vst v63  }
0x5c: {  	s0 =	rddreg [dreg:$0x17]  }
0x5d: {  	[tilespmem:s0], [sflag:$0x3] =	stream.indirect_vreg.gather [hbm4b:s8+s3], $0x80, v3, vm0, $0xb8;
	[tilespmem:$0x10200] =	vst v63  }
0x5e: {  	s17 =	rddreg [dreg:$0x18]  }
0x5f: {  	[tilespmem:s17], [sflag:$0x3] =	stream.indirect_vreg.gather [hbm4b:s9+s3], $0x80, v3, vm0, $0xb8;
	[tilespmem:$0x10200] =	vst v63  }
0x60: {  	s0 =	rddreg [dreg:$0x19]  }
0x61: {  	[tilespmem:s0], [sflag:$0x3] =	stream.indirect_vreg.gather [hbm4b:s10+s3], $0x80, v3, vm0, $0xb8;
	[tilespmem:$0x10200] =	vst v63  }
0x62: {  	v3 =	vld [tilespmem:$0x190];
	_ =	sdelay $0x4  }
0x63: {  	v62 =	vshll.u32 v3, $0x3  }
0x64: {  	v3 =	vand.u32 $0x7, v3;
	v4 =	vand.u32 $0xFFFFFFC0, v62  }
0x65: {  	v3 =	vor.u32 v3, v4  }
0x66: {  	v4 =	vperm.xlane v3, v0;
	_ =	sdelay $0x1  }
0x67: {  	v4 =	vadd.s32 v1, v4;
	_ =	sdelay $0x3  }
0x68: {  	s17 =	rddreg [dreg:$0x1b]  }
0x69: {  	[tilespmem:s15], [sflag:$0x2] =	stream.indirect_vreg.gather [hbm4b:s4+s3], $0x80, v4, vm0, $0xb8;
	[tilespmem:$0x10200] =	vst v63  }
0x6a: {  	s0 =	rddreg [dreg:$0x1a];
	v3 =	vperm.xlane v3, v2  }
0x6b: {  	[tilespmem:s0], [sflag:$0x2] =	stream.indirect_vreg.gather [hbm4b:s5+s3], $0x80, v4, vm0, $0xb8;
	[tilespmem:$0x10200] =	vst v63  }
0x6c: {  	v3 =	vadd.s32 v1, v3;
	s0 =	rddreg [dreg:$0x1c]  }
0x6d: {  	[tilespmem:s17], [sflag:$0x2] =	stream.indirect_vreg.gather [hbm4b:s6+s3], $0x80, v4, vm0, $0xb8;
	[tilespmem:$0x10200] =	vst v63  }
0x6e: {  	s17 =	rddreg [dreg:$0x1d]  }
0x6f: {  	[tilespmem:s0], [sflag:$0x2] =	stream.indirect_vreg.gather [hbm4b:s7+s3], $0x80, v4, vm0, $0xb8;
	[tilespmem:$0x10200] =	vst v63  }
0x70: {  	s0 =	rddreg [dreg:$0x1e]  }
0x71: {  	[tilespmem:s17], [sflag:$0x2] =	stream.indirect_vreg.gather [hbm4b:s4+s3], $0x80, v3, vm0, $0xb8;
	[tilespmem:$0x10200] =	vst v63  }
0x72: {  	s17 =	rddreg [dreg:$0x1f]  }
0x73: {  	[tilespmem:s0], [sflag:$0x2] =	stream.indirect_vreg.gather [hbm4b:s5+s3], $0x80, v3, vm0, $0xb8;
	[tilespmem:$0x10200] =	vst v63  }
0x74: {  	s0 =	sld [smem:$0x7FD]  }
0x75: {  	[tilespmem:s17], [sflag:$0x2] =	stream.indirect_vreg.gather [hbm4b:s6+s3], $0x80, v3, vm0, $0xb8;
	[tilespmem:$0x10200] =	vst v63  }
0x76: {  	_ = 	snop  }
0x77: {  	[tilespmem:s0], [sflag:$0x2] =	stream.indirect_vreg.gather [hbm4b:s7+s3], $0x80, v3, vm0, $0xb8;
	[tilespmem:$0x10200] =	vst v63  }
0x78: {  	v3 =	vld [tilespmem:$0x110];
	_ =	sdelay $0x4  }
0x79: {  	v63 =	vshll.u32 v3, $0x3  }
0x7a: {  	v3 =	vand.u32 $0x7, v3;
	v4 =	vand.u32 $0xFFFFFFC0, v63  }
0x7b: {  	v3 =	vor.u32 v3, v4  }
0x7c: {  	v4 =	vperm.xlane v3, v0;
	_ =	sdelay $0x1  }
0x7d: {  	v4 =	vadd.s32 v1, v4;
	_ =	sdelay $0x4  }
0x7e: {  	[tilespmem:s16], [sflag:$0x4] =	stream.indirect_vreg.gather [hbm4b:s2+s3], $0x80, v4, vm0, $0xb8;
	[tilespmem:$0x10200] =	vst v63  }
0x7f: {  	s17 =	simm.s32 $0xCA00;
	v3 =	vperm.xlane v3, v2  }
0x80: {  	[tilespmem:s17], [sflag:$0x4] =	stream.indirect_vreg.gather [hbm4b:s8+s3], $0x80, v4, vm0, $0xb8;
	[tilespmem:$0x10200] =	vst v63  }
0x81: {  	v3 =	vadd.s32 v1, v3  }
0x82: {  	[tilespmem:s18], [sflag:$0x4] =	stream.indirect_vreg.gather [hbm4b:s9+s3], $0x80, v4, vm0, $0xb8;
	[tilespmem:$0x10200] =	vst v63  }
0x83: {  	_ = 	snop  }
0x84: {  	[tilespmem:s19], [sflag:$0x4] =	stream.indirect_vreg.gather [hbm4b:s10+s3], $0x80, v4, vm0, $0xb8;
	[tilespmem:$0x10200] =	vst v63  }
0x85: {  	_ = 	snop  }
0x86: {  	[tilespmem:s20], [sflag:$0x4] =	stream.indirect_vreg.gather [hbm4b:s2+s3], $0x80, v3, vm0, $0xb8;
	[tilespmem:$0x10200] =	vst v63  }
0x87: {  	_ = 	snop  }
0x88: {  	[tilespmem:s21], [sflag:$0x4] =	stream.indirect_vreg.gather [hbm4b:s8+s3], $0x80, v3, vm0, $0xb8;
	[tilespmem:$0x10200] =	vst v63  }
0x89: {  	_ = 	snop  }
0x8a: {  	[tilespmem:s22], [sflag:$0x4] =	stream.indirect_vreg.gather [hbm4b:s9+s3], $0x80, v3, vm0, $0xb8;
	[tilespmem:$0x10200] =	vst v63  }
0x8b: {  	_ = 	snop  }
0x8c: {  	[tilespmem:s23], [sflag:$0x4] =	stream.indirect_vreg.gather [hbm4b:s10+s3], $0x80, v3, vm0, $0xb8;
	[tilespmem:$0x10200] =	vst v63  }
0x8d: {  	_ =	swait.ge [sflag:s24], $0x4000  }
0x8e: {  	[sflag:s24] =	ssyncset.done $0x0  }
0x8f: {  	[sflag:s24] =	ssyncadd.s32 $0xFFFFC000  }
0x90: {  	_ =	swait.ge [sflag:s25], $0x4000  }
0x91: {  	[sflag:s25] =	ssyncset.done $0x0  }
0x92: {  	s0 =	rddreg [dreg:$0x6];
	[sflag:s25] =	ssyncadd.s32 $0xFFFFC000  }
0x93: {  	[hbm4b:s0+s3] =	stream.linear.scatter [tilespmem:s13], [sflag:$0x5], $0x4000, $0x38;
	[tilespmem:$0x10200] =	vst v63  }
0x94: {  	s17 =	rddreg [dreg:$0x7]  }
0x95: {  	[hbm4b:s17+s3] =	stream.linear.scatter [tilespmem:s14], [sflag:$0x7], $0x4000, $0x38;
	[tilespmem:$0x10200] =	vst v63  }
0x96: {  	_ =	swait.ge [sflag:s26], $0x4000  }
0x97: {  	[sflag:s26] =	ssyncset.done $0x0  }
0x98: {  	[sflag:s26] =	ssyncadd.s32 $0xFFFFC000  }
0x99: {  	_ =	swait.ge [sflag:s28], $0x4000  }
0x9a: {  	[sflag:s28] =	ssyncset.done $0x0  }
0x9b: {  	s0 =	rddreg [dreg:$0x8];
	[sflag:s28] =	ssyncadd.s32 $0xFFFFC000  }
0x9c: {  	[hbm4b:s0+s3] =	stream.linear.scatter [tilespmem:s15], [sflag:$0x6], $0x4000, $0x38;
	[tilespmem:$0x10200] =	vst v63  }
0x9d: {  	s17 =	rddreg [dreg:$0x9]  }
0x9e: {  	[hbm4b:s17+s3] =	stream.linear.scatter [tilespmem:s16], [sflag:$0x8], $0x4000, $0x38;
	[tilespmem:$0x10200] =	vst v63  }
0x9f: {  	_ =	swait.ge [sflag:s29], $0x4000  }
0xa0: {  	[sflag:s29] =	ssyncset.done $0x0  }
0xa1: {  	[sflag:s29] =	ssyncadd.s32 $0xFFFFC000  }
0xa2: {  	_ =	swait.ge [sflag:s30], $0x4000  }
0xa3: {  	[sflag:s30] =	ssyncset.done $0x0  }
0xa4: {  	[sflag:s30] =	ssyncadd.s32 $0xFFFFC000  }
0xa5: {  	p0 =	sne.s32 s11, $0x1;
	_ =	swait.ge [sflag:s31], $0x4000  }
.Ltmp0:
0xa6: {  	[sflag:s31] =	ssyncset.done $0x0;
	(pc) =	sbr.rel @p0 .LBB2_1-.Ltmp0, $4  }
0xa7: {  	[sflag:s31] =	ssyncadd.s32 $0xFFFFC000  }
0xa8: {  	_ =	swait.ge [sflag:s1], $0x4000  }
0xa9: {  	[sflag:s1] =	ssyncset.done $0x0  }
0xaa: {  	s11 =	sadd.s32 $0xFFFFFFFF, s11;
	[sflag:s1] =	ssyncadd.s32 $0xFFFFC000  }
0xab: {  	_ =	sfence.sel $0x180000  }
0xac: {  	[bflag:$0x0] =	sbarrier.arrive $0xFFFF  }
0xad: {  	_ =	strace $0x9000004D  }
0xae: {  	s0 =	stileid.u32;
	[bflag:$0x2] =	sbarrier.arrive $0xFFFF  }
0xaf: {  	p0 =	sne.s32 s0, $0x0;
	s0 =	rddreg [dreg:$0x2]  }
0xb0: {  	s0 =	sadd.s32 @!p0 $0x100000, s0  }
0xb1: {  	[sflag:s0] =	ssyncadd.tile.s32 @!p0 $0x1;
	_ =	shalt  }
.Lfunc_end2:
_tile_overlayer_lowered:
.L_overlay_start_2:
0xb2: {  	(tag) =	ssettag $0x2  }
0xb3: {  	s0 =	rddreg [dreg:$0x0];
	s2 =	stileid.u32  }
0xb4: {  	s1 =	rddreg [dreg:$0x1];
	p0 =	sne.s32 s2, $0x0  }
0xb5: {  	s3 =	rddreg [dreg:$0x2];
	[bflag:$0x3] =	sbarrier.arrive $0xFFFF;
	s2 =	simm.s32 @!p0 $0x1C09  }
0xb6: {  	[timem:s3], [sflag:s2] =	dma.local @!p0 [hbm:s0], s1  }
0xb7: {  	s0 =	simm.s32 @!p0 $0x9  }
0xb8: {  	_ =	swait.ge @!p0 [sflag:s0], s1  }
0xb9: {  	s1 =	ssub.s32 @!p0 $0x0, s1;
	[sflag:s0] =	ssyncset.done @!p0 $0x0  }
0xba: {  	[sflag:s0] =	ssyncadd.s32 @!p0 s1  }
0xbb: {  	[bflag:$0x3] =	sbarrier.arrive $0xFFFF  }
0xbc: {  	_ =	shalt  }

// kernel: kernel.20.cloned.1.call-start
scs
__scs_entry_jumppad:
0x0: {  	(pc) =	sbr.rel $0x88, $3  }
0x1: {  	(tag) =	ssettag $0x0;
	lr =	simm.s32 $0x1  }
0x2: {  	[smem:$0x3F9B] =	sst lr;
	_ =	strace $0xD0000000  }
0x3: {  	_ = 	snop  }
0x4: {  	_ = 	snop  }
0x5: {  	_ = 	snop  }
0x6: {  	_ = 	snop  }
0x7: {  	_ = 	snop  }
__scs_overlays_trampoline_lowered:
0x8: {  	[smem:$0x3FAA] =	sst s0  }
0x9: {  	[smem:$0x3FAB] =	sst s1  }
0xa: {  	[smem:$0x3FAC] =	sst s2  }
0xb: {  	[smem:$0x3FAD] =	sst s3  }
0xc: {  	[smem:$0x3FAE] =	sst s4  }
0xd: {  	[smem:$0x3FAF] =	sst s5  }
0xe: {  	[smem:$0x3FB0] =	sst s6  }
0xf: {  	[smem:$0x3FB1] =	sst s7  }
0x10: {  	[smem:$0x3FB2] =	sst s8  }
0x11: {  	[smem:$0x3FB3] =	sst s9;
	s0 =	simm.s32 @!p0 $0x0  }
0x12: {  	s1 =	sld [smem:$0x3F99];
	s0 =	simm.s32 @p0 $0x1  }
0x13: {  	[smem:$0x3FB4] =	sst s0;
	s0 =	simm.s32 @!p1 $0x0  }
0x14: {  	s2 =	sld [smem:$0x3F98];
	s0 =	simm.s32 @p1 $0x1  }
0x15: {  	[smem:$0x3FB5] =	sst s0;
	s0 =	simm.s32 @!p2 $0x0  }
0x16: {  	s3 =	sld [smem:$0x3FDB];
	s0 =	simm.s32 @p2 $0x1  }
0x17: {  	s4 =	simm.s32 $0x1BF5;
	[smem:$0x3FB7] =	sst s0  }
0x18: {  	s0 =	sld [smem:$0x3F9A];
	_ =	swait.ge [sflag:s4], $0x0  }
0x19: {  	s7 =	sld [smem:$0x3F9B]  }
0x1a: {  	s8 =	sadd.s32 $0xFFFFE003, lr  }
0x1b: {  	s9 =	sadd.s32 $0xFFFFFEF7, lr;
	s5 =	simm.s32 $0xFFFFFFFF;
	p2 =	slt.u32 s8, $0xFFFFF086  }
0x1c: {  	p1 =	slt.u32 s9, $0xF7A;
	s5 =	simm.s32 @!p2 $0x0  }
0x1d: {  	s5 =	simm.s32 @p1 $0x1;
	p0 =	seq.s32 s7, s2  }
0x1e: {  	s7 =	smul.u32 @!p0 $0xF7A, s2;
	p2 =	seq.s32 @!p0 s5, $0x0  }
0x1f: {  	s9 =	smul.u32 $0xF7A, s1;
	s8 =	simm.s32 @!p0 $0x1BF5;
	p2 =	por !p2, p0  }
0x20: {  	[sflag:s8] =	ssyncset.s32 @!p0 $0xFFFFF086;
	s6 =	sadd.s32 @!p0 s3, s7;
	s7 =	simm.s32 @!p0 $0x108  }
0x21: {  	s3 =	sadd.s32 s3, s9;
	s6 =	sadd.s32 @!p0 $0x88, s6;
	s7 =	simm.s32 @p2 $0x1082  }
0x22: {  	[simem:s7], [sflag:s8] =	dma.local @!p0 [hbm:s6], $0xF7A  }
0x23: {  	s9 =	sor.u32 $0xD0000000, s2;
	s6 =	simm.s32 $0x108;
	_ =	swait.ge @!p0 [sflag:s8], $0x0  }
0x24: {  	s3 =	sadd.s32 $0x88, s3;
	s6 =	simm.s32 @!p1 $0x1082;
	[sflag:s4] =	ssyncset.s32 $0xFFFFF086  }
0x25: {  	[simem:s6], [sflag:s4] =	dma.local [hbm:s3], $0xF7A  }
0x26: {  	[smem:$0x3F9B] =	sst s1;
	(tag) =	ssettag s2;
	_ =	strace s9  }
0x27: {  	s1 =	sld [smem:$0x3FAB]  }
0x28: {  	s2 =	sld [smem:$0x3FAC]  }
0x29: {  	s4 =	sld [smem:$0x3FAE]  }
0x2a: {  	p0 =	seq.s32 s5, $0x0;
	s5 =	sld [smem:$0x3FAF]  }
0x2b: {  	s6 =	sld [smem:$0x3FB0]  }
0x2c: {  	s7 =	sld [smem:$0x3FB1]  }
0x2d: {  	s3 =	simm.s32 $0x108;
	s8 =	sld [smem:$0x3FB2]  }
0x2e: {  	s3 =	simm.s32 @!p0 $0x1082;
	s9 =	sld [smem:$0x3FB3]  }
0x2f: {  	lr =	sadd.s32 s0, s3;
	s0 =	sld [smem:$0x3FAA]  }
0x30: {  	s3 =	sld [smem:$0x3FAD]  }
0x31: {  	[smem:$0x3FB6] =	sst s10  }
0x32: {  	s10 =	sld [smem:$0x3FB4];
	_ =	sdelay $0x3  }
0x33: {  	p0 =	seq.s32 s10, $0x1;
	s10 =	sld [smem:$0x3FB6];
	_ =	sdelay $0x3  }
0x34: {  	[smem:$0x3FB6] =	sst s10  }
0x35: {  	s10 =	sld [smem:$0x3FB5];
	_ =	sdelay $0x3  }
0x36: {  	p1 =	seq.s32 s10, $0x1;
	s10 =	sld [smem:$0x3FB6];
	_ =	sdelay $0x3  }
0x37: {  	[smem:$0x3FB6] =	sst s10  }
0x38: {  	s10 =	sld [smem:$0x3FB7]  }
0x39: {  	_ = 	snop;
	(pc) =	sbr.ind lr, $3  }
0x3a: {  	_ = 	snop  }
0x3b: {  	_ = 	snop  }
0x3c: {  	p2 =	seq.s32 s10, $0x1;
	s10 =	sld [smem:$0x3FB6]  }
0x3d: {  	_ =	shalt  }
0x3e: {  	_ =	shalt  }
0x3f: {  	_ =	shalt  }
0x40: {  	_ =	shalt  }
0x41: {  	_ =	shalt  }
0x42: {  	_ =	shalt  }
0x43: {  	_ =	shalt  }
0x44: {  	_ =	shalt  }
0x45: {  	_ =	shalt  }
0x46: {  	_ =	shalt  }
0x47: {  	_ =	shalt  }
0x48: {  	_ =	shalt  }
0x49: {  	_ =	shalt  }
0x4a: {  	_ =	shalt  }
0x4b: {  	_ =	shalt  }
0x4c: {  	_ =	shalt  }
0x4d: {  	_ =	shalt  }
0x4e: {  	_ =	shalt  }
0x4f: {  	_ =	shalt  }
0x50: {  	_ =	shalt  }
0x51: {  	_ =	shalt  }
0x52: {  	_ =	shalt  }
0x53: {  	_ =	shalt  }
0x54: {  	_ =	shalt  }
0x55: {  	_ =	shalt  }
0x56: {  	_ =	shalt  }
0x57: {  	_ =	shalt  }
0x58: {  	_ =	shalt  }
0x59: {  	_ =	shalt  }
0x5a: {  	_ =	shalt  }
0x5b: {  	_ =	shalt  }
0x5c: {  	_ =	shalt  }
0x5d: {  	_ =	shalt  }
0x5e: {  	_ =	shalt  }
0x5f: {  	_ =	shalt  }
0x60: {  	_ =	shalt  }
0x61: {  	_ =	shalt  }
0x62: {  	_ =	shalt  }
0x63: {  	_ =	shalt  }
0x64: {  	_ =	shalt  }
0x65: {  	_ =	shalt  }
0x66: {  	_ =	shalt  }
0x67: {  	_ =	shalt  }
0x68: {  	_ =	shalt  }
0x69: {  	_ =	shalt  }
0x6a: {  	_ =	shalt  }
0x6b: {  	_ =	shalt  }
0x6c: {  	_ =	shalt  }
0x6d: {  	_ =	shalt  }
0x6e: {  	_ =	shalt  }
0x6f: {  	_ =	shalt  }
0x70: {  	_ =	shalt  }
0x71: {  	_ =	shalt  }
0x72: {  	_ =	shalt  }
0x73: {  	_ =	shalt  }
0x74: {  	_ =	shalt  }
0x75: {  	_ =	shalt  }
0x76: {  	_ =	shalt  }
0x77: {  	_ =	shalt  }
0x78: {  	_ =	shalt  }
0x79: {  	_ =	shalt  }
0x7a: {  	_ =	shalt  }
0x7b: {  	_ =	shalt  }
0x7c: {  	_ =	shalt  }
0x7d: {  	_ =	shalt  }
0x7e: {  	_ =	shalt  }
0x7f: {  	_ =	shalt  }
0x80: {  	_ =	shalt  }
0x81: {  	_ =	shalt  }
0x82: {  	_ =	shalt  }
0x83: {  	_ =	shalt  }
0x84: {  	_ =	shalt  }
0x85: {  	_ =	shalt  }
0x86: {  	_ =	shalt  }
0x87: {  	_ =	shalt  }
.Lfunc_end0:
.L_simem_size_0:
called_computation.3_lowered:
.L_overlay_start_0:
0x88: {  	s2 =	sld [smem:$0x3FD9]  }
0x89: {  	s3 =	sld [smem:$0x3FFE];
	_ =	sdelay $0x1  }
0x8a: {  	s1 =	srdreg.scid  }
0x8b: {  	s0 =	sand.u32 $0x1, s1  }
0x8c: {  	s17 =	sshll.u32 s0, $0xA;
	s2 =	sadd.s32 s3, s2  }
0x8d: {  	s2 =	sadd.s32 s2, s17  }
0x8e: {  	[smem:$0x3FC2] =	sst s2  }
0x8f: {  	_ = 	snop  }
0x90: {  	s18 =	sld [smem:$0x3FC7];
	(tm) =	ssettm $0x1  }
0x91: {  	s19 =	sld [smem:$0x3FFB];
	_ =	sdelay $0x3  }
0x92: {  	_ =	strace s19  }
0x93: {  	s2 =	sld [smem:$0x3FFC];
	_ =	sdelay $0x3  }
0x94: {  	_ =	strace s2  }
0x95: {  	s2 =	sld [smem:$0x3FFD];
	_ =	sdelay $0x3  }
0x96: {  	_ =	strace s2  }
0x97: {  	_ =	strace $0x8FFFFFFF  }
0x98: {  	s20 =	sld [smem:$0x3FDB];
	_ =	sdelay $0x1  }
0x99: {  	s4 =	simm.s32 $_scs_section_size  }
0x9a: {  	s5 =	simm.s32 $_size__tile_overlayer_lowered;
	s6 =	simm.s32 $_tile_overlayer_lowered  }
0x9b: {  	s7 =	simm.s32 $0x1BFF;
	s21 =	sshll.u32 s6, $0x1;
	s4 =	sadd.s32 s4, s20  }
0x9c: {  	s22 =	simm.s32 $0x0;
	s5 =	sshll.u32 s5, $0x1;
	s6 =	sadd.s32 s21, s4  }
0x9d: {  	[timem:s22], [sflag:s7] =	dma.local [hbm:s6], s5  }
0x9e: {  	_ =	swait.ge [sflag:s7], s5  }
0x9f: {  	s5 =	ssub.s32 $0x0, s5;
	[sflag:s7] =	ssyncset.done $0x0  }
0xa0: {  	[sflag:s7] =	ssyncadd.s32 s5;
	_ =	sdelay $0x1  }
0xa1: {  	s23 =	simm.s32 $0x1B8B  }
0xa2: {  	_ =	swait.ge [sflag:s23], $0x1  }
0xa3: {  	[sflag:s23] =	ssyncset.done $0x0  }
0xa4: {  	[sflag:s23] =	ssyncadd.s32 $0xFFFFFFFF  }
0xa5: {  	s5 =	sld [smem:$0x0]  }
0xa6: {  	s6 =	sand.u32 $0xFFFFFFFE, s1  }
0xa7: {  	p0 =	sne.s32 s1, s6  }
0xa8: {  	s6 =	sshll.u32 @p0 s6, $0xE  }
0xa9: {  	s6 =	sadd.s32 @p0 $0x11B8D, s6;
	s7 =	sshll.u32 @p0 s5, $0x11  }
0xaa: {  	s6 =	sor.u32 @p0 s7, s6  }
0xab: {  	[sflag:s6] =	ssyncadd.remote.s32 @p0 $0x1;
	_ =	sdelay $0x1  }
0xac: {  	s6 =	simm.s32 @p0 $0x1B8D  }
0xad: {  	_ =	swait.eq @p0 [sflag:s6], $0x1  }
0xae: {  	[sflag:s6] =	ssyncadd.s32 @p0 $0xFFFFFFFF  }
0xaf: {  	s7 =	sshll.u32 @!p0 s1, $0xE  }
0xb0: {  	s7 =	sor.u32 @!p0 $0x4000, s7;
	s6 =	simm.s32 @!p0 $0x1B8D  }
0xb1: {  	s5 =	sshll.u32 @!p0 s5, $0x11;
	s7 =	sadd.s32 @!p0 $0x11B8D, s7;
	_ =	swait.eq @!p0 [sflag:s6], $0x1  }
0xb2: {  	s5 =	sor.u32 @!p0 s5, s7;
	[sflag:s6] =	ssyncadd.s32 @!p0 $0xFFFFFFFF  }
0xb3: {  	s25 =	simm.s32 $0x1B8E;
	s24 =	sld [smem:$0x3FFE];
	[sflag:s5] =	ssyncadd.remote.s32 @!p0 $0x1  }
0xb4: {  	s26 =	simm.s32 $execute0_lowered;
	[smem:$0x3FD2] =	sst s25  }
0xb5: {  	s6 =	sshll.u32 s26, $0x1;
	_ =	strace $0x8000004F;
	[dreg:$0x1] =	wrdreg $0xFFFFFFFF  }
0xb6: {  	s28 =	simm.s32 $_size_execute0_lowered;
	s4 =	sadd.s32 s4, s6;
	[dreg:$0x0] =	wrdreg $0x0  }
0xb7: {  	s6 =	sshll.u32 s28, $0x1;
	[dreg:$0x2] =	wrdreg s4  }
0xb8: {  	[dreg:$0x3] =	wrdreg s6  }
0xb9: {  	[dreg:$0x4] =	wrdreg $0xC0  }
0xba: {  	_ =	task [dreg:s22], $0x5FFFF  }
0xbb: {  	[dreg:$0x1] =	wrdreg $0xFFFFFFFF  }
0xbc: {  	[dreg:$0x0] =	wrdreg $0x60  }
0xbd: {  	[dreg:$0x2] =	wrdreg s24  }
0xbe: {  	[dreg:$0x3] =	wrdreg s18  }
0xbf: {  	[dreg:$0x4] =	wrdreg $0xC  }
0xc0: {  	_ =	task.clear_ibuf [dreg:s22], $0x5FFFF;
	_ =	strace $0x9000004F  }
0xc1: {  	s29 =	simm.s32 $0xC;
	_ =	strace $0x80000051  }
0xc2: {  	_ =	swait.ge [sflag:s29], $0x1  }
0xc3: {  	[sflag:s29] =	ssyncadd.s32 $0xFFFFFFFF  }
0xc4: {  	_ =	strace $0x90000051  }
0xc5: {  	_ =	sfence  }
0xc6: {  	s30 =	sld [smem:$0x0];
	_ =	sdelay $0x2  }
0xc7: {  	s31 =	sshll.u32 s1, $0xD;
	s1 =	sshrl.u32 s1, $0x2  }
0xc8: {  	s4 =	sand.u32 $0x4000, s31;
	s1 =	sadd.s32 s1, s30  }
0xc9: {  	s0 =	sor.u32 s4, s0;
	s1 =	sshll.u32 s1, $0x11  }
0xca: {  	s0 =	sor.u32 s1, s0  }
0xcb: {  	s0 =	sadd.s32 $0x8F2B, s0  }
0xcc: {  	[sflag:s0] =	ssyncadd.remote.s32 $0x1  }
0xcd: {  	_ =	sfence.sel $0xFFFF  }
0xce: {  	[dreg:$0x0] =	wrdreg $0xFFFFFFFF;
	(pc) =	sbr.abs _section_cstart, $3  }
0xcf: {  	[dreg:$0x1] =	wrdreg $0xFFFFFFFF  }
0xd0: {  	_ =	task.clear_ibuf [dreg:s22], $0x2FFFF;
	_ =	strace $0x9FFFFFFF  }
0xd1: {  	(tm) =	ssettm $0x7FFFFFFF  }
tec
execute0_lowered:
.L_overlay_start_1:
0x0: {  	(tag) =	ssettag $0x1  }
0x1: {  	s1 =	srdreg.scid;
	s19 =	rddreg [dreg:$0x0]  }
0x2: {  	s0 =	stileid.u32;
	s2 =	rddreg [dreg:$0x1];
	s25 =	simm.s32 $0x80  }
0x3: {  	s26 =	simm.s32 $0x100;
	s9 =	simm.s32 $0x2A00;
	s5 =	sand.u32 $0x1, s1  }
0x4: {  	s10 =	simm.s32 $0x3200;
	s3 =	sshll.u32 s0, $0x6;
	s4 =	sshll.u32 s5, $0x5  }
0x5: {  	s11 =	simm.s32 $0x3A00;
	s4 =	sor.u32 s4, s3;
	s3 =	simm.s32 $0x0  }
0x6: {  	s12 =	simm.s32 $0x8A00;
	s13 =	simm.s32 $0x9200;
	[smem:$0x7FF] =	sst s3  }
0x7: {  	s15 =	simm.s32 $0x9A00;
	_ =	strace $0x80000050;
	[dreg:$0xa] =	wrdreg s25  }
0x8: {  	s16 =	simm.s32 $0xA200;
	s0 =	simm.s32 $0xA00;
	[dreg:$0xb] =	wrdreg s26  }
0x9: {  	s17 =	simm.s32 $0xAA00;
	s18 =	simm.s32 $0xB200;
	[dreg:$0xc] =	wrdreg s0  }
0xa: {  	s28 =	simm.s32 $0x4;
	s29 =	simm.s32 $0x5;
	[dreg:$0x10] =	wrdreg s9  }
0xb: {  	s30 =	simm.s32 $0x7;
	s31 =	simm.s32 $0x6;
	[dreg:$0x11] =	wrdreg s10  }
0xc: {  	s8 =	sadd.s32 $0x2C5C00, s19;
	s21 =	sadd.s32 $0x2E5C00, s19;
	[dreg:$0x12] =	wrdreg s11  }
0xd: {  	s1 =	simm.s32 $0x8;
	s5 =	ssub.s32 $0x2, s5;
	[dreg:$0x13] =	wrdreg s12  }
0xe: {  	s14 =	sshrl.u32 s5, $0x1;
	s6 =	sshrl.u32 s4, $0x3;
	[dreg:$0x14] =	wrdreg s13  }
0xf: {  	s4 =	sshll.u32 s4, $0x7;
	s6 =	sadd.s32 s6, s19;
	[dreg:$0x15] =	wrdreg s15  }
0x10: {  	s22 =	sadd.s32 s8, s4;
	s23 =	sadd.s32 s21, s4;
	[dreg:$0x16] =	wrdreg s16  }
0x11: {  	s4 =	sor.u32 $0x800, s4;
	s11 =	ssub.s32 s5, s14;
	[dreg:$0x17] =	wrdreg s17  }
0x12: {  	s5 =	sadd.s32 $0x4D00, s19;
	[dreg:$0x18] =	wrdreg s18;
	s9 =	sadd.s32 $0x200, s2  }
0x13: {  	s10 =	sadd.s32 $0x300, s2;
	s12 =	simm.s32 $0x9;
	[dreg:$0x6] =	wrdreg s22  }
0x14: {  	s13 =	simm.s32 $0x200;
	s25 =	simm.s32 $0x7200;
	[dreg:$0x7] =	wrdreg s23  }
0x15: {  	s14 =	simm.s32 $0x8200;
	s26 =	simm.s32 $0x7A00;
	[dreg:$0x1f] =	wrdreg s25  }
0x16: {  	s15 =	simm.s32 $0x4200;
	s7 =	sadd.s32 $0x4A00, s6;
	[smem:$0x7FD] =	sst s26  }
0x17: {  	s16 =	simm.s32 $0xC200;
	s20 =	sadd.s32 $0x205800, s6;
	[dreg:$0x3] =	wrdreg s7  }
0x18: {  	s18 =	simm.s32 $0xD200;
	s6 =	sadd.s32 $0x205A00, s6;
	[dreg:$0x4] =	wrdreg s20  }
0x19: {  	s24 =	sadd.s32 s8, s4;
	s4 =	sadd.s32 s21, s4;
	[dreg:$0x5] =	wrdreg s6  }
0x1a: {  	s8 =	simm.s32 $0x2200;
	s21 =	simm.s32 $0x5200;
	[dreg:$0x8] =	wrdreg s24  }
0x1b: {  	s22 =	simm.s32 $0x5A00;
	s11 =	smax.u32 s11, $0x1;
	[dreg:$0x9] =	wrdreg s4  }
0x1c: {  	s23 =	simm.s32 $0x6200;
	s25 =	simm.s32 $0x3;
	[dreg:$0xf] =	wrdreg s8  }
0x1d: {  	s26 =	simm.s32 $0x2;
	s6 =	simm.s32 $0x1200;
	[dreg:$0x1b] =	wrdreg s21  }
0x1e: {  	s7 =	simm.s32 $0x1A00;
	s4 =	sadd.s32 $0x4C00, s19;
	[dreg:$0x1c] =	wrdreg s22  }
0x1f: {  	s8 =	sadd.s32 $0x100, s2;
	s20 =	simm.s32 $0x4A00;
	[dreg:$0x1d] =	wrdreg s23  }
0x20: {  	s24 =	simm.s32 $0x6A00;
	s21 =	simm.s32 $0xEA00;
	[dreg:$0xd] =	wrdreg s6  }
0x21: {  	s22 =	simm.s32 $0xF200;
	s23 =	simm.s32 $0xFA00;
	[dreg:$0xe] =	wrdreg s7  }
0x22: {  	v2 =	vlaneseq.u32;
	s6 =	sadd.s32 $0x4E00, s19;
	s7 =	sadd.s32 $0x4F00, s19;
	[dreg:$0x1a] =	wrdreg s20  }
0x23: {  	vm0 =	vmmov $0xffff;
	v1 =	vshrl.u32 v2, $0x3;
	s19 =	simm.s32 $0xBA00;
	[dreg:$0x1e] =	wrdreg s24;
	s20 =	simm.s32 $0xE200  }
0x24: {  	v0 =	vand.u32 $0x7, v2;
	v2 =	vor.u32 $0x8, v2;
	v1 =	vmul.u32 $0x8, v1;
	s24 =	simm.s32 $0x1;
	[dreg:$0x19] =	wrdreg s19;
	s19 =	simm.s32 $0xDA00  }
.LBB2_1:
0x25: {  	s0 =	rddreg [dreg:$0x3]  }
0x26: {  	[tilespmem:s3], [sflag:$0x9] =	stream.linear.gather [hbm4b:s0+s3], $0x20, $0x38;
	[tilespmem:$0x10200] =	vst v63  }
0x27: {  	_ =	swait.ge [sflag:s12], $0x20  }
0x28: {  	s0 =	rddreg [dreg:$0x4];
	[sflag:s12] =	ssyncset.done $0x0  }
0x29: {  	s17 =	rddreg [dreg:$0xa];
	[sflag:s12] =	ssyncadd.s32 $0xFFFFFFE0  }
0x2a: {  	[tilespmem:s17], [sflag:$0x9] =	stream.linear.gather [hbm4b:s0+s3], $0x20, $0x38;
	[tilespmem:$0x10200] =	vst v63  }
0x2b: {  	_ =	swait.ge [sflag:s12], $0x20  }
0x2c: {  	s0 =	rddreg [dreg:$0x5];
	[sflag:s12] =	ssyncset.done $0x0  }
0x2d: {  	s17 =	rddreg [dreg:$0xb];
	[sflag:s12] =	ssyncadd.s32 $0xFFFFFFE0  }
0x2e: {  	[tilespmem:s17], [sflag:$0x9] =	stream.linear.gather [hbm4b:s0+s3], $0x20, $0x38;
	[tilespmem:$0x10200] =	vst v63  }
0x2f: {  	_ =	swait.ge [sflag:s12], $0x20  }
0x30: {  	[sflag:s12] =	ssyncset.done $0x0  }
0x31: {  	[sflag:s12] =	ssyncadd.s32 $0xFFFFFFE0  }
0x32: {  	v3 =	vld [tilespmem:$0x0]  }
0x33: {  	v4 =	vld [tilespmem:$0x80];
	_ =	sdelay $0x3  }
0x34: {  	v3 =	vshll.u32 v3, $0xB  }
0x35: {  	v3 =	vadd.s32 v4, v3  }
0x36: {  	v5 =	vshll.u32 v3, $0x3  }
0x37: {  	v4 =	vand.u32 $0x7, v4;
	v5 =	vand.u32 $0xFFFFFFC0, v5  }
0x38: {  	v6 =	vld [tilespmem:$0x10];
	v4 =	vor.u32 v4, v5  }
0x39: {  	v60 =	vld [tilespmem:$0x90];
	v7 =	vperm.xlane v4, v0;
	_ =	sdelay $0x1  }
0x3a: {  	v7 =	vadd.s32 v1, v7;
	_ =	sdelay $0x1  }
0x3b: {  	v6 =	vshll.u32 v6, $0xB  }
0x3c: {  	[tilespmem:$0x180] =	vst v3;
	v3 =	vadd.s32 v60, v6  }
0x3d: {  	[tilespmem:$0x190] =	vst v3  }
0x3e: {  	[tilespmem:s13], [sflag:$0x1] =	stream.indirect_vreg.gather [hbm4b:s4+s3], $0x80, v7, vm0, $0xb8;
	[tilespmem:$0x10200] =	vst v63  }
0x3f: {  	s0 =	rddreg [dreg:$0xc];
	v3 =	vperm.xlane v4, v2  }
0x40: {  	[tilespmem:s0], [sflag:$0x1] =	stream.indirect_vreg.gather [hbm4b:s5+s3], $0x80, v7, vm0, $0xb8;
	[tilespmem:$0x10200] =	vst v63  }
0x41: {  	s17 =	rddreg [dreg:$0xd];
	v3 =	vadd.s32 v1, v3  }
0x42: {  	[tilespmem:s17], [sflag:$0x1] =	stream.indirect_vreg.gather [hbm4b:s6+s3], $0x80, v7, vm0, $0xb8;
	[tilespmem:$0x10200] =	vst v63  }
0x43: {  	s0 =	rddreg [dreg:$0xe]  }
0x44: {  	[tilespmem:s0], [sflag:$0x1] =	stream.indirect_vreg.gather [hbm4b:s7+s3], $0x80, v7, vm0, $0xb8;
	[tilespmem:$0x10200] =	vst v63  }
0x45: {  	s17 =	rddreg [dreg:$0xf]  }
0x46: {  	[tilespmem:s17], [sflag:$0x1] =	stream.indirect_vreg.gather [hbm4b:s4+s3], $0x80, v3, vm0, $0xb8;
	[tilespmem:$0x10200] =	vst v63  }
0x47: {  	s0 =	rddreg [dreg:$0x10]  }
0x48: {  	[tilespmem:s0], [sflag:$0x1] =	stream.indirect_vreg.gather [hbm4b:s5+s3], $0x80, v3, vm0, $0xb8;
	[tilespmem:$0x10200] =	vst v63  }
0x49: {  	s17 =	rddreg [dreg:$0x11]  }
0x4a: {  	[tilespmem:s17], [sflag:$0x1] =	stream.indirect_vreg.gather [hbm4b:s6+s3], $0x80, v3, vm0, $0xb8;
	[tilespmem:$0x10200] =	vst v63  }
0x4b: {  	s0 =	rddreg [dreg:$0x12]  }
0x4c: {  	[tilespmem:s0], [sflag:$0x1] =	stream.indirect_vreg.gather [hbm4b:s7+s3], $0x80, v3, vm0, $0xb8;
	[tilespmem:$0x10200] =	vst v63  }
0x4d: {  	v3 =	vld [tilespmem:$0x100];
	_ =	sdelay $0x4  }
0x4e: {  	v61 =	vshll.u32 v3, $0x3  }
0x4f: {  	v3 =	vand.u32 $0x7, v3;
	v4 =	vand.u32 $0xFFFFFFC0, v61  }
0x50: {  	v3 =	vor.u32 v3, v4  }
0x51: {  	v4 =	vperm.xlane v3, v0;
	_ =	sdelay $0x1  }
0x52: {  	v4 =	vadd.s32 v1, v4;
	_ =	sdelay $0x4  }
0x53: {  	[tilespmem:s14], [sflag:$0x3] =	stream.indirect_vreg.gather [hbm4b:s2+s3], $0x80, v4, vm0, $0xb8;
	[tilespmem:$0x10200] =	vst v63  }
0x54: {  	s0 =	rddreg [dreg:$0x13];
	v3 =	vperm.xlane v3, v2  }
0x55: {  	[tilespmem:s0], [sflag:$0x3] =	stream.indirect_vreg.gather [hbm4b:s8+s3], $0x80, v4, vm0, $0xb8;
	[tilespmem:$0x10200] =	vst v63  }
0x56: {  	s17 =	rddreg [dreg:$0x14];
	v3 =	vadd.s32 v1, v3  }
0x57: {  	[tilespmem:s17], [sflag:$0x3] =	stream.indirect_vreg.gather [hbm4b:s9+s3], $0x80, v4, vm0, $0xb8;
	[tilespmem:$0x10200] =	vst v63  }
0x58: {  	s0 =	rddreg [dreg:$0x15]  }
0x59: {  	[tilespmem:s0], [sflag:$0x3] =	stream.indirect_vreg.gather [hbm4b:s10+s3], $0x80, v4, vm0, $0xb8;
	[tilespmem:$0x10200] =	vst v63  }
0x5a: {  	s17 =	rddreg [dreg:$0x16]  }
0x5b: {  	[tilespmem:s17], [sflag:$0x3] =	stream.indirect_vreg.gather [hbm4b:s2+s3], $0x80, v3, vm0, $0xb8;
	[tilespmem:$0x10200] =	vst v63  }
0x5c: {  	s0 =	rddreg [dreg:$0x17]  }
0x5d: {  	[tilespmem:s0], [sflag:$0x3] =	stream.indirect_vreg.gather [hbm4b:s8+s3], $0x80, v3, vm0, $0xb8;
	[tilespmem:$0x10200] =	vst v63  }
0x5e: {  	s17 =	rddreg [dreg:$0x18]  }
0x5f: {  	[tilespmem:s17], [sflag:$0x3] =	stream.indirect_vreg.gather [hbm4b:s9+s3], $0x80, v3, vm0, $0xb8;
	[tilespmem:$0x10200] =	vst v63  }
0x60: {  	s0 =	rddreg [dreg:$0x19]  }
0x61: {  	[tilespmem:s0], [sflag:$0x3] =	stream.indirect_vreg.gather [hbm4b:s10+s3], $0x80, v3, vm0, $0xb8;
	[tilespmem:$0x10200] =	vst v63  }
0x62: {  	v3 =	vld [tilespmem:$0x190];
	_ =	sdelay $0x4  }
0x63: {  	v62 =	vshll.u32 v3, $0x3  }
0x64: {  	v3 =	vand.u32 $0x7, v3;
	v4 =	vand.u32 $0xFFFFFFC0, v62  }
0x65: {  	v3 =	vor.u32 v3, v4  }
0x66: {  	v4 =	vperm.xlane v3, v0;
	_ =	sdelay $0x1  }
0x67: {  	v4 =	vadd.s32 v1, v4;
	_ =	sdelay $0x3  }
0x68: {  	s17 =	rddreg [dreg:$0x1b]  }
0x69: {  	[tilespmem:s15], [sflag:$0x2] =	stream.indirect_vreg.gather [hbm4b:s4+s3], $0x80, v4, vm0, $0xb8;
	[tilespmem:$0x10200] =	vst v63  }
0x6a: {  	s0 =	rddreg [dreg:$0x1a];
	v3 =	vperm.xlane v3, v2  }
0x6b: {  	[tilespmem:s0], [sflag:$0x2] =	stream.indirect_vreg.gather [hbm4b:s5+s3], $0x80, v4, vm0, $0xb8;
	[tilespmem:$0x10200] =	vst v63  }
0x6c: {  	v3 =	vadd.s32 v1, v3;
	s0 =	rddreg [dreg:$0x1c]  }
0x6d: {  	[tilespmem:s17], [sflag:$0x2] =	stream.indirect_vreg.gather [hbm4b:s6+s3], $0x80, v4, vm0, $0xb8;
	[tilespmem:$0x10200] =	vst v63  }
0x6e: {  	s17 =	rddreg [dreg:$0x1d]  }
0x6f: {  	[tilespmem:s0], [sflag:$0x2] =	stream.indirect_vreg.gather [hbm4b:s7+s3], $0x80, v4, vm0, $0xb8;
	[tilespmem:$0x10200] =	vst v63  }
0x70: {  	s0 =	rddreg [dreg:$0x1e]  }
0x71: {  	[tilespmem:s17], [sflag:$0x2] =	stream.indirect_vreg.gather [hbm4b:s4+s3], $0x80, v3, vm0, $0xb8;
	[tilespmem:$0x10200] =	vst v63  }
0x72: {  	s17 =	rddreg [dreg:$0x1f]  }
0x73: {  	[tilespmem:s0], [sflag:$0x2] =	stream.indirect_vreg.gather [hbm4b:s5+s3], $0x80, v3, vm0, $0xb8;
	[tilespmem:$0x10200] =	vst v63  }
0x74: {  	s0 =	sld [smem:$0x7FD]  }
0x75: {  	[tilespmem:s17], [sflag:$0x2] =	stream.indirect_vreg.gather [hbm4b:s6+s3], $0x80, v3, vm0, $0xb8;
	[tilespmem:$0x10200] =	vst v63  }
0x76: {  	_ = 	snop  }
0x77: {  	[tilespmem:s0], [sflag:$0x2] =	stream.indirect_vreg.gather [hbm4b:s7+s3], $0x80, v3, vm0, $0xb8;
	[tilespmem:$0x10200] =	vst v63  }
0x78: {  	v3 =	vld [tilespmem:$0x110];
	_ =	sdelay $0x4  }
0x79: {  	v63 =	vshll.u32 v3, $0x3  }
0x7a: {  	v3 =	vand.u32 $0x7, v3;
	v4 =	vand.u32 $0xFFFFFFC0, v63  }
0x7b: {  	v3 =	vor.u32 v3, v4  }
0x7c: {  	v4 =	vperm.xlane v3, v0;
	_ =	sdelay $0x1  }
0x7d: {  	v4 =	vadd.s32 v1, v4;
	_ =	sdelay $0x4  }
0x7e: {  	[tilespmem:s16], [sflag:$0x4] =	stream.indirect_vreg.gather [hbm4b:s2+s3], $0x80, v4, vm0, $0xb8;
	[tilespmem:$0x10200] =	vst v63  }
0x7f: {  	s17 =	simm.s32 $0xCA00;
	v3 =	vperm.xlane v3, v2  }
0x80: {  	[tilespmem:s17], [sflag:$0x4] =	stream.indirect_vreg.gather [hbm4b:s8+s3], $0x80, v4, vm0, $0xb8;
	[tilespmem:$0x10200] =	vst v63  }
0x81: {  	v3 =	vadd.s32 v1, v3  }
0x82: {  	[tilespmem:s18], [sflag:$0x4] =	stream.indirect_vreg.gather [hbm4b:s9+s3], $0x80, v4, vm0, $0xb8;
	[tilespmem:$0x10200] =	vst v63  }
0x83: {  	_ = 	snop  }
0x84: {  	[tilespmem:s19], [sflag:$0x4] =	stream.indirect_vreg.gather [hbm4b:s10+s3], $0x80, v4, vm0, $0xb8;
	[tilespmem:$0x10200] =	vst v63  }
0x85: {  	_ = 	snop  }
0x86: {  	[tilespmem:s20], [sflag:$0x4] =	stream.indirect_vreg.gather [hbm4b:s2+s3], $0x80, v3, vm0, $0xb8;
	[tilespmem:$0x10200] =	vst v63  }
0x87: {  	_ = 	snop  }
0x88: {  	[tilespmem:s21], [sflag:$0x4] =	stream.indirect_vreg.gather [hbm4b:s8+s3], $0x80, v3, vm0, $0xb8;
	[tilespmem:$0x10200] =	vst v63  }
0x89: {  	_ = 	snop  }
0x8a: {  	[tilespmem:s22], [sflag:$0x4] =	stream.indirect_vreg.gather [hbm4b:s9+s3], $0x80, v3, vm0, $0xb8;
	[tilespmem:$0x10200] =	vst v63  }
0x8b: {  	_ = 	snop  }
0x8c: {  	[tilespmem:s23], [sflag:$0x4] =	stream.indirect_vreg.gather [hbm4b:s10+s3], $0x80, v3, vm0, $0xb8;
	[tilespmem:$0x10200] =	vst v63  }
0x8d: {  	_ =	swait.ge [sflag:s24], $0x4000  }
0x8e: {  	[sflag:s24] =	ssyncset.done $0x0  }
0x8f: {  	[sflag:s24] =	ssyncadd.s32 $0xFFFFC000  }
0x90: {  	_ =	swait.ge [sflag:s25], $0x4000  }
0x91: {  	[sflag:s25] =	ssyncset.done $0x0  }
0x92: {  	s0 =	rddreg [dreg:$0x6];
	[sflag:s25] =	ssyncadd.s32 $0xFFFFC000  }
0x93: {  	[hbm4b:s0+s3] =	stream.linear.scatter [tilespmem:s13], [sflag:$0x5], $0x4000, $0x38;
	[tilespmem:$0x10200] =	vst v63  }
0x94: {  	s17 =	rddreg [dreg:$0x7]  }
0x95: {  	[hbm4b:s17+s3] =	stream.linear.scatter [tilespmem:s14], [sflag:$0x7], $0x4000, $0x38;
	[tilespmem:$0x10200] =	vst v63  }
0x96: {  	_ =	swait.ge [sflag:s26], $0x4000  }
0x97: {  	[sflag:s26] =	ssyncset.done $0x0  }
0x98: {  	[sflag:s26] =	ssyncadd.s32 $0xFFFFC000  }
0x99: {  	_ =	swait.ge [sflag:s28], $0x4000  }
0x9a: {  	[sflag:s28] =	ssyncset.done $0x0  }
0x9b: {  	s0 =	rddreg [dreg:$0x8];
	[sflag:s28] =	ssyncadd.s32 $0xFFFFC000  }
0x9c: {  	[hbm4b:s0+s3] =	stream.linear.scatter [tilespmem:s15], [sflag:$0x6], $0x4000, $0x38;
	[tilespmem:$0x10200] =	vst v63  }
0x9d: {  	s17 =	rddreg [dreg:$0x9]  }
0x9e: {  	[hbm4b:s17+s3] =	stream.linear.scatter [tilespmem:s16], [sflag:$0x8], $0x4000, $0x38;
	[tilespmem:$0x10200] =	vst v63  }
0x9f: {  	_ =	swait.ge [sflag:s29], $0x4000  }
0xa0: {  	[sflag:s29] =	ssyncset.done $0x0  }
0xa1: {  	[sflag:s29] =	ssyncadd.s32 $0xFFFFC000  }
0xa2: {  	_ =	swait.ge [sflag:s30], $0x4000  }
0xa3: {  	[sflag:s30] =	ssyncset.done $0x0  }
0xa4: {  	[sflag:s30] =	ssyncadd.s32 $0xFFFFC000  }
0xa5: {  	p0 =	sne.s32 s11, $0x1;
	_ =	swait.ge [sflag:s31], $0x4000  }
.Ltmp0:
0xa6: {  	[sflag:s31] =	ssyncset.done $0x0;
	(pc) =	sbr.rel @p0 .LBB2_1-.Ltmp0, $4  }
0xa7: {  	[sflag:s31] =	ssyncadd.s32 $0xFFFFC000  }
0xa8: {  	_ =	swait.ge [sflag:s1], $0x4000  }
0xa9: {  	[sflag:s1] =	ssyncset.done $0x0  }
0xaa: {  	s11 =	sadd.s32 $0xFFFFFFFF, s11;
	[sflag:s1] =	ssyncadd.s32 $0xFFFFC000  }
0xab: {  	_ =	sfence.sel $0x180000  }
0xac: {  	[bflag:$0x0] =	sbarrier.arrive $0xFFFF  }
0xad: {  	_ =	strace $0x90000050  }
0xae: {  	s0 =	stileid.u32;
	[bflag:$0x2] =	sbarrier.arrive $0xFFFF  }
0xaf: {  	p0 =	sne.s32 s0, $0x0;
	s0 =	rddreg [dreg:$0x2]  }
0xb0: {  	s0 =	sadd.s32 @!p0 $0x100000, s0  }
0xb1: {  	[sflag:s0] =	ssyncadd.tile.s32 @!p0 $0x1;
	_ =	shalt  }
.Lfunc_end2:
_tile_overlayer_lowered:
.L_overlay_start_2:
0xb2: {  	(tag) =	ssettag $0x2  }
0xb3: {  	s0 =	rddreg [dreg:$0x0];
	s2 =	stileid.u32  }
0xb4: {  	s1 =	rddreg [dreg:$0x1];
	p0 =	sne.s32 s2, $0x0  }
0xb5: {  	s3 =	rddreg [dreg:$0x2];
	[bflag:$0x3] =	sbarrier.arrive $0xFFFF;
	s2 =	simm.s32 @!p0 $0x1C09  }
0xb6: {  	[timem:s3], [sflag:s2] =	dma.local @!p0 [hbm:s0], s1  }
0xb7: {  	s0 =	simm.s32 @!p0 $0x9  }
0xb8: {  	_ =	swait.ge @!p0 [sflag:s0], s1  }
0xb9: {  	s1 =	ssub.s32 @!p0 $0x0, s1;
	[sflag:s0] =	ssyncset.done @!p0 $0x0  }
0xba: {  	[sflag:s0] =	ssyncadd.s32 @!p0 s1  }
0xbb: {  	[bflag:$0x3] =	sbarrier.arrive $0xFFFF  }
0xbc: {  	_ =	shalt  }

</sc_bundles>
